<compile_context>
chip_gen: v7x
topology: tpu7x:2x2x1
jax: 0.10.2.dev20260603
libtpu: 0.0.44.dev20260713+nightly
codegen_flags: <defaults>
</compile_context>

<pallas_src>
import dataclasses
import functools

import jax
import jax.numpy as jnp
from jax import lax
from jax.experimental import pallas as pl
from jax.experimental.pallas import tpu as pltpu
from jax.experimental.pallas import tpu_sc as plsc

N = 10000
E = 320000
D = 128
H = 8
DH = D // H
ACC_W = D + DH

KV_W = D // 2 + D

NC = 2
NS = 16
NW = NC * NS
C = 40
EPT = E // NW
CPT = EPT // C
ROWS_PER_TILE = N // NS
ZERO_STEP = 25
OUT_STEP = 125


def _project_kv(kv, W_k, b_k, W_v, b_v):
    BR = 1000

    def body(x_ref, wk_ref, bk_ref, wv_ref, bv_ref, o_ref):
        x = x_ref[...]
        k = lax.dot_general(x, wk_ref[...], (((1,), (1,)), ((), ())),
                            preferred_element_type=jnp.float32)
        v = lax.dot_general(x, wv_ref[...], (((1,), (1,)), ((), ())),
                            preferred_element_type=jnp.float32)
        o_ref[...] = jnp.concatenate(
            [(k + bk_ref[...]) * (1.0 / (DH ** 0.5)), v + bv_ref[...]], axis=1)

    return pl.pallas_call(
        body,
        grid=(N // BR,),
        in_specs=[pl.BlockSpec((BR, D), lambda i: (i, 0)),
                  pl.BlockSpec((D, D), lambda i: (0, 0)),
                  pl.BlockSpec((1, D), lambda i: (0, 0)),
                  pl.BlockSpec((D, D), lambda i: (0, 0)),
                  pl.BlockSpec((1, D), lambda i: (0, 0))],
        out_specs=pl.BlockSpec((BR, 2 * D), lambda i: (i, 0)),
        out_shape=jax.ShapeDtypeStruct((N, 2 * D), jnp.float32),
    )(kv, W_k, b_k.reshape(1, D), W_v, b_v.reshape(1, D))


def _sc_attention(q_tab, kv_tab, edge_index):
    mesh = plsc.VectorSubcoreMesh(core_axis_name="c", subcore_axis_name="s")
    cp = pltpu.CompilerParams()
    if "needs_layout_passes" in pltpu.CompilerParams.__dataclass_fields__:
        cp = dataclasses.replace(cp, needs_layout_passes=False)
    if "use_tc_tiling_on_sc" in pltpu.CompilerParams.__dataclass_fields__:
        cp = dataclasses.replace(cp, use_tc_tiling_on_sc=False)

    @functools.partial(
        pl.kernel,
        out_type=jax.ShapeDtypeStruct((NC, N, ACC_W), jnp.float32),
        mesh=mesh,
        compiler_params=cp,
        scratch_types=[
            pltpu.VMEM((2, C), jnp.int32),
            pltpu.VMEM((2, C), jnp.int32),
            pltpu.VMEM((C, KV_W), jnp.float32),
            pltpu.VMEM((C, KV_W), jnp.float32),
            pltpu.VMEM((C, D // 2), jnp.float32),
            pltpu.VMEM((C, D // 2), jnp.float32),
            pltpu.VMEM((C, ACC_W), jnp.float32),
            pltpu.VMEM((1, C), jnp.int32),
            pltpu.VMEM((1, C), jnp.int32),
            pltpu.VMEM_SHARED((N, ACC_W), jnp.float32),
            pltpu.SemaphoreType.DMA,
            pltpu.SemaphoreType.DMA,
            pltpu.SemaphoreType.DMA,
            pltpu.SemaphoreType.DMA,
            pltpu.SemaphoreType.DMA,
            pltpu.SemaphoreType.DMA,
            pltpu.SemaphoreType.DMA,
            pltpu.SemaphoreType.DMA,
            pltpu.SemaphoreType.DMA,
        ],
    )
    def sc_kernel(q_hbm, kv_hbm, ei_hbm, out_hbm, idx0, idx1, kvb0, kvb1,
                  qb0, qb1, mb, sd0, sd1, acc, semI0, semI1, semG0, semG1,
                  semQ0, semQ1, semD0, semD1, semS):
        cid = lax.axis_index("c")
        sid = lax.axis_index("s")
        wid = cid * NS + sid
        lane = lax.iota(jnp.int32, 16)
        dnums = lax.GatherDimensionNumbers(
            offset_dims=(), collapsed_slice_dims=(0,), start_index_map=(0,))
        perms = [jnp.bitwise_xor(lane, s)[:, None] for s in (8, 4, 2, 1)]

        def _dot_splat(x):
            for p in perms:
                x = x + lax.gather(x, p, dnums, (1,),
                                   mode=lax.GatherScatterMode.PROMISE_IN_BOUNDS)
            return x

        @pl.loop(0, ZERO_STEP)
        def _(r):
            @pl.loop(0, ACC_W, step=DH)
            def _(cc):
                mb[r, pl.ds(cc, DH)] = jnp.zeros((DH,), jnp.float32)

        row0 = sid * ROWS_PER_TILE

        @pl.loop(0, ROWS_PER_TILE, step=ZERO_STEP)
        def _(r):
            pltpu.sync_copy(mb.at[pl.ds(0, ZERO_STEP)],
                            acc.at[pl.ds(row0 + r, ZERO_STEP)])

        plsc.subcore_barrier()

        ebase = wid * EPT
        bufs = ((idx0, kvb0, qb0, sd0, semI0, semG0, semQ0, semD0),
                (idx1, kvb1, qb1, sd1, semI1, semG1, semQ1, semD1))

        pltpu.async_copy(ei_hbm.at[pl.ds(0, 2), pl.ds(ebase, C)],
                         idx0, semI0).wait()
        pltpu.async_copy(ei_hbm.at[pl.ds(0, 2), pl.ds(ebase + C, C)],
                         idx1, semI1)
        pltpu.async_copy(kv_hbm.at[idx0.at[0]], kvb0, semG0)
        pltpu.async_copy(q_hbm.at[idx0.at[1]], qb0, semQ0)

        @pl.loop(0, CPT, step=2)
        def _(i):
            for b in range(2):
                ii = i + b
                idxb, kvbb, qbb, sdb, semIb, semGb, semQb, semDb = bufs[b]
                idxn, kvbn, qbn, sdn, semIn, semGn, semQn, semDn = bufs[1 - b]

                pltpu.async_copy(
                    ei_hbm.at[pl.ds(1, 1), pl.ds(ebase + ii * C, C)],
                    sdb, semDb)

                pltpu.make_async_copy(kv_hbm.at[idxb.at[0]], kvbb, semGb).wait()
                pltpu.make_async_copy(q_hbm.at[idxb.at[1]], qbb, semQb).wait()

                @pl.when(ii + 2 < CPT)
                def _():
                    pltpu.async_copy(
                        ei_hbm.at[pl.ds(0, 2), pl.ds(ebase + (ii + 2) * C, C)],
                        idxb, semIb)

                @pl.when(ii + 1 < CPT)
                def _():
                    pltpu.make_async_copy(
                        ei_hbm.at[pl.ds(0, 2), pl.ds(ebase, C)],
                        idxn, semIn).wait()
                    pltpu.async_copy(kv_hbm.at[idxn.at[0]], kvbn, semGn)
                    pltpu.async_copy(q_hbm.at[idxn.at[1]], qbn, semQn)

                @pl.when(ii > 0)
                def _():
                    pltpu.make_async_copy(mb, acc.at[sdn.at[0]], semS).wait()

                @plsc.parallel_loop(0, C, unroll=2)
                def _(e):
                    den = jnp.zeros((DH, ), jnp.float32)
                    for p in range(H // 2):
                        kpair = plsc.bitcast(kvbb[e, pl.ds(DH * p, DH)],
                                             jnp.bfloat16)
                        qpair = plsc.bitcast(qbb[e, pl.ds(DH * p, DH)],
                                             jnp.bfloat16)
                        kk = plsc.unpack(kpair, format=plsc.PackFormat.INTERLEAVED)
                        qq = plsc.unpack(qpair, format=plsc.PackFormat.INTERLEAVED)
                        for s in range(2):
                            h = 2 * p + s
                            evec = jnp.exp(jnp.broadcast_to(
                                jnp.sum(kk[s] * qq[s]), (DH,)))
                            vvec = kvbb[e, pl.ds(D // 2 + h * DH, DH)]
                            mb[e, pl.ds(h * DH, DH)] = vvec * evec
                            den = jnp.where(lane == h, evec, den)
                    mb[e, pl.ds(D, DH)] = den

                pltpu.make_async_copy(
                    ei_hbm.at[pl.ds(1, 1), pl.ds(ebase, C)], sdb, semDb).wait()
                pltpu.async_copy(mb, acc.at[sdb.at[0]], semS, add=True)

        pltpu.make_async_copy(mb, acc.at[sd1.at[0]], semS).wait()
        plsc.subcore_barrier()

        @pl.loop(0, ROWS_PER_TILE, step=OUT_STEP)
        def _(r):
            pltpu.sync_copy(acc.at[pl.ds(row0 + r, OUT_STEP)],
                            out_hbm.at[cid, pl.ds(row0 + r, OUT_STEP)])

    return sc_kernel(q_tab, kv_tab, edge_index)


def _combine(parts, W_o, b_o):
    BR = 1000

    def body(p_ref, wo_ref, bo_ref, o_ref):
        full = p_ref[0] + p_ref[1]
        msg = full[:, :D]
        r_ = lax.broadcasted_iota(jnp.int32, (ACC_W, D), 0)
        c_ = lax.broadcasted_iota(jnp.int32, (ACC_W, D), 1)
        expand = jnp.where((r_ >= D) & (c_ // DH == r_ - D), 1.0, 0.0)
        dexp = lax.dot_general(full, expand, (((1,), (0,)), ((), ())),
                               preferred_element_type=jnp.float32)
        attn_msg = msg / (dexp + 1e-16)
        out = lax.dot_general(attn_msg, wo_ref[...], (((1,), (1,)), ((), ())),
                              preferred_element_type=jnp.float32)
        o_ref[...] = out + bo_ref[...]

    return pl.pallas_call(
        body,
        grid=(N // BR,),
        in_specs=[pl.BlockSpec((NC, BR, ACC_W), lambda i: (0, i, 0)),
                  pl.BlockSpec((D, D), lambda i: (0, 0)),
                  pl.BlockSpec((1, D), lambda i: (0, 0))],
        out_specs=pl.BlockSpec((BR, D), lambda i: (i, 0)),
        out_shape=jax.ShapeDtypeStruct((N, D), jnp.float32),
    )(parts, W_o, b_o.reshape(1, D))


def _pack_pairs(x):
    n = x.shape[0]
    pairs = x.reshape(n, 4, 2, DH).transpose(0, 1, 3, 2).reshape(n, 64, 2)
    return jax.lax.bitcast_convert_type(pairs.astype(jnp.bfloat16), jnp.float32)


def kernel(q, kv, edge_index, W_k, b_k, W_v, b_v, W_o, b_o):
    kv_tab = _project_kv(kv, W_k, b_k, W_v, b_v)
    kv_mix = jnp.concatenate([_pack_pairs(kv_tab[:, :D]), kv_tab[:, D:]], axis=1)
    parts = _sc_attention(_pack_pairs(q), kv_mix, edge_index)
    return _combine(parts, W_o, b_o)

# --- scband reference (transcript-rebuilt; emitter-appended) ---
"""Pipeline reference for scband-discrete-naslayer-68453188764134 (READ-ONLY COPY).

The authoritative reference and input builder live on the scoring server;
editing this copy changes nothing except your own understanding.
"""

import jax, jax.numpy as jnp
import numpy as np

N = 10000
E = 320000
D = 128
H = 8
DH = D // H


def setup_inputs(seed: int = 0) -> dict:
    key = jax.random.key(seed)
    ks = jax.random.split(key, 9)
    q = jax.random.normal(ks[0], (N, D), dtype=jnp.float32)
    kv = jax.random.normal(ks[1], (N, D), dtype=jnp.float32)
    edge_index = jax.random.randint(ks[2], (2, E), 0, N, dtype=jnp.int32)
    W_k = 0.02 * jax.random.normal(ks[3], (D, D), dtype=jnp.float32)
    b_k = jnp.zeros((D,), dtype=jnp.float32)
    W_v = 0.02 * jax.random.normal(ks[4], (D, D), dtype=jnp.float32)
    b_v = jnp.zeros((D,), dtype=jnp.float32)
    W_o = 0.02 * jax.random.normal(ks[5], (D, D), dtype=jnp.float32)
    b_o = jnp.zeros((D,), dtype=jnp.float32)
    return {"q": q, "kv": kv, "edge_index": edge_index,
            "W_k": W_k, "b_k": b_k, "W_v": W_v, "b_v": b_v,
            "W_o": W_o, "b_o": b_o}


def _pyg_softmax(src, index, num_nodes):
    # sparse softmax normalized per destination node (segment softmax)
    seg_max = jax.ops.segment_max(src, index, num_segments=num_nodes)
    seg_max = jax.lax.stop_gradient(seg_max)
    out = jnp.exp(src - seg_max[index])
    denom = jax.ops.segment_sum(out, index, num_segments=num_nodes)
    return out / (denom[index] + 1e-16)


def reference(q, kv, edge_index, W_k, b_k, W_v, b_v, W_o, b_o):
    # SparseGraphAttention forward (SparseTransformer branch of DiscreteNASLayer)
    K = (kv @ W_k.T + b_k).reshape(-1, H, DH)
    V = (kv @ W_v.T + b_v).reshape(-1, H, DH)
    Q = q.reshape(-1, H, DH)
    src = edge_index[0]
    dst = edge_index[1]
    src_K = K[src]          # gather [E, H, DH]
    dest_Q = Q[dst]         # gather [E, H, DH]
    scores = (src_K * dest_Q).sum(axis=-1) / np.sqrt(DH)  # [E, H]
    attn = _pyg_softmax(scores, dst, Q.shape[0])           # [E, H]
    src_V = V[src]          # gather [E, H, DH]
    messages = src_V * attn[..., None]
    out = jax.ops.segment_sum(messages, dst, num_segments=Q.shape[0])  # scatter-add [N, H, DH]
    out = out.reshape(-1, D)
    out = out @ W_o.T + b_o
    return out

if __name__ == "__main__":
    import jax
    _d = setup_inputs()
    print(jax.jit(kernel)(*tuple(_d.values())))

</pallas_src>

<mosaic_0001>
#map = affine_map<(d0, d1) -> (0, 0)>
#map1 = affine_map<(d0, d1) -> (0, 0, 0)>
module attributes {stable_mosaic.version = 14 : i64} {
  func.func @sc_kernel(%arg0: i32, %arg1: i32, %arg2: memref<10000x64xf32, #tpu.memory_space<hbm>>, %arg3: memref<10000x192xf32, #tpu.memory_space<hbm>>, %arg4: memref<2x320000xi32, #tpu.memory_space<hbm>>, %arg5: memref<2x10000x144xf32, #tpu.memory_space<hbm>>, %arg6: memref<2x40xi32, #tpu.memory_space<vmem>>, %arg7: memref<2x40xi32, #tpu.memory_space<vmem>>, %arg8: memref<40x192xf32, #tpu.memory_space<vmem>>, %arg9: memref<40x192xf32, #tpu.memory_space<vmem>>, %arg10: memref<40x64xf32, #tpu.memory_space<vmem>>, %arg11: memref<40x64xf32, #tpu.memory_space<vmem>>, %arg12: memref<40x144xf32, #tpu.memory_space<vmem>>, %arg13: memref<1x40xi32, #tpu.memory_space<vmem>>, %arg14: memref<1x40xi32, #tpu.memory_space<vmem>>, %arg15: memref<10000x144xf32, #tpu.memory_space<vmem_shared>>, %arg16: memref<!tpu.dma_semaphore, #tpu.memory_space<semaphore_mem>>, %arg17: memref<!tpu.dma_semaphore, #tpu.memory_space<semaphore_mem>>, %arg18: memref<!tpu.dma_semaphore, #tpu.memory_space<semaphore_mem>>, %arg19: memref<!tpu.dma_semaphore, #tpu.memory_space<semaphore_mem>>, %arg20: memref<!tpu.dma_semaphore, #tpu.memory_space<semaphore_mem>>, %arg21: memref<!tpu.dma_semaphore, #tpu.memory_space<semaphore_mem>>, %arg22: memref<!tpu.dma_semaphore, #tpu.memory_space<semaphore_mem>>, %arg23: memref<!tpu.dma_semaphore, #tpu.memory_space<semaphore_mem>>, %arg24: memref<!tpu.dma_semaphore, #tpu.memory_space<semaphore_mem>>) attributes {dimension_semantics = [#tpu.dimension_semantics<core_parallel>, #tpu.dimension_semantics<subcore_parallel>], iteration_bounds = array<i64: 2, 16>, scalar_prefetch = 0 : i64, scratch_operands = 19 : i64, tpu.core_type = #tpu.core_type<sc_vector_subcore>, window_params = [{transform_indices = #map}, {transform_indices = #map}, {transform_indices = #map}, {transform_indices = #map1}]} {
    %mul3A = arith.constant 16 : i32
    %mul3A_0 = arith.muli %arg0, %mul3A : i32
    %add3A = arith.addi %mul3A_0, %arg1 : i32
    %iota3A = tpu.iota {dimensions = array<i32: 0>} : vector<16xi32>
    %xor3A = arith.constant 8 : i32
    %xor3A_1 = vector.broadcast %xor3A : i32 to vector<16xi32>
    %xor3A_2 = arith.xori %iota3A, %xor3A_1 : vector<16xi32>
    %broadcast_in_dim3A = vector.shape_cast %xor3A_2 : vector<16xi32> to vector<16x1xi32>
    %xor3A_3 = arith.constant 4 : i32
    %xor3A_4 = vector.broadcast %xor3A_3 : i32 to vector<16xi32>
    %xor3A_5 = arith.xori %iota3A, %xor3A_4 : vector<16xi32>
    %broadcast_in_dim3A_6 = vector.shape_cast %xor3A_5 : vector<16xi32> to vector<16x1xi32>
    %xor3A_7 = arith.constant 2 : i32
    %xor3A_8 = vector.broadcast %xor3A_7 : i32 to vector<16xi32>
    %xor3A_9 = arith.xori %iota3A, %xor3A_8 : vector<16xi32>
    %broadcast_in_dim3A_10 = vector.shape_cast %xor3A_9 : vector<16xi32> to vector<16x1xi32>
    %xor3A_11 = arith.constant 1 : i32
    %xor3A_12 = vector.broadcast %xor3A_11 : i32 to vector<16xi32>
    %xor3A_13 = arith.xori %iota3A, %xor3A_12 : vector<16xi32>
    %broadcast_in_dim3A_14 = vector.shape_cast %xor3A_13 : vector<16xi32> to vector<16x1xi32>
    %scan3A = arith.constant 0 : i32
    %scan3A_15 = arith.constant 25 : i32
    %scan3A_16 = arith.addi %scan3A, %scan3A_15 : i32
    %scan3A_17 = arith.constant 1 : i32
    scf.for %scan3A_72 = %scan3A to %scan3A_16 step %scan3A_17  : i32 {
      %mul3A_73 = arith.constant 1 : i32
      %mul3A_74 = arith.muli %scan3A_72, %mul3A_73 : i32
      %add3A_75 = arith.constant 0 : i32
      %add3A_76 = arith.addi %add3A_75, %mul3A_74 : i32
      %scan3A_77 = arith.constant 0 : i32
      %scan3A_78 = arith.constant 9 : i32
      %scan3A_79 = arith.addi %scan3A_77, %scan3A_78 : i32
      %scan3A_80 = arith.constant 1 : i32
      scf.for %scan3A_82 = %scan3A_77 to %scan3A_79 step %scan3A_80  : i32 {
        %mul3A_83 = arith.constant 16 : i32
        %mul3A_84 = arith.muli %scan3A_82, %mul3A_83 : i32
        %add3A_85 = arith.constant 0 : i32
        %add3A_86 = arith.addi %add3A_85, %mul3A_84 : i32
        %broadcast_in_dim3A_87 = arith.constant 0.000000e+00 : f32
        %broadcast_in_dim3A_88 = vector.broadcast %broadcast_in_dim3A_87 : f32 to vector<16xf32>
        %swap3A = arith.index_cast %add3A_76 : i32 to index
        %swap3A_89 = arith.index_cast %add3A_86 : i32 to index
        %swap3A_90 = tpu.vector_load %arg12[%swap3A, %swap3A_89] {strides = array<i32>} : memref<40x144xf32, #tpu.memory_space<vmem>>, vector<16xf32>,
        tpu.vector_store %arg12[%swap3A, %swap3A_89], %broadcast_in_dim3A_88 {strides = array<i32>} : memref<40x144xf32, #tpu.memory_space<vmem>>, vector<16xf32>,
      }
      %scan3A_81 = arith.constant 9 : i32
    }
    %scan3A_18 = arith.constant 25 : i32
    %mul3A_19 = arith.constant 625 : i32
    %mul3A_20 = arith.muli %arg1, %mul3A_19 : i32
    %scan3A_21 = arith.constant 0 : i32
    %scan3A_22 = arith.constant 25 : i32
    %scan3A_23 = arith.addi %scan3A_21, %scan3A_22 : i32
    %scan3A_24 = arith.constant 1 : i32
    scf.for %scan3A_72 = %scan3A_21 to %scan3A_23 step %scan3A_24  : i32 {
      %mul3A_73 = arith.constant 25 : i32
      %mul3A_74 = arith.muli %scan3A_72, %mul3A_73 : i32
      %add3A_75 = arith.constant 0 : i32
      %add3A_76 = arith.addi %add3A_75, %mul3A_74 : i32
      %add3A_77 = arith.addi %mul3A_20, %add3A_76 : i32
      "tpu.region"() ({
        %run_scoped3A = tpu.sem_alloc : memref<!tpu.dma_semaphore, #tpu.memory_space<semaphore_mem>>
        %dma_start3A_78 = arith.constant 0 : i32
        %dma_start3A_79 = arith.constant 0 : i32
        %dma_start3A_80 = tpu.memref_slice %arg12[%dma_start3A_78, %dma_start3A_79] : memref<40x144xf32, #tpu.memory_space<vmem>> -> memref<25x144xf32, #tpu.memory_space<vmem>>
        %dma_start3A_81 = arith.constant 0 : i32
        %dma_start3A_82 = tpu.memref_slice %arg15[%add3A_77, %dma_start3A_81] : memref<10000x144xf32, #tpu.memory_space<vmem_shared>> -> memref<25x144xf32, #tpu.memory_space<vmem_shared>>
        %dma_start3A_83 = arith.constant 0 : i32
        %dma_start3A_84 = tpu.memref_slice %arg15[%add3A_77, %dma_start3A_83] : memref<10000x144xf32, #tpu.memory_space<vmem_shared>> -> memref<25x144xf32, #tpu.memory_space<vmem_shared>>
        %dma_start3A_85 = arith.constant 0 : i32
        %dma_start3A_86 = arith.constant 0 : i32
        %dma_start3A_87 = tpu.memref_slice %arg12[%dma_start3A_85, %dma_start3A_86] : memref<40x144xf32, #tpu.memory_space<vmem>> -> memref<25x144xf32, #tpu.memory_space<vmem>>
        tpu.enqueue_dma source(%dma_start3A_87 : memref<25x144xf32, #tpu.memory_space<vmem>>) target(%dma_start3A_84 : memref<25x144xf32, #tpu.memory_space<vmem_shared>>) target_semaphore(%run_scoped3A : memref<!tpu.dma_semaphore, #tpu.memory_space<semaphore_mem>>)
        %dma_wait3A_88 = arith.constant 0 : i32
        %dma_wait3A_89 = arith.constant 0 : i32
        %dma_wait3A_90 = tpu.memref_slice %arg12[%dma_wait3A_88, %dma_wait3A_89] : memref<40x144xf32, #tpu.memory_space<vmem>> -> memref<25x144xf32, #tpu.memory_space<vmem>>
        %dma_wait3A_91 = arith.constant 0 : i32
        %dma_wait3A_92 = tpu.memref_slice %arg15[%add3A_77, %dma_wait3A_91] : memref<10000x144xf32, #tpu.memory_space<vmem_shared>> -> memref<25x144xf32, #tpu.memory_space<vmem_shared>>
        %dma_wait3A_93 = arith.constant 0 : i32
        %dma_wait3A_94 = tpu.memref_slice %arg15[%add3A_77, %dma_wait3A_93] : memref<10000x144xf32, #tpu.memory_space<vmem_shared>> -> memref<25x144xf32, #tpu.memory_space<vmem_shared>>
        %dma_wait3A_95 = arith.constant 0 : i32
        %dma_wait3A_96 = arith.constant 0 : i32
        %dma_wait3A_97 = tpu.memref_slice %arg12[%dma_wait3A_95, %dma_wait3A_96] : memref<40x144xf32, #tpu.memory_space<vmem>> -> memref<25x144xf32, #tpu.memory_space<vmem>>
        tpu.wait_dma2 semaphore(%run_scoped3A : memref<!tpu.dma_semaphore, #tpu.memory_space<semaphore_mem>>) src(%dma_wait3A_97 : memref<25x144xf32, #tpu.memory_space<vmem>>) dst(%dma_wait3A_94 : memref<25x144xf32, #tpu.memory_space<vmem_shared>>)
        tpu.yield
      }) : () -> ()
    }
    %scan3A_25 = arith.constant 25 : i32
    %barrier3A = arith.constant 0 : index
    tpu.barrier barrier_id(%barrier3A)
    %mul3A_26 = arith.constant 10000 : i32
    %mul3A_27 = arith.muli %add3A, %mul3A_26 : i32
    %dma_start3A = arith.constant 0 : i32
    %dma_start3A_28 = tpu.memref_slice %arg4[%dma_start3A, %mul3A_27] : memref<2x320000xi32, #tpu.memory_space<hbm>> -> memref<2x40xi32, #tpu.memory_space<hbm>>
    %dma_start3A_29 = arith.constant 0 : i32
    %dma_start3A_30 = tpu.memref_slice %arg4[%dma_start3A_29, %mul3A_27] : memref<2x320000xi32, #tpu.memory_space<hbm>> -> memref<2x40xi32, #tpu.memory_space<hbm>>
    tpu.enqueue_dma source(%dma_start3A_30 : memref<2x40xi32, #tpu.memory_space<hbm>>) target(%arg6 : memref<2x40xi32, #tpu.memory_space<vmem>>) target_semaphore(%arg16 : memref<!tpu.dma_semaphore, #tpu.memory_space<semaphore_mem>>)
    %dma_wait3A = arith.constant 0 : i32
    %dma_wait3A_31 = tpu.memref_slice %arg4[%dma_wait3A, %mul3A_27] : memref<2x320000xi32, #tpu.memory_space<hbm>> -> memref<2x40xi32, #tpu.memory_space<hbm>>
    %dma_wait3A_32 = arith.constant 0 : i32
    %dma_wait3A_33 = tpu.memref_slice %arg4[%dma_wait3A_32, %mul3A_27] : memref<2x320000xi32, #tpu.memory_space<hbm>> -> memref<2x40xi32, #tpu.memory_space<hbm>>
    tpu.wait_dma2 semaphore(%arg16 : memref<!tpu.dma_semaphore, #tpu.memory_space<semaphore_mem>>) src(%dma_wait3A_33 : memref<2x40xi32, #tpu.memory_space<hbm>>) dst(%arg6 : memref<2x40xi32, #tpu.memory_space<vmem>>)
    %add3A_34 = arith.constant 40 : i32
    %add3A_35 = arith.addi %mul3A_27, %add3A_34 : i32
    %dma_start3A_36 = arith.constant 0 : i32
    %dma_start3A_37 = tpu.memref_slice %arg4[%dma_start3A_36, %add3A_35] : memref<2x320000xi32, #tpu.memory_space<hbm>> -> memref<2x40xi32, #tpu.memory_space<hbm>>
    %dma_start3A_38 = arith.constant 0 : i32
    %dma_start3A_39 = tpu.memref_slice %arg4[%dma_start3A_38, %add3A_35] : memref<2x320000xi32, #tpu.memory_space<hbm>> -> memref<2x40xi32, #tpu.memory_space<hbm>>
    tpu.enqueue_dma source(%dma_start3A_39 : memref<2x40xi32, #tpu.memory_space<hbm>>) target(%arg7 : memref<2x40xi32, #tpu.memory_space<vmem>>) target_semaphore(%arg17 : memref<!tpu.dma_semaphore, #tpu.memory_space<semaphore_mem>>)
    %dma_start3A_40 = arith.constant 0 : i32
    %dma_start3A_41 = arith.constant 0 : i32
    %dma_start3A_42 = tpu.memref_slice %arg6[%dma_start3A_40, %dma_start3A_41] : memref<2x40xi32, #tpu.memory_space<vmem>> -> memref<1x40xi32, #tpu.memory_space<vmem>>
    %dma_start3A_43 = tpu.memref_squeeze %dma_start3A_42 : memref<1x40xi32, #tpu.memory_space<vmem>> -> memref<40xi32, #tpu.memory_space<vmem>>
    %dma_start3A_44 = arith.constant 0 : i32
    %dma_start3A_45 = arith.constant 0 : i32
    %dma_start3A_46 = tpu.memref_slice %arg3[%dma_start3A_44, %dma_start3A_45] : memref<10000x192xf32, #tpu.memory_space<hbm>> -> memref<10000x192xf32, #tpu.memory_space<hbm>>
    tpu.enqueue_indirect_dma source(%dma_start3A_46 : memref<10000x192xf32, #tpu.memory_space<hbm>>) target(%arg8 : memref<40x192xf32, #tpu.memory_space<vmem>>) offsets(%dma_start3A_43 : memref<40xi32, #tpu.memory_space<vmem>>) semaphore(%arg18 : memref<!tpu.dma_semaphore, #tpu.memory_space<semaphore_mem>>)
    %dma_start3A_47 = arith.constant 1 : i32
    %dma_start3A_48 = arith.constant 0 : i32
    %dma_start3A_49 = tpu.memref_slice %arg6[%dma_start3A_47, %dma_start3A_48] : memref<2x40xi32, #tpu.memory_space<vmem>> -> memref<1x40xi32, #tpu.memory_space<vmem>>
    %dma_start3A_50 = tpu.memref_squeeze %dma_start3A_49 : memref<1x40xi32, #tpu.memory_space<vmem>> -> memref<40xi32, #tpu.memory_space<vmem>>
    %dma_start3A_51 = arith.constant 0 : i32
    %dma_start3A_52 = arith.constant 0 : i32
    %dma_start3A_53 = tpu.memref_slice %arg2[%dma_start3A_51, %dma_start3A_52] : memref<10000x64xf32, #tpu.memory_space<hbm>> -> memref<10000x64xf32, #tpu.memory_space<hbm>>
    tpu.enqueue_indirect_dma source(%dma_start3A_53 : memref<10000x64xf32, #tpu.memory_space<hbm>>) target(%arg10 : memref<40x64xf32, #tpu.memory_space<vmem>>) offsets(%dma_start3A_50 : memref<40xi32, #tpu.memory_space<vmem>>) semaphore(%arg20 : memref<!tpu.dma_semaphore, #tpu.memory_space<semaphore_mem>>)
    %scan3A_54 = arith.constant 0 : i32
    %scan3A_55 = arith.constant 125 : i32
    %scan3A_56 = arith.addi %scan3A_54, %scan3A_55 : i32
    %scan3A_57 = arith.constant 1 : i32
    scf.for %scan3A_72 = %scan3A_54 to %scan3A_56 step %scan3A_57  : i32 {
      %mul3A_73 = arith.constant 2 : i32
      %mul3A_74 = arith.muli %scan3A_72, %mul3A_73 : i32
      %add3A_75 = arith.constant 0 : i32
      %add3A_76 = arith.addi %add3A_75, %mul3A_74 : i32
      %add3A_77 = arith.constant 0 : i32
      %add3A_78 = arith.addi %add3A_76, %add3A_77 : i32
      %mul3A_79 = arith.constant 40 : i32
      %mul3A_80 = arith.muli %add3A_78, %mul3A_79 : i32
      %add3A_81 = arith.addi %mul3A_27, %mul3A_80 : i32
      %dma_start3A_82 = arith.constant 1 : i32
      %dma_start3A_83 = tpu.memref_slice %arg4[%dma_start3A_82, %add3A_81] : memref<2x320000xi32, #tpu.memory_space<hbm>> -> memref<1x40xi32, #tpu.memory_space<hbm>>
      %dma_start3A_84 = arith.constant 1 : i32
      %dma_start3A_85 = tpu.memref_slice %arg4[%dma_start3A_84, %add3A_81] : memref<2x320000xi32, #tpu.memory_space<hbm>> -> memref<1x40xi32, #tpu.memory_space<hbm>>
      tpu.enqueue_dma source(%dma_start3A_85 : memref<1x40xi32, #tpu.memory_space<hbm>>) target(%arg13 : memref<1x40xi32, #tpu.memory_space<vmem>>) target_semaphore(%arg22 : memref<!tpu.dma_semaphore, #tpu.memory_space<semaphore_mem>>)
      %dma_wait3A_86 = arith.constant 0 : i32
      %dma_wait3A_87 = arith.constant 0 : i32
      %dma_wait3A_88 = tpu.memref_slice %arg6[%dma_wait3A_86, %dma_wait3A_87] : memref<2x40xi32, #tpu.memory_space<vmem>> -> memref<1x40xi32, #tpu.memory_space<vmem>>
      %dma_wait3A_89 = tpu.memref_squeeze %dma_wait3A_88 : memref<1x40xi32, #tpu.memory_space<vmem>> -> memref<40xi32, #tpu.memory_space<vmem>>
      %dma_wait3A_90 = arith.constant 0 : i32
      %dma_wait3A_91 = arith.constant 0 : i32
      %dma_wait3A_92 = tpu.memref_slice %arg3[%dma_wait3A_90, %dma_wait3A_91] : memref<10000x192xf32, #tpu.memory_space<hbm>> -> memref<10000x192xf32, #tpu.memory_space<hbm>>
      tpu.wait_indirect_dma semaphore(%arg18 : memref<!tpu.dma_semaphore, #tpu.memory_space<semaphore_mem>>) src(%dma_wait3A_92 : memref<10000x192xf32, #tpu.memory_space<hbm>>) dst(%arg8 : memref<40x192xf32, #tpu.memory_space<vmem>>)
      %dma_wait3A_93 = arith.constant 1 : i32
      %dma_wait3A_94 = arith.constant 0 : i32
      %dma_wait3A_95 = tpu.memref_slice %arg6[%dma_wait3A_93, %dma_wait3A_94] : memref<2x40xi32, #tpu.memory_space<vmem>> -> memref<1x40xi32, #tpu.memory_space<vmem>>
      %dma_wait3A_96 = tpu.memref_squeeze %dma_wait3A_95 : memref<1x40xi32, #tpu.memory_space<vmem>> -> memref<40xi32, #tpu.memory_space<vmem>>
      %dma_wait3A_97 = arith.constant 0 : i32
      %dma_wait3A_98 = arith.constant 0 : i32
      %dma_wait3A_99 = tpu.memref_slice %arg2[%dma_wait3A_97, %dma_wait3A_98] : memref<10000x64xf32, #tpu.memory_space<hbm>> -> memref<10000x64xf32, #tpu.memory_space<hbm>>
      tpu.wait_indirect_dma semaphore(%arg20 : memref<!tpu.dma_semaphore, #tpu.memory_space<semaphore_mem>>) src(%dma_wait3A_99 : memref<10000x64xf32, #tpu.memory_space<hbm>>) dst(%arg10 : memref<40x64xf32, #tpu.memory_space<vmem>>)
      %add3A_100 = arith.constant 2 : i32
      %add3A_101 = arith.addi %add3A_78, %add3A_100 : i32
      %lt3A = arith.constant 250 : i32
      %lt3A_102 = arith.cmpi slt, %add3A_101, %lt3A : i32
      %convert_element_type3A = arith.extui %lt3A_102 : i1 to i32
      %cond3A = arith.constant 0 : i32
      %cond3A_103 = arith.cmpi ne, %convert_element_type3A, %cond3A : i32
      scf.if %cond3A_103 {
        %add3A_184 = arith.constant 2 : i32
        %add3A_185 = arith.addi %add3A_78, %add3A_184 : i32
        %mul3A_186 = arith.constant 40 : i32
        %mul3A_187 = arith.muli %add3A_185, %mul3A_186 : i32
        %add3A_188 = arith.addi %mul3A_27, %mul3A_187 : i32
        %dma_start3A_189 = arith.constant 0 : i32
        %dma_start3A_190 = tpu.memref_slice %arg4[%dma_start3A_189, %add3A_188] : memref<2x320000xi32, #tpu.memory_space<hbm>> -> memref<2x40xi32, #tpu.memory_space<hbm>>
        %dma_start3A_191 = arith.constant 0 : i32
        %dma_start3A_192 = tpu.memref_slice %arg4[%dma_start3A_191, %add3A_188] : memref<2x320000xi32, #tpu.memory_space<hbm>> -> memref<2x40xi32, #tpu.memory_space<hbm>>
        tpu.enqueue_dma source(%dma_start3A_192 : memref<2x40xi32, #tpu.memory_space<hbm>>) target(%arg6 : memref<2x40xi32, #tpu.memory_space<vmem>>) target_semaphore(%arg16 : memref<!tpu.dma_semaphore, #tpu.memory_space<semaphore_mem>>)
      } else {
      }
      %add3A_104 = arith.constant 1 : i32
      %add3A_105 = arith.addi %add3A_78, %add3A_104 : i32
      %lt3A_106 = arith.constant 250 : i32
      %lt3A_107 = arith.cmpi slt, %add3A_105, %lt3A_106 : i32
      %convert_element_type3A_108 = arith.extui %lt3A_107 : i1 to i32
      %cond3A_109 = arith.constant 0 : i32
      %cond3A_110 = arith.cmpi ne, %convert_element_type3A_108, %cond3A_109 : i32
      scf.if %cond3A_110 {
        %dma_wait3A_184 = arith.constant 0 : i32
        %dma_wait3A_185 = tpu.memref_slice %arg4[%dma_wait3A_184, %mul3A_27] : memref<2x320000xi32, #tpu.memory_space<hbm>> -> memref<2x40xi32, #tpu.memory_space<hbm>>
        %dma_wait3A_186 = arith.constant 0 : i32
        %dma_wait3A_187 = tpu.memref_slice %arg4[%dma_wait3A_186, %mul3A_27] : memref<2x320000xi32, #tpu.memory_space<hbm>> -> memref<2x40xi32, #tpu.memory_space<hbm>>
        tpu.wait_dma2 semaphore(%arg17 : memref<!tpu.dma_semaphore, #tpu.memory_space<semaphore_mem>>) src(%dma_wait3A_187 : memref<2x40xi32, #tpu.memory_space<hbm>>) dst(%arg7 : memref<2x40xi32, #tpu.memory_space<vmem>>)
        %dma_start3A_188 = arith.constant 0 : i32
        %dma_start3A_189 = arith.constant 0 : i32
        %dma_start3A_190 = tpu.memref_slice %arg7[%dma_start3A_188, %dma_start3A_189] : memref<2x40xi32, #tpu.memory_space<vmem>> -> memref<1x40xi32, #tpu.memory_space<vmem>>
        %dma_start3A_191 = tpu.memref_squeeze %dma_start3A_190 : memref<1x40xi32, #tpu.memory_space<vmem>> -> memref<40xi32, #tpu.memory_space<vmem>>
        %dma_start3A_192 = arith.constant 0 : i32
        %dma_start3A_193 = arith.constant 0 : i32
        %dma_start3A_194 = tpu.memref_slice %arg3[%dma_start3A_192, %dma_start3A_193] : memref<10000x192xf32, #tpu.memory_space<hbm>> -> memref<10000x192xf32, #tpu.memory_space<hbm>>
        tpu.enqueue_indirect_dma source(%dma_start3A_194 : memref<10000x192xf32, #tpu.memory_space<hbm>>) target(%arg9 : memref<40x192xf32, #tpu.memory_space<vmem>>) offsets(%dma_start3A_191 : memref<40xi32, #tpu.memory_space<vmem>>) semaphore(%arg19 : memref<!tpu.dma_semaphore, #tpu.memory_space<semaphore_mem>>)
        %dma_start3A_195 = arith.constant 1 : i32
        %dma_start3A_196 = arith.constant 0 : i32
        %dma_start3A_197 = tpu.memref_slice %arg7[%dma_start3A_195, %dma_start3A_196] : memref<2x40xi32, #tpu.memory_space<vmem>> -> memref<1x40xi32, #tpu.memory_space<vmem>>
        %dma_start3A_198 = tpu.memref_squeeze %dma_start3A_197 : memref<1x40xi32, #tpu.memory_space<vmem>> -> memref<40xi32, #tpu.memory_space<vmem>>
        %dma_start3A_199 = arith.constant 0 : i32
        %dma_start3A_200 = arith.constant 0 : i32
        %dma_start3A_201 = tpu.memref_slice %arg2[%dma_start3A_199, %dma_start3A_200] : memref<10000x64xf32, #tpu.memory_space<hbm>> -> memref<10000x64xf32, #tpu.memory_space<hbm>>
        tpu.enqueue_indirect_dma source(%dma_start3A_201 : memref<10000x64xf32, #tpu.memory_space<hbm>>) target(%arg11 : memref<40x64xf32, #tpu.memory_space<vmem>>) offsets(%dma_start3A_198 : memref<40xi32, #tpu.memory_space<vmem>>) semaphore(%arg21 : memref<!tpu.dma_semaphore, #tpu.memory_space<semaphore_mem>>)
      } else {
      }
      %gt3A = arith.constant 0 : i32
      %gt3A_111 = arith.cmpi sgt, %add3A_78, %gt3A : i32
      %convert_element_type3A_112 = arith.extui %gt3A_111 : i1 to i32
      %cond3A_113 = arith.constant 0 : i32
      %cond3A_114 = arith.cmpi ne, %convert_element_type3A_112, %cond3A_113 : i32
      scf.if %cond3A_114 {
        %dma_wait3A_184 = arith.constant 0 : i32
        %dma_wait3A_185 = arith.constant 0 : i32
        %dma_wait3A_186 = tpu.memref_slice %arg14[%dma_wait3A_184, %dma_wait3A_185] : memref<1x40xi32, #tpu.memory_space<vmem>> -> memref<1x40xi32, #tpu.memory_space<vmem>>
        %dma_wait3A_187 = tpu.memref_squeeze %dma_wait3A_186 : memref<1x40xi32, #tpu.memory_space<vmem>> -> memref<40xi32, #tpu.memory_space<vmem>>
        %dma_wait3A_188 = arith.constant 0 : i32
        %dma_wait3A_189 = arith.constant 0 : i32
        %dma_wait3A_190 = tpu.memref_slice %arg15[%dma_wait3A_188, %dma_wait3A_189] : memref<10000x144xf32, #tpu.memory_space<vmem_shared>> -> memref<10000x144xf32, #tpu.memory_space<vmem_shared>>
        tpu.wait_indirect_dma semaphore(%arg24 : memref<!tpu.dma_semaphore, #tpu.memory_space<semaphore_mem>>) src(%arg12 : memref<40x144xf32, #tpu.memory_space<vmem>>) dst(%dma_wait3A_190 : memref<10000x144xf32, #tpu.memory_space<vmem_shared>>)
      } else {
      }
      %parallel_loop3A = arith.constant 0 : i32
      %parallel_loop3A_115 = arith.constant 40 : i32
      %parallel_loop3A_116 = arith.constant 1 : i32
      scf.for %parallel_loop3A_184 = %parallel_loop3A to %parallel_loop3A_115 step %parallel_loop3A_116  : i32 {
        %parallel_loop3A_185 = arith.constant 0.000000e+00 : f32
        %parallel_loop3A_186 = vector.broadcast %parallel_loop3A_185 : f32 to vector<16xf32>
        %parallel_loop3A_187 = arith.index_cast %parallel_loop3A_184 : i32 to index
        %parallel_loop3A_188 = arith.constant 0 : index
        %parallel_loop3A_189 = tpu.vector_load %arg8[%parallel_loop3A_187, %parallel_loop3A_188] {strides = array<i32>} : memref<40x192xf32, #tpu.memory_space<vmem>>, vector<16xf32>,
        %parallel_loop3A_190 = vector.bitcast %parallel_loop3A_189 : vector<16xf32> to vector<32xbf16>
        %parallel_loop3A_191 = arith.index_cast %parallel_loop3A_184 : i32 to index
        %parallel_loop3A_192 = arith.constant 0 : index
        %parallel_loop3A_193 = tpu.vector_load %arg10[%parallel_loop3A_191, %parallel_loop3A_192] {strides = array<i32>} : memref<40x64xf32, #tpu.memory_space<vmem>>, vector<16xf32>,
        %parallel_loop3A_194 = vector.bitcast %parallel_loop3A_193 : vector<16xf32> to vector<32xbf16>
        %parallel_loop3A_195 = tpu.unpack_subelements %parallel_loop3A_190, 0 {pack_format = #tpu.pack_format<interleaved>} : vector<32xbf16> -> vector<16xf32>
        %parallel_loop3A_196 = tpu.unpack_subelements %parallel_loop3A_190, 1 {pack_format = #tpu.pack_format<interleaved>} : vector<32xbf16> -> vector<16xf32>
        %parallel_loop3A_197 = tpu.unpack_subelements %parallel_loop3A_194, 0 {pack_format = #tpu.pack_format<interleaved>} : vector<32xbf16> -> vector<16xf32>
        %parallel_loop3A_198 = tpu.unpack_subelements %parallel_loop3A_194, 1 {pack_format = #tpu.pack_format<interleaved>} : vector<32xbf16> -> vector<16xf32>
        %parallel_loop3A_199 = arith.mulf %parallel_loop3A_195, %parallel_loop3A_197 : vector<16xf32>
        %parallel_loop3A_200 = arith.constant true
        %parallel_loop3A_201 = vector.broadcast %parallel_loop3A_200 : i1 to vector<16xi1>
        %parallel_loop3A_202 = tpu.scan <sum>, %parallel_loop3A_199 masked %parallel_loop3A_201 : vector<16xf32>, vector<16xi1> -> vector<16xf32>
        %parallel_loop3A_203 = vector.extract %parallel_loop3A_202[15] : f32 from vector<16xf32>
        %parallel_loop3A_204 = vector.broadcast %parallel_loop3A_203 : f32 to vector<16xf32>
        %parallel_loop3A_205 = math.exp %parallel_loop3A_204 : vector<16xf32>
        %parallel_loop3A_206 = arith.index_cast %parallel_loop3A_184 : i32 to index
        %parallel_loop3A_207 = arith.constant 64 : index
        %parallel_loop3A_208 = tpu.vector_load %arg8[%parallel_loop3A_206, %parallel_loop3A_207] {strides = array<i32>} : memref<40x192xf32, #tpu.memory_space<vmem>>, vector<16xf32>,
        %parallel_loop3A_209 = arith.mulf %parallel_loop3A_208, %parallel_loop3A_205 : vector<16xf32>
        %parallel_loop3A_210 = arith.index_cast %parallel_loop3A_184 : i32 to index
        %parallel_loop3A_211 = arith.constant 0 : index
        %parallel_loop3A_212 = tpu.vector_load %arg12[%parallel_loop3A_210, %parallel_loop3A_211] {strides = array<i32>} : memref<40x144xf32, #tpu.memory_space<vmem>>, vector<16xf32>,
        tpu.vector_store %arg12[%parallel_loop3A_210, %parallel_loop3A_211], %parallel_loop3A_209 {strides = array<i32>} : memref<40x144xf32, #tpu.memory_space<vmem>>, vector<16xf32>,
        %parallel_loop3A_213 = arith.constant 0 : i32
        %parallel_loop3A_214 = vector.broadcast %parallel_loop3A_213 : i32 to vector<16xi32>
        %parallel_loop3A_215 = arith.cmpi eq, %iota3A, %parallel_loop3A_214 : vector<16xi32>
        %parallel_loop3A_216 = arith.select %parallel_loop3A_215, %parallel_loop3A_205, %parallel_loop3A_186 : vector<16xi1>, vector<16xf32>
        %parallel_loop3A_217 = arith.mulf %parallel_loop3A_196, %parallel_loop3A_198 : vector<16xf32>
        %parallel_loop3A_218 = arith.constant true
        %parallel_loop3A_219 = vector.broadcast %parallel_loop3A_218 : i1 to vector<16xi1>
        %parallel_loop3A_220 = tpu.scan <sum>, %parallel_loop3A_217 masked %parallel_loop3A_219 : vector<16xf32>, vector<16xi1> -> vector<16xf32>
        %parallel_loop3A_221 = vector.extract %parallel_loop3A_220[15] : f32 from vector<16xf32>
        %parallel_loop3A_222 = vector.broadcast %parallel_loop3A_221 : f32 to vector<16xf32>
        %parallel_loop3A_223 = math.exp %parallel_loop3A_222 : vector<16xf32>
        %parallel_loop3A_224 = arith.index_cast %parallel_loop3A_184 : i32 to index
        %parallel_loop3A_225 = arith.constant 80 : index
        %parallel_loop3A_226 = tpu.vector_load %arg8[%parallel_loop3A_224, %parallel_loop3A_225] {strides = array<i32>} : memref<40x192xf32, #tpu.memory_space<vmem>>, vector<16xf32>,
        %parallel_loop3A_227 = arith.mulf %parallel_loop3A_226, %parallel_loop3A_223 : vector<16xf32>
        %parallel_loop3A_228 = arith.index_cast %parallel_loop3A_184 : i32 to index
        %parallel_loop3A_229 = arith.constant 16 : index
        %parallel_loop3A_230 = tpu.vector_load %arg12[%parallel_loop3A_228, %parallel_loop3A_229] {strides = array<i32>} : memref<40x144xf32, #tpu.memory_space<vmem>>, vector<16xf32>,
        tpu.vector_store %arg12[%parallel_loop3A_228, %parallel_loop3A_229], %parallel_loop3A_227 {strides = array<i32>} : memref<40x144xf32, #tpu.memory_space<vmem>>, vector<16xf32>,
        %parallel_loop3A_231 = arith.constant 1 : i32
        %parallel_loop3A_232 = vector.broadcast %parallel_loop3A_231 : i32 to vector<16xi32>
        %parallel_loop3A_233 = arith.cmpi eq, %iota3A, %parallel_loop3A_232 : vector<16xi32>
        %parallel_loop3A_234 = arith.select %parallel_loop3A_233, %parallel_loop3A_223, %parallel_loop3A_216 : vector<16xi1>, vector<16xf32>
        %parallel_loop3A_235 = arith.index_cast %parallel_loop3A_184 : i32 to index
        %parallel_loop3A_236 = arith.constant 16 : index
        %parallel_loop3A_237 = tpu.vector_load %arg8[%parallel_loop3A_235, %parallel_loop3A_236] {strides = array<i32>} : memref<40x192xf32, #tpu.memory_space<vmem>>, vector<16xf32>,
        %parallel_loop3A_238 = vector.bitcast %parallel_loop3A_237 : vector<16xf32> to vector<32xbf16>
        %parallel_loop3A_239 = arith.index_cast %parallel_loop3A_184 : i32 to index
        %parallel_loop3A_240 = arith.constant 16 : index
        %parallel_loop3A_241 = tpu.vector_load %arg10[%parallel_loop3A_239, %parallel_loop3A_240] {strides = array<i32>} : memref<40x64xf32, #tpu.memory_space<vmem>>, vector<16xf32>,
        %parallel_loop3A_242 = vector.bitcast %parallel_loop3A_241 : vector<16xf32> to vector<32xbf16>
        %parallel_loop3A_243 = tpu.unpack_subelements %parallel_loop3A_238, 0 {pack_format = #tpu.pack_format<interleaved>} : vector<32xbf16> -> vector<16xf32>
        %parallel_loop3A_244 = tpu.unpack_subelements %parallel_loop3A_238, 1 {pack_format = #tpu.pack_format<interleaved>} : vector<32xbf16> -> vector<16xf32>
        %parallel_loop3A_245 = tpu.unpack_subelements %parallel_loop3A_242, 0 {pack_format = #tpu.pack_format<interleaved>} : vector<32xbf16> -> vector<16xf32>
        %parallel_loop3A_246 = tpu.unpack_subelements %parallel_loop3A_242, 1 {pack_format = #tpu.pack_format<interleaved>} : vector<32xbf16> -> vector<16xf32>
        %parallel_loop3A_247 = arith.mulf %parallel_loop3A_243, %parallel_loop3A_245 : vector<16xf32>
        %parallel_loop3A_248 = arith.constant true
        %parallel_loop3A_249 = vector.broadcast %parallel_loop3A_248 : i1 to vector<16xi1>
        %parallel_loop3A_250 = tpu.scan <sum>, %parallel_loop3A_247 masked %parallel_loop3A_249 : vector<16xf32>, vector<16xi1> -> vector<16xf32>
        %parallel_loop3A_251 = vector.extract %parallel_loop3A_250[15] : f32 from vector<16xf32>
        %parallel_loop3A_252 = vector.broadcast %parallel_loop3A_251 : f32 to vector<16xf32>
        %parallel_loop3A_253 = math.exp %parallel_loop3A_252 : vector<16xf32>
        %parallel_loop3A_254 = arith.index_cast %parallel_loop3A_184 : i32 to index
        %parallel_loop3A_255 = arith.constant 96 : index
        %parallel_loop3A_256 = tpu.vector_load %arg8[%parallel_loop3A_254, %parallel_loop3A_255] {strides = array<i32>} : memref<40x192xf32, #tpu.memory_space<vmem>>, vector<16xf32>,
        %parallel_loop3A_257 = arith.mulf %parallel_loop3A_256, %parallel_loop3A_253 : vector<16xf32>
        %parallel_loop3A_258 = arith.index_cast %parallel_loop3A_184 : i32 to index
        %parallel_loop3A_259 = arith.constant 32 : index
        %parallel_loop3A_260 = tpu.vector_load %arg12[%parallel_loop3A_258, %parallel_loop3A_259] {strides = array<i32>} : memref<40x144xf32, #tpu.memory_space<vmem>>, vector<16xf32>,
        tpu.vector_store %arg12[%parallel_loop3A_258, %parallel_loop3A_259], %parallel_loop3A_257 {strides = array<i32>} : memref<40x144xf32, #tpu.memory_space<vmem>>, vector<16xf32>,
        %parallel_loop3A_261 = arith.constant 2 : i32
        %parallel_loop3A_262 = vector.broadcast %parallel_loop3A_261 : i32 to vector<16xi32>
        %parallel_loop3A_263 = arith.cmpi eq, %iota3A, %parallel_loop3A_262 : vector<16xi32>
        %parallel_loop3A_264 = arith.select %parallel_loop3A_263, %parallel_loop3A_253, %parallel_loop3A_234 : vector<16xi1>, vector<16xf32>
        %parallel_loop3A_265 = arith.mulf %parallel_loop3A_244, %parallel_loop3A_246 : vector<16xf32>
        %parallel_loop3A_266 = arith.constant true
        %parallel_loop3A_267 = vector.broadcast %parallel_loop3A_266 : i1 to vector<16xi1>
        %parallel_loop3A_268 = tpu.scan <sum>, %parallel_loop3A_265 masked %parallel_loop3A_267 : vector<16xf32>, vector<16xi1> -> vector<16xf32>
        %parallel_loop3A_269 = vector.extract %parallel_loop3A_268[15] : f32 from vector<16xf32>
        %parallel_loop3A_270 = vector.broadcast %parallel_loop3A_269 : f32 to vector<16xf32>
        %parallel_loop3A_271 = math.exp %parallel_loop3A_270 : vector<16xf32>
        %parallel_loop3A_272 = arith.index_cast %parallel_loop3A_184 : i32 to index
        %parallel_loop3A_273 = arith.constant 112 : index
        %parallel_loop3A_274 = tpu.vector_load %arg8[%parallel_loop3A_272, %parallel_loop3A_273] {strides = array<i32>} : memref<40x192xf32, #tpu.memory_space<vmem>>, vector<16xf32>,
        %parallel_loop3A_275 = arith.mulf %parallel_loop3A_274, %parallel_loop3A_271 : vector<16xf32>
        %parallel_loop3A_276 = arith.index_cast %parallel_loop3A_184 : i32 to index
        %parallel_loop3A_277 = arith.constant 48 : index
        %parallel_loop3A_278 = tpu.vector_load %arg12[%parallel_loop3A_276, %parallel_loop3A_277] {strides = array<i32>} : memref<40x144xf32, #tpu.memory_space<vmem>>, vector<16xf32>,
        tpu.vector_store %arg12[%parallel_loop3A_276, %parallel_loop3A_277], %parallel_loop3A_275 {strides = array<i32>} : memref<40x144xf32, #tpu.memory_space<vmem>>, vector<16xf32>,
        %parallel_loop3A_279 = arith.constant 3 : i32
        %parallel_loop3A_280 = vector.broadcast %parallel_loop3A_279 : i32 to vector<16xi32>
        %parallel_loop3A_281 = arith.cmpi eq, %iota3A, %parallel_loop3A_280 : vector<16xi32>
        %parallel_loop3A_282 = arith.select %parallel_loop3A_281, %parallel_loop3A_271, %parallel_loop3A_264 : vector<16xi1>, vector<16xf32>
        %parallel_loop3A_283 = arith.index_cast %parallel_loop3A_184 : i32 to index
        %parallel_loop3A_284 = arith.constant 32 : index
        %parallel_loop3A_285 = tpu.vector_load %arg8[%parallel_loop3A_283, %parallel_loop3A_284] {strides = array<i32>} : memref<40x192xf32, #tpu.memory_space<vmem>>, vector<16xf32>,
        %parallel_loop3A_286 = vector.bitcast %parallel_loop3A_285 : vector<16xf32> to vector<32xbf16>
        %parallel_loop3A_287 = arith.index_cast %parallel_loop3A_184 : i32 to index
        %parallel_loop3A_288 = arith.constant 32 : index
        %parallel_loop3A_289 = tpu.vector_load %arg10[%parallel_loop3A_287, %parallel_loop3A_288] {strides = array<i32>} : memref<40x64xf32, #tpu.memory_space<vmem>>, vector<16xf32>,
        %parallel_loop3A_290 = vector.bitcast %parallel_loop3A_289 : vector<16xf32> to vector<32xbf16>
        %parallel_loop3A_291 = tpu.unpack_subelements %parallel_loop3A_286, 0 {pack_format = #tpu.pack_format<interleaved>} : vector<32xbf16> -> vector<16xf32>
        %parallel_loop3A_292 = tpu.unpack_subelements %parallel_loop3A_286, 1 {pack_format = #tpu.pack_format<interleaved>} : vector<32xbf16> -> vector<16xf32>
        %parallel_loop3A_293 = tpu.unpack_subelements %parallel_loop3A_290, 0 {pack_format = #tpu.pack_format<interleaved>} : vector<32xbf16> -> vector<16xf32>
        %parallel_loop3A_294 = tpu.unpack_subelements %parallel_loop3A_290, 1 {pack_format = #tpu.pack_format<interleaved>} : vector<32xbf16> -> vector<16xf32>
        %parallel_loop3A_295 = arith.mulf %parallel_loop3A_291, %parallel_loop3A_293 : vector<16xf32>
        %parallel_loop3A_296 = arith.constant true
        %parallel_loop3A_297 = vector.broadcast %parallel_loop3A_296 : i1 to vector<16xi1>
        %parallel_loop3A_298 = tpu.scan <sum>, %parallel_loop3A_295 masked %parallel_loop3A_297 : vector<16xf32>, vector<16xi1> -> vector<16xf32>
        %parallel_loop3A_299 = vector.extract %parallel_loop3A_298[15] : f32 from vector<16xf32>
        %parallel_loop3A_300 = vector.broadcast %parallel_loop3A_299 : f32 to vector<16xf32>
        %parallel_loop3A_301 = math.exp %parallel_loop3A_300 : vector<16xf32>
        %parallel_loop3A_302 = arith.index_cast %parallel_loop3A_184 : i32 to index
        %parallel_loop3A_303 = arith.constant 128 : index
        %parallel_loop3A_304 = tpu.vector_load %arg8[%parallel_loop3A_302, %parallel_loop3A_303] {strides = array<i32>} : memref<40x192xf32, #tpu.memory_space<vmem>>, vector<16xf32>,
        %parallel_loop3A_305 = arith.mulf %parallel_loop3A_304, %parallel_loop3A_301 : vector<16xf32>
        %parallel_loop3A_306 = arith.index_cast %parallel_loop3A_184 : i32 to index
        %parallel_loop3A_307 = arith.constant 64 : index
        %parallel_loop3A_308 = tpu.vector_load %arg12[%parallel_loop3A_306, %parallel_loop3A_307] {strides = array<i32>} : memref<40x144xf32, #tpu.memory_space<vmem>>, vector<16xf32>,
        tpu.vector_store %arg12[%parallel_loop3A_306, %parallel_loop3A_307], %parallel_loop3A_305 {strides = array<i32>} : memref<40x144xf32, #tpu.memory_space<vmem>>, vector<16xf32>,
        %parallel_loop3A_309 = arith.constant 4 : i32
        %parallel_loop3A_310 = vector.broadcast %parallel_loop3A_309 : i32 to vector<16xi32>
        %parallel_loop3A_311 = arith.cmpi eq, %iota3A, %parallel_loop3A_310 : vector<16xi32>
        %parallel_loop3A_312 = arith.select %parallel_loop3A_311, %parallel_loop3A_301, %parallel_loop3A_282 : vector<16xi1>, vector<16xf32>
        %parallel_loop3A_313 = arith.mulf %parallel_loop3A_292, %parallel_loop3A_294 : vector<16xf32>
        %parallel_loop3A_314 = arith.constant true
        %parallel_loop3A_315 = vector.broadcast %parallel_loop3A_314 : i1 to vector<16xi1>
        %parallel_loop3A_316 = tpu.scan <sum>, %parallel_loop3A_313 masked %parallel_loop3A_315 : vector<16xf32>, vector<16xi1> -> vector<16xf32>
        %parallel_loop3A_317 = vector.extract %parallel_loop3A_316[15] : f32 from vector<16xf32>
        %parallel_loop3A_318 = vector.broadcast %parallel_loop3A_317 : f32 to vector<16xf32>
        %parallel_loop3A_319 = math.exp %parallel_loop3A_318 : vector<16xf32>
        %parallel_loop3A_320 = arith.index_cast %parallel_loop3A_184 : i32 to index
        %parallel_loop3A_321 = arith.constant 144 : index
        %parallel_loop3A_322 = tpu.vector_load %arg8[%parallel_loop3A_320, %parallel_loop3A_321] {strides = array<i32>} : memref<40x192xf32, #tpu.memory_space<vmem>>, vector<16xf32>,
        %parallel_loop3A_323 = arith.mulf %parallel_loop3A_322, %parallel_loop3A_319 : vector<16xf32>
        %parallel_loop3A_324 = arith.index_cast %parallel_loop3A_184 : i32 to index
        %parallel_loop3A_325 = arith.constant 80 : index
        %parallel_loop3A_326 = tpu.vector_load %arg12[%parallel_loop3A_324, %parallel_loop3A_325] {strides = array<i32>} : memref<40x144xf32, #tpu.memory_space<vmem>>, vector<16xf32>,
        tpu.vector_store %arg12[%parallel_loop3A_324, %parallel_loop3A_325], %parallel_loop3A_323 {strides = array<i32>} : memref<40x144xf32, #tpu.memory_space<vmem>>, vector<16xf32>,
        %parallel_loop3A_327 = arith.constant 5 : i32
        %parallel_loop3A_328 = vector.broadcast %parallel_loop3A_327 : i32 to vector<16xi32>
        %parallel_loop3A_329 = arith.cmpi eq, %iota3A, %parallel_loop3A_328 : vector<16xi32>
        %parallel_loop3A_330 = arith.select %parallel_loop3A_329, %parallel_loop3A_319, %parallel_loop3A_312 : vector<16xi1>, vector<16xf32>
        %parallel_loop3A_331 = arith.index_cast %parallel_loop3A_184 : i32 to index
        %parallel_loop3A_332 = arith.constant 48 : index
        %parallel_loop3A_333 = tpu.vector_load %arg8[%parallel_loop3A_331, %parallel_loop3A_332] {strides = array<i32>} : memref<40x192xf32, #tpu.memory_space<vmem>>, vector<16xf32>,
        %parallel_loop3A_334 = vector.bitcast %parallel_loop3A_333 : vector<16xf32> to vector<32xbf16>
        %parallel_loop3A_335 = arith.index_cast %parallel_loop3A_184 : i32 to index
        %parallel_loop3A_336 = arith.constant 48 : index
        %parallel_loop3A_337 = tpu.vector_load %arg10[%parallel_loop3A_335, %parallel_loop3A_336] {strides = array<i32>} : memref<40x64xf32, #tpu.memory_space<vmem>>, vector<16xf32>,
        %parallel_loop3A_338 = vector.bitcast %parallel_loop3A_337 : vector<16xf32> to vector<32xbf16>
        %parallel_loop3A_339 = tpu.unpack_subelements %parallel_loop3A_334, 0 {pack_format = #tpu.pack_format<interleaved>} : vector<32xbf16> -> vector<16xf32>
        %parallel_loop3A_340 = tpu.unpack_subelements %parallel_loop3A_334, 1 {pack_format = #tpu.pack_format<interleaved>} : vector<32xbf16> -> vector<16xf32>
        %parallel_loop3A_341 = tpu.unpack_subelements %parallel_loop3A_338, 0 {pack_format = #tpu.pack_format<interleaved>} : vector<32xbf16> -> vector<16xf32>
        %parallel_loop3A_342 = tpu.unpack_subelements %parallel_loop3A_338, 1 {pack_format = #tpu.pack_format<interleaved>} : vector<32xbf16> -> vector<16xf32>
        %parallel_loop3A_343 = arith.mulf %parallel_loop3A_339, %parallel_loop3A_341 : vector<16xf32>
        %parallel_loop3A_344 = arith.constant true
        %parallel_loop3A_345 = vector.broadcast %parallel_loop3A_344 : i1 to vector<16xi1>
        %parallel_loop3A_346 = tpu.scan <sum>, %parallel_loop3A_343 masked %parallel_loop3A_345 : vector<16xf32>, vector<16xi1> -> vector<16xf32>
        %parallel_loop3A_347 = vector.extract %parallel_loop3A_346[15] : f32 from vector<16xf32>
        %parallel_loop3A_348 = vector.broadcast %parallel_loop3A_347 : f32 to vector<16xf32>
        %parallel_loop3A_349 = math.exp %parallel_loop3A_348 : vector<16xf32>
        %parallel_loop3A_350 = arith.index_cast %parallel_loop3A_184 : i32 to index
        %parallel_loop3A_351 = arith.constant 160 : index
        %parallel_loop3A_352 = tpu.vector_load %arg8[%parallel_loop3A_350, %parallel_loop3A_351] {strides = array<i32>} : memref<40x192xf32, #tpu.memory_space<vmem>>, vector<16xf32>,
        %parallel_loop3A_353 = arith.mulf %parallel_loop3A_352, %parallel_loop3A_349 : vector<16xf32>
        %parallel_loop3A_354 = arith.index_cast %parallel_loop3A_184 : i32 to index
        %parallel_loop3A_355 = arith.constant 96 : index
        %parallel_loop3A_356 = tpu.vector_load %arg12[%parallel_loop3A_354, %parallel_loop3A_355] {strides = array<i32>} : memref<40x144xf32, #tpu.memory_space<vmem>>, vector<16xf32>,
        tpu.vector_store %arg12[%parallel_loop3A_354, %parallel_loop3A_355], %parallel_loop3A_353 {strides = array<i32>} : memref<40x144xf32, #tpu.memory_space<vmem>>, vector<16xf32>,
        %parallel_loop3A_357 = arith.constant 6 : i32
        %parallel_loop3A_358 = vector.broadcast %parallel_loop3A_357 : i32 to vector<16xi32>
        %parallel_loop3A_359 = arith.cmpi eq, %iota3A, %parallel_loop3A_358 : vector<16xi32>
        %parallel_loop3A_360 = arith.select %parallel_loop3A_359, %parallel_loop3A_349, %parallel_loop3A_330 : vector<16xi1>, vector<16xf32>
        %parallel_loop3A_361 = arith.mulf %parallel_loop3A_340, %parallel_loop3A_342 : vector<16xf32>
        %parallel_loop3A_362 = arith.constant true
        %parallel_loop3A_363 = vector.broadcast %parallel_loop3A_362 : i1 to vector<16xi1>
        %parallel_loop3A_364 = tpu.scan <sum>, %parallel_loop3A_361 masked %parallel_loop3A_363 : vector<16xf32>, vector<16xi1> -> vector<16xf32>
        %parallel_loop3A_365 = vector.extract %parallel_loop3A_364[15] : f32 from vector<16xf32>
        %parallel_loop3A_366 = vector.broadcast %parallel_loop3A_365 : f32 to vector<16xf32>
        %parallel_loop3A_367 = math.exp %parallel_loop3A_366 : vector<16xf32>
        %parallel_loop3A_368 = arith.index_cast %parallel_loop3A_184 : i32 to index
        %parallel_loop3A_369 = arith.constant 176 : index
        %parallel_loop3A_370 = tpu.vector_load %arg8[%parallel_loop3A_368, %parallel_loop3A_369] {strides = array<i32>} : memref<40x192xf32, #tpu.memory_space<vmem>>, vector<16xf32>,
        %parallel_loop3A_371 = arith.mulf %parallel_loop3A_370, %parallel_loop3A_367 : vector<16xf32>
        %parallel_loop3A_372 = arith.index_cast %parallel_loop3A_184 : i32 to index
        %parallel_loop3A_373 = arith.constant 112 : index
        %parallel_loop3A_374 = tpu.vector_load %arg12[%parallel_loop3A_372, %parallel_loop3A_373] {strides = array<i32>} : memref<40x144xf32, #tpu.memory_space<vmem>>, vector<16xf32>,
        tpu.vector_store %arg12[%parallel_loop3A_372, %parallel_loop3A_373], %parallel_loop3A_371 {strides = array<i32>} : memref<40x144xf32, #tpu.memory_space<vmem>>, vector<16xf32>,
        %parallel_loop3A_375 = arith.constant 7 : i32
        %parallel_loop3A_376 = vector.broadcast %parallel_loop3A_375 : i32 to vector<16xi32>
        %parallel_loop3A_377 = arith.cmpi eq, %iota3A, %parallel_loop3A_376 : vector<16xi32>
        %parallel_loop3A_378 = arith.select %parallel_loop3A_377, %parallel_loop3A_367, %parallel_loop3A_360 : vector<16xi1>, vector<16xf32>
        %parallel_loop3A_379 = arith.index_cast %parallel_loop3A_184 : i32 to index
        %parallel_loop3A_380 = arith.constant 128 : index
        %parallel_loop3A_381 = tpu.vector_load %arg12[%parallel_loop3A_379, %parallel_loop3A_380] {strides = array<i32>} : memref<40x144xf32, #tpu.memory_space<vmem>>, vector<16xf32>,
        tpu.vector_store %arg12[%parallel_loop3A_379, %parallel_loop3A_380], %parallel_loop3A_378 {strides = array<i32>} : memref<40x144xf32, #tpu.memory_space<vmem>>, vector<16xf32>,
      } {sc.loop_unroll_factor = 2 : i64, sc.parallel_access}
      %dma_wait3A_117 = arith.constant 1 : i32
      %dma_wait3A_118 = tpu.memref_slice %arg4[%dma_wait3A_117, %mul3A_27] : memref<2x320000xi32, #tpu.memory_space<hbm>> -> memref<1x40xi32, #tpu.memory_space<hbm>>
      %dma_wait3A_119 = arith.constant 1 : i32
      %dma_wait3A_120 = tpu.memref_slice %arg4[%dma_wait3A_119, %mul3A_27] : memref<2x320000xi32, #tpu.memory_space<hbm>> -> memref<1x40xi32, #tpu.memory_space<hbm>>
      tpu.wait_dma2 semaphore(%arg22 : memref<!tpu.dma_semaphore, #tpu.memory_space<semaphore_mem>>) src(%dma_wait3A_120 : memref<1x40xi32, #tpu.memory_space<hbm>>) dst(%arg13 : memref<1x40xi32, #tpu.memory_space<vmem>>)
      %dma_start3A_121 = arith.constant 0 : i32
      %dma_start3A_122 = arith.constant 0 : i32
      %dma_start3A_123 = tpu.memref_slice %arg13[%dma_start3A_121, %dma_start3A_122] : memref<1x40xi32, #tpu.memory_space<vmem>> -> memref<1x40xi32, #tpu.memory_space<vmem>>
      %dma_start3A_124 = tpu.memref_squeeze %dma_start3A_123 : memref<1x40xi32, #tpu.memory_space<vmem>> -> memref<40xi32, #tpu.memory_space<vmem>>
      %dma_start3A_125 = arith.constant 0 : i32
      %dma_start3A_126 = arith.constant 0 : i32
      %dma_start3A_127 = tpu.memref_slice %arg15[%dma_start3A_125, %dma_start3A_126] : memref<10000x144xf32, #tpu.memory_space<vmem_shared>> -> memref<10000x144xf32, #tpu.memory_space<vmem_shared>>
      tpu.enqueue_indirect_dma source(%arg12 : memref<40x144xf32, #tpu.memory_space<vmem>>) target(%dma_start3A_127 : memref<10000x144xf32, #tpu.memory_space<vmem_shared>>) offsets(%dma_start3A_124 : memref<40xi32, #tpu.memory_space<vmem>>) semaphore(%arg24 : memref<!tpu.dma_semaphore, #tpu.memory_space<semaphore_mem>>) {add = true}
      %add3A_128 = arith.constant 1 : i32
      %add3A_129 = arith.addi %add3A_76, %add3A_128 : i32
      %mul3A_130 = arith.constant 40 : i32
      %mul3A_131 = arith.muli %add3A_129, %mul3A_130 : i32
      %add3A_132 = arith.addi %mul3A_27, %mul3A_131 : i32
      %dma_start3A_133 = arith.constant 1 : i32
      %dma_start3A_134 = tpu.memref_slice %arg4[%dma_start3A_133, %add3A_132] : memref<2x320000xi32, #tpu.memory_space<hbm>> -> memref<1x40xi32, #tpu.memory_space<hbm>>
      %dma_start3A_135 = arith.constant 1 : i32
      %dma_start3A_136 = tpu.memref_slice %arg4[%dma_start3A_135, %add3A_132] : memref<2x320000xi32, #tpu.memory_space<hbm>> -> memref<1x40xi32, #tpu.memory_space<hbm>>
      tpu.enqueue_dma source(%dma_start3A_136 : memref<1x40xi32, #tpu.memory_space<hbm>>) target(%arg14 : memref<1x40xi32, #tpu.memory_space<vmem>>) target_semaphore(%arg23 : memref<!tpu.dma_semaphore, #tpu.memory_space<semaphore_mem>>)
      %dma_wait3A_137 = arith.constant 0 : i32
      %dma_wait3A_138 = arith.constant 0 : i32
      %dma_wait3A_139 = tpu.memref_slice %arg7[%dma_wait3A_137, %dma_wait3A_138] : memref<2x40xi32, #tpu.memory_space<vmem>> -> memref<1x40xi32, #tpu.memory_space<vmem>>
      %dma_wait3A_140 = tpu.memref_squeeze %dma_wait3A_139 : memref<1x40xi32, #tpu.memory_space<vmem>> -> memref<40xi32, #tpu.memory_space<vmem>>
      %dma_wait3A_141 = arith.constant 0 : i32
      %dma_wait3A_142 = arith.constant 0 : i32
      %dma_wait3A_143 = tpu.memref_slice %arg3[%dma_wait3A_141, %dma_wait3A_142] : memref<10000x192xf32, #tpu.memory_space<hbm>> -> memref<10000x192xf32, #tpu.memory_space<hbm>>
      tpu.wait_indirect_dma semaphore(%arg19 : memref<!tpu.dma_semaphore, #tpu.memory_space<semaphore_mem>>) src(%dma_wait3A_143 : memref<10000x192xf32, #tpu.memory_space<hbm>>) dst(%arg9 : memref<40x192xf32, #tpu.memory_space<vmem>>)
      %dma_wait3A_144 = arith.constant 1 : i32
      %dma_wait3A_145 = arith.constant 0 : i32
      %dma_wait3A_146 = tpu.memref_slice %arg7[%dma_wait3A_144, %dma_wait3A_145] : memref<2x40xi32, #tpu.memory_space<vmem>> -> memref<1x40xi32, #tpu.memory_space<vmem>>
      %dma_wait3A_147 = tpu.memref_squeeze %dma_wait3A_146 : memref<1x40xi32, #tpu.memory_space<vmem>> -> memref<40xi32, #tpu.memory_space<vmem>>
      %dma_wait3A_148 = arith.constant 0 : i32
      %dma_wait3A_149 = arith.constant 0 : i32
      %dma_wait3A_150 = tpu.memref_slice %arg2[%dma_wait3A_148, %dma_wait3A_149] : memref<10000x64xf32, #tpu.memory_space<hbm>> -> memref<10000x64xf32, #tpu.memory_space<hbm>>
      tpu.wait_indirect_dma semaphore(%arg21 : memref<!tpu.dma_semaphore, #tpu.memory_space<semaphore_mem>>) src(%dma_wait3A_150 : memref<10000x64xf32, #tpu.memory_space<hbm>>) dst(%arg11 : memref<40x64xf32, #tpu.memory_space<vmem>>)
      %add3A_151 = arith.constant 2 : i32
      %add3A_152 = arith.addi %add3A_129, %add3A_151 : i32
      %lt3A_153 = arith.constant 250 : i32
      %lt3A_154 = arith.cmpi slt, %add3A_152, %lt3A_153 : i32
      %convert_element_type3A_155 = arith.extui %lt3A_154 : i1 to i32
      %cond3A_156 = arith.constant 0 : i32
      %cond3A_157 = arith.cmpi ne, %convert_element_type3A_155, %cond3A_156 : i32
      scf.if %cond3A_157 {
        %add3A_184 = arith.constant 2 : i32
        %add3A_185 = arith.addi %add3A_129, %add3A_184 : i32
        %mul3A_186 = arith.constant 40 : i32
        %mul3A_187 = arith.muli %add3A_185, %mul3A_186 : i32
        %add3A_188 = arith.addi %mul3A_27, %mul3A_187 : i32
        %dma_start3A_189 = arith.constant 0 : i32
        %dma_start3A_190 = tpu.memref_slice %arg4[%dma_start3A_189, %add3A_188] : memref<2x320000xi32, #tpu.memory_space<hbm>> -> memref<2x40xi32, #tpu.memory_space<hbm>>
        %dma_start3A_191 = arith.constant 0 : i32
        %dma_start3A_192 = tpu.memref_slice %arg4[%dma_start3A_191, %add3A_188] : memref<2x320000xi32, #tpu.memory_space<hbm>> -> memref<2x40xi32, #tpu.memory_space<hbm>>
        tpu.enqueue_dma source(%dma_start3A_192 : memref<2x40xi32, #tpu.memory_space<hbm>>) target(%arg7 : memref<2x40xi32, #tpu.memory_space<vmem>>) target_semaphore(%arg17 : memref<!tpu.dma_semaphore, #tpu.memory_space<semaphore_mem>>)
      } else {
      }
      %add3A_158 = arith.constant 1 : i32
      %add3A_159 = arith.addi %add3A_129, %add3A_158 : i32
      %lt3A_160 = arith.constant 250 : i32
      %lt3A_161 = arith.cmpi slt, %add3A_159, %lt3A_160 : i32
      %convert_element_type3A_162 = arith.extui %lt3A_161 : i1 to i32
      %cond3A_163 = arith.constant 0 : i32
      %cond3A_164 = arith.cmpi ne, %convert_element_type3A_162, %cond3A_163 : i32
      scf.if %cond3A_164 {
        %dma_wait3A_184 = arith.constant 0 : i32
        %dma_wait3A_185 = tpu.memref_slice %arg4[%dma_wait3A_184, %mul3A_27] : memref<2x320000xi32, #tpu.memory_space<hbm>> -> memref<2x40xi32, #tpu.memory_space<hbm>>
        %dma_wait3A_186 = arith.constant 0 : i32
        %dma_wait3A_187 = tpu.memref_slice %arg4[%dma_wait3A_186, %mul3A_27] : memref<2x320000xi32, #tpu.memory_space<hbm>> -> memref<2x40xi32, #tpu.memory_space<hbm>>
        tpu.wait_dma2 semaphore(%arg16 : memref<!tpu.dma_semaphore, #tpu.memory_space<semaphore_mem>>) src(%dma_wait3A_187 : memref<2x40xi32, #tpu.memory_space<hbm>>) dst(%arg6 : memref<2x40xi32, #tpu.memory_space<vmem>>)
        %dma_start3A_188 = arith.constant 0 : i32
        %dma_start3A_189 = arith.constant 0 : i32
        %dma_start3A_190 = tpu.memref_slice %arg6[%dma_start3A_188, %dma_start3A_189] : memref<2x40xi32, #tpu.memory_space<vmem>> -> memref<1x40xi32, #tpu.memory_space<vmem>>
        %dma_start3A_191 = tpu.memref_squeeze %dma_start3A_190 : memref<1x40xi32, #tpu.memory_space<vmem>> -> memref<40xi32, #tpu.memory_space<vmem>>
        %dma_start3A_192 = arith.constant 0 : i32
        %dma_start3A_193 = arith.constant 0 : i32
        %dma_start3A_194 = tpu.memref_slice %arg3[%dma_start3A_192, %dma_start3A_193] : memref<10000x192xf32, #tpu.memory_space<hbm>> -> memref<10000x192xf32, #tpu.memory_space<hbm>>
        tpu.enqueue_indirect_dma source(%dma_start3A_194 : memref<10000x192xf32, #tpu.memory_space<hbm>>) target(%arg8 : memref<40x192xf32, #tpu.memory_space<vmem>>) offsets(%dma_start3A_191 : memref<40xi32, #tpu.memory_space<vmem>>) semaphore(%arg18 : memref<!tpu.dma_semaphore, #tpu.memory_space<semaphore_mem>>)
        %dma_start3A_195 = arith.constant 1 : i32
        %dma_start3A_196 = arith.constant 0 : i32
        %dma_start3A_197 = tpu.memref_slice %arg6[%dma_start3A_195, %dma_start3A_196] : memref<2x40xi32, #tpu.memory_space<vmem>> -> memref<1x40xi32, #tpu.memory_space<vmem>>
        %dma_start3A_198 = tpu.memref_squeeze %dma_start3A_197 : memref<1x40xi32, #tpu.memory_space<vmem>> -> memref<40xi32, #tpu.memory_space<vmem>>
        %dma_start3A_199 = arith.constant 0 : i32
        %dma_start3A_200 = arith.constant 0 : i32
        %dma_start3A_201 = tpu.memref_slice %arg2[%dma_start3A_199, %dma_start3A_200] : memref<10000x64xf32, #tpu.memory_space<hbm>> -> memref<10000x64xf32, #tpu.memory_space<hbm>>
        tpu.enqueue_indirect_dma source(%dma_start3A_201 : memref<10000x64xf32, #tpu.memory_space<hbm>>) target(%arg10 : memref<40x64xf32, #tpu.memory_space<vmem>>) offsets(%dma_start3A_198 : memref<40xi32, #tpu.memory_space<vmem>>) semaphore(%arg20 : memref<!tpu.dma_semaphore, #tpu.memory_space<semaphore_mem>>)
      } else {
      }
      %gt3A_165 = arith.constant 0 : i32
      %gt3A_166 = arith.cmpi sgt, %add3A_129, %gt3A_165 : i32
      %convert_element_type3A_167 = arith.extui %gt3A_166 : i1 to i32
      %cond3A_168 = arith.constant 0 : i32
      %cond3A_169 = arith.cmpi ne, %convert_element_type3A_167, %cond3A_168 : i32
      scf.if %cond3A_169 {
        %dma_wait3A_184 = arith.constant 0 : i32
        %dma_wait3A_185 = arith.constant 0 : i32
        %dma_wait3A_186 = tpu.memref_slice %arg13[%dma_wait3A_184, %dma_wait3A_185] : memref<1x40xi32, #tpu.memory_space<vmem>> -> memref<1x40xi32, #tpu.memory_space<vmem>>
        %dma_wait3A_187 = tpu.memref_squeeze %dma_wait3A_186 : memref<1x40xi32, #tpu.memory_space<vmem>> -> memref<40xi32, #tpu.memory_space<vmem>>
        %dma_wait3A_188 = arith.constant 0 : i32
        %dma_wait3A_189 = arith.constant 0 : i32
        %dma_wait3A_190 = tpu.memref_slice %arg15[%dma_wait3A_188, %dma_wait3A_189] : memref<10000x144xf32, #tpu.memory_space<vmem_shared>> -> memref<10000x144xf32, #tpu.memory_space<vmem_shared>>
        tpu.wait_indirect_dma semaphore(%arg24 : memref<!tpu.dma_semaphore, #tpu.memory_space<semaphore_mem>>) src(%arg12 : memref<40x144xf32, #tpu.memory_space<vmem>>) dst(%dma_wait3A_190 : memref<10000x144xf32, #tpu.memory_space<vmem_shared>>)
      } else {
      }
      %parallel_loop3A_170 = arith.constant 0 : i32
      %parallel_loop3A_171 = arith.constant 40 : i32
      %parallel_loop3A_172 = arith.constant 1 : i32
      scf.for %parallel_loop3A_184 = %parallel_loop3A_170 to %parallel_loop3A_171 step %parallel_loop3A_172  : i32 {
        %parallel_loop3A_185 = arith.constant 0.000000e+00 : f32
        %parallel_loop3A_186 = vector.broadcast %parallel_loop3A_185 : f32 to vector<16xf32>
        %parallel_loop3A_187 = arith.index_cast %parallel_loop3A_184 : i32 to index
        %parallel_loop3A_188 = arith.constant 0 : index
        %parallel_loop3A_189 = tpu.vector_load %arg9[%parallel_loop3A_187, %parallel_loop3A_188] {strides = array<i32>} : memref<40x192xf32, #tpu.memory_space<vmem>>, vector<16xf32>,
        %parallel_loop3A_190 = vector.bitcast %parallel_loop3A_189 : vector<16xf32> to vector<32xbf16>
        %parallel_loop3A_191 = arith.index_cast %parallel_loop3A_184 : i32 to index
        %parallel_loop3A_192 = arith.constant 0 : index
        %parallel_loop3A_193 = tpu.vector_load %arg11[%parallel_loop3A_191, %parallel_loop3A_192] {strides = array<i32>} : memref<40x64xf32, #tpu.memory_space<vmem>>, vector<16xf32>,
        %parallel_loop3A_194 = vector.bitcast %parallel_loop3A_193 : vector<16xf32> to vector<32xbf16>
        %parallel_loop3A_195 = tpu.unpack_subelements %parallel_loop3A_190, 0 {pack_format = #tpu.pack_format<interleaved>} : vector<32xbf16> -> vector<16xf32>
        %parallel_loop3A_196 = tpu.unpack_subelements %parallel_loop3A_190, 1 {pack_format = #tpu.pack_format<interleaved>} : vector<32xbf16> -> vector<16xf32>
        %parallel_loop3A_197 = tpu.unpack_subelements %parallel_loop3A_194, 0 {pack_format = #tpu.pack_format<interleaved>} : vector<32xbf16> -> vector<16xf32>
        %parallel_loop3A_198 = tpu.unpack_subelements %parallel_loop3A_194, 1 {pack_format = #tpu.pack_format<interleaved>} : vector<32xbf16> -> vector<16xf32>
        %parallel_loop3A_199 = arith.mulf %parallel_loop3A_195, %parallel_loop3A_197 : vector<16xf32>
        %parallel_loop3A_200 = arith.constant true
        %parallel_loop3A_201 = vector.broadcast %parallel_loop3A_200 : i1 to vector<16xi1>
        %parallel_loop3A_202 = tpu.scan <sum>, %parallel_loop3A_199 masked %parallel_loop3A_201 : vector<16xf32>, vector<16xi1> -> vector<16xf32>
        %parallel_loop3A_203 = vector.extract %parallel_loop3A_202[15] : f32 from vector<16xf32>
        %parallel_loop3A_204 = vector.broadcast %parallel_loop3A_203 : f32 to vector<16xf32>
        %parallel_loop3A_205 = math.exp %parallel_loop3A_204 : vector<16xf32>
        %parallel_loop3A_206 = arith.index_cast %parallel_loop3A_184 : i32 to index
        %parallel_loop3A_207 = arith.constant 64 : index
        %parallel_loop3A_208 = tpu.vector_load %arg9[%parallel_loop3A_206, %parallel_loop3A_207] {strides = array<i32>} : memref<40x192xf32, #tpu.memory_space<vmem>>, vector<16xf32>,
        %parallel_loop3A_209 = arith.mulf %parallel_loop3A_208, %parallel_loop3A_205 : vector<16xf32>
        %parallel_loop3A_210 = arith.index_cast %parallel_loop3A_184 : i32 to index
        %parallel_loop3A_211 = arith.constant 0 : index
        %parallel_loop3A_212 = tpu.vector_load %arg12[%parallel_loop3A_210, %parallel_loop3A_211] {strides = array<i32>} : memref<40x144xf32, #tpu.memory_space<vmem>>, vector<16xf32>,
        tpu.vector_store %arg12[%parallel_loop3A_210, %parallel_loop3A_211], %parallel_loop3A_209 {strides = array<i32>} : memref<40x144xf32, #tpu.memory_space<vmem>>, vector<16xf32>,
        %parallel_loop3A_213 = arith.constant 0 : i32
        %parallel_loop3A_214 = vector.broadcast %parallel_loop3A_213 : i32 to vector<16xi32>
        %parallel_loop3A_215 = arith.cmpi eq, %iota3A, %parallel_loop3A_214 : vector<16xi32>
        %parallel_loop3A_216 = arith.select %parallel_loop3A_215, %parallel_loop3A_205, %parallel_loop3A_186 : vector<16xi1>, vector<16xf32>
        %parallel_loop3A_217 = arith.mulf %parallel_loop3A_196, %parallel_loop3A_198 : vector<16xf32>
        %parallel_loop3A_218 = arith.constant true
        %parallel_loop3A_219 = vector.broadcast %parallel_loop3A_218 : i1 to vector<16xi1>
        %parallel_loop3A_220 = tpu.scan <sum>, %parallel_loop3A_217 masked %parallel_loop3A_219 : vector<16xf32>, vector<16xi1> -> vector<16xf32>
        %parallel_loop3A_221 = vector.extract %parallel_loop3A_220[15] : f32 from vector<16xf32>
        %parallel_loop3A_222 = vector.broadcast %parallel_loop3A_221 : f32 to vector<16xf32>
        %parallel_loop3A_223 = math.exp %parallel_loop3A_222 : vector<16xf32>
        %parallel_loop3A_224 = arith.index_cast %parallel_loop3A_184 : i32 to index
        %parallel_loop3A_225 = arith.constant 80 : index
        %parallel_loop3A_226 = tpu.vector_load %arg9[%parallel_loop3A_224, %parallel_loop3A_225] {strides = array<i32>} : memref<40x192xf32, #tpu.memory_space<vmem>>, vector<16xf32>,
        %parallel_loop3A_227 = arith.mulf %parallel_loop3A_226, %parallel_loop3A_223 : vector<16xf32>
        %parallel_loop3A_228 = arith.index_cast %parallel_loop3A_184 : i32 to index
        %parallel_loop3A_229 = arith.constant 16 : index
        %parallel_loop3A_230 = tpu.vector_load %arg12[%parallel_loop3A_228, %parallel_loop3A_229] {strides = array<i32>} : memref<40x144xf32, #tpu.memory_space<vmem>>, vector<16xf32>,
        tpu.vector_store %arg12[%parallel_loop3A_228, %parallel_loop3A_229], %parallel_loop3A_227 {strides = array<i32>} : memref<40x144xf32, #tpu.memory_space<vmem>>, vector<16xf32>,
        %parallel_loop3A_231 = arith.constant 1 : i32
        %parallel_loop3A_232 = vector.broadcast %parallel_loop3A_231 : i32 to vector<16xi32>
        %parallel_loop3A_233 = arith.cmpi eq, %iota3A, %parallel_loop3A_232 : vector<16xi32>
        %parallel_loop3A_234 = arith.select %parallel_loop3A_233, %parallel_loop3A_223, %parallel_loop3A_216 : vector<16xi1>, vector<16xf32>
        %parallel_loop3A_235 = arith.index_cast %parallel_loop3A_184 : i32 to index
        %parallel_loop3A_236 = arith.constant 16 : index
        %parallel_loop3A_237 = tpu.vector_load %arg9[%parallel_loop3A_235, %parallel_loop3A_236] {strides = array<i32>} : memref<40x192xf32, #tpu.memory_space<vmem>>, vector<16xf32>,
        %parallel_loop3A_238 = vector.bitcast %parallel_loop3A_237 : vector<16xf32> to vector<32xbf16>
        %parallel_loop3A_239 = arith.index_cast %parallel_loop3A_184 : i32 to index
        %parallel_loop3A_240 = arith.constant 16 : index
        %parallel_loop3A_241 = tpu.vector_load %arg11[%parallel_loop3A_239, %parallel_loop3A_240] {strides = array<i32>} : memref<40x64xf32, #tpu.memory_space<vmem>>, vector<16xf32>,
        %parallel_loop3A_242 = vector.bitcast %parallel_loop3A_241 : vector<16xf32> to vector<32xbf16>
        %parallel_loop3A_243 = tpu.unpack_subelements %parallel_loop3A_238, 0 {pack_format = #tpu.pack_format<interleaved>} : vector<32xbf16> -> vector<16xf32>
        %parallel_loop3A_244 = tpu.unpack_subelements %parallel_loop3A_238, 1 {pack_format = #tpu.pack_format<interleaved>} : vector<32xbf16> -> vector<16xf32>
        %parallel_loop3A_245 = tpu.unpack_subelements %parallel_loop3A_242, 0 {pack_format = #tpu.pack_format<interleaved>} : vector<32xbf16> -> vector<16xf32>
        %parallel_loop3A_246 = tpu.unpack_subelements %parallel_loop3A_242, 1 {pack_format = #tpu.pack_format<interleaved>} : vector<32xbf16> -> vector<16xf32>
        %parallel_loop3A_247 = arith.mulf %parallel_loop3A_243, %parallel_loop3A_245 : vector<16xf32>
        %parallel_loop3A_248 = arith.constant true
        %parallel_loop3A_249 = vector.broadcast %parallel_loop3A_248 : i1 to vector<16xi1>
        %parallel_loop3A_250 = tpu.scan <sum>, %parallel_loop3A_247 masked %parallel_loop3A_249 : vector<16xf32>, vector<16xi1> -> vector<16xf32>
        %parallel_loop3A_251 = vector.extract %parallel_loop3A_250[15] : f32 from vector<16xf32>
        %parallel_loop3A_252 = vector.broadcast %parallel_loop3A_251 : f32 to vector<16xf32>
        %parallel_loop3A_253 = math.exp %parallel_loop3A_252 : vector<16xf32>
        %parallel_loop3A_254 = arith.index_cast %parallel_loop3A_184 : i32 to index
        %parallel_loop3A_255 = arith.constant 96 : index
        %parallel_loop3A_256 = tpu.vector_load %arg9[%parallel_loop3A_254, %parallel_loop3A_255] {strides = array<i32>} : memref<40x192xf32, #tpu.memory_space<vmem>>, vector<16xf32>,
        %parallel_loop3A_257 = arith.mulf %parallel_loop3A_256, %parallel_loop3A_253 : vector<16xf32>
        %parallel_loop3A_258 = arith.index_cast %parallel_loop3A_184 : i32 to index
        %parallel_loop3A_259 = arith.constant 32 : index
        %parallel_loop3A_260 = tpu.vector_load %arg12[%parallel_loop3A_258, %parallel_loop3A_259] {strides = array<i32>} : memref<40x144xf32, #tpu.memory_space<vmem>>, vector<16xf32>,
        tpu.vector_store %arg12[%parallel_loop3A_258, %parallel_loop3A_259], %parallel_loop3A_257 {strides = array<i32>} : memref<40x144xf32, #tpu.memory_space<vmem>>, vector<16xf32>,
        %parallel_loop3A_261 = arith.constant 2 : i32
        %parallel_loop3A_262 = vector.broadcast %parallel_loop3A_261 : i32 to vector<16xi32>
        %parallel_loop3A_263 = arith.cmpi eq, %iota3A, %parallel_loop3A_262 : vector<16xi32>
        %parallel_loop3A_264 = arith.select %parallel_loop3A_263, %parallel_loop3A_253, %parallel_loop3A_234 : vector<16xi1>, vector<16xf32>
        %parallel_loop3A_265 = arith.mulf %parallel_loop3A_244, %parallel_loop3A_246 : vector<16xf32>
        %parallel_loop3A_266 = arith.constant true
        %parallel_loop3A_267 = vector.broadcast %parallel_loop3A_266 : i1 to vector<16xi1>
        %parallel_loop3A_268 = tpu.scan <sum>, %parallel_loop3A_265 masked %parallel_loop3A_267 : vector<16xf32>, vector<16xi1> -> vector<16xf32>
        %parallel_loop3A_269 = vector.extract %parallel_loop3A_268[15] : f32 from vector<16xf32>
        %parallel_loop3A_270 = vector.broadcast %parallel_loop3A_269 : f32 to vector<16xf32>
        %parallel_loop3A_271 = math.exp %parallel_loop3A_270 : vector<16xf32>
        %parallel_loop3A_272 = arith.index_cast %parallel_loop3A_184 : i32 to index
        %parallel_loop3A_273 = arith.constant 112 : index
        %parallel_loop3A_274 = tpu.vector_load %arg9[%parallel_loop3A_272, %parallel_loop3A_273] {strides = array<i32>} : memref<40x192xf32, #tpu.memory_space<vmem>>, vector<16xf32>,
        %parallel_loop3A_275 = arith.mulf %parallel_loop3A_274, %parallel_loop3A_271 : vector<16xf32>
        %parallel_loop3A_276 = arith.index_cast %parallel_loop3A_184 : i32 to index
        %parallel_loop3A_277 = arith.constant 48 : index
        %parallel_loop3A_278 = tpu.vector_load %arg12[%parallel_loop3A_276, %parallel_loop3A_277] {strides = array<i32>} : memref<40x144xf32, #tpu.memory_space<vmem>>, vector<16xf32>,
        tpu.vector_store %arg12[%parallel_loop3A_276, %parallel_loop3A_277], %parallel_loop3A_275 {strides = array<i32>} : memref<40x144xf32, #tpu.memory_space<vmem>>, vector<16xf32>,
        %parallel_loop3A_279 = arith.constant 3 : i32
        %parallel_loop3A_280 = vector.broadcast %parallel_loop3A_279 : i32 to vector<16xi32>
        %parallel_loop3A_281 = arith.cmpi eq, %iota3A, %parallel_loop3A_280 : vector<16xi32>
        %parallel_loop3A_282 = arith.select %parallel_loop3A_281, %parallel_loop3A_271, %parallel_loop3A_264 : vector<16xi1>, vector<16xf32>
        %parallel_loop3A_283 = arith.index_cast %parallel_loop3A_184 : i32 to index
        %parallel_loop3A_284 = arith.constant 32 : index
        %parallel_loop3A_285 = tpu.vector_load %arg9[%parallel_loop3A_283, %parallel_loop3A_284] {strides = array<i32>} : memref<40x192xf32, #tpu.memory_space<vmem>>, vector<16xf32>,
        %parallel_loop3A_286 = vector.bitcast %parallel_loop3A_285 : vector<16xf32> to vector<32xbf16>
        %parallel_loop3A_287 = arith.index_cast %parallel_loop3A_184 : i32 to index
        %parallel_loop3A_288 = arith.constant 32 : index
        %parallel_loop3A_289 = tpu.vector_load %arg11[%parallel_loop3A_287, %parallel_loop3A_288] {strides = array<i32>} : memref<40x64xf32, #tpu.memory_space<vmem>>, vector<16xf32>,
        %parallel_loop3A_290 = vector.bitcast %parallel_loop3A_289 : vector<16xf32> to vector<32xbf16>
        %parallel_loop3A_291 = tpu.unpack_subelements %parallel_loop3A_286, 0 {pack_format = #tpu.pack_format<interleaved>} : vector<32xbf16> -> vector<16xf32>
        %parallel_loop3A_292 = tpu.unpack_subelements %parallel_loop3A_286, 1 {pack_format = #tpu.pack_format<interleaved>} : vector<32xbf16> -> vector<16xf32>
        %parallel_loop3A_293 = tpu.unpack_subelements %parallel_loop3A_290, 0 {pack_format = #tpu.pack_format<interleaved>} : vector<32xbf16> -> vector<16xf32>
        %parallel_loop3A_294 = tpu.unpack_subelements %parallel_loop3A_290, 1 {pack_format = #tpu.pack_format<interleaved>} : vector<32xbf16> -> vector<16xf32>
        %parallel_loop3A_295 = arith.mulf %parallel_loop3A_291, %parallel_loop3A_293 : vector<16xf32>
        %parallel_loop3A_296 = arith.constant true
        %parallel_loop3A_297 = vector.broadcast %parallel_loop3A_296 : i1 to vector<16xi1>
        %parallel_loop3A_298 = tpu.scan <sum>, %parallel_loop3A_295 masked %parallel_loop3A_297 : vector<16xf32>, vector<16xi1> -> vector<16xf32>
        %parallel_loop3A_299 = vector.extract %parallel_loop3A_298[15] : f32 from vector<16xf32>
        %parallel_loop3A_300 = vector.broadcast %parallel_loop3A_299 : f32 to vector<16xf32>
        %parallel_loop3A_301 = math.exp %parallel_loop3A_300 : vector<16xf32>
        %parallel_loop3A_302 = arith.index_cast %parallel_loop3A_184 : i32 to index
        %parallel_loop3A_303 = arith.constant 128 : index
        %parallel_loop3A_304 = tpu.vector_load %arg9[%parallel_loop3A_302, %parallel_loop3A_303] {strides = array<i32>} : memref<40x192xf32, #tpu.memory_space<vmem>>, vector<16xf32>,
        %parallel_loop3A_305 = arith.mulf %parallel_loop3A_304, %parallel_loop3A_301 : vector<16xf32>
        %parallel_loop3A_306 = arith.index_cast %parallel_loop3A_184 : i32 to index
        %parallel_loop3A_307 = arith.constant 64 : index
        %parallel_loop3A_308 = tpu.vector_load %arg12[%parallel_loop3A_306, %parallel_loop3A_307] {strides = array<i32>} : memref<40x144xf32, #tpu.memory_space<vmem>>, vector<16xf32>,
        tpu.vector_store %arg12[%parallel_loop3A_306, %parallel_loop3A_307], %parallel_loop3A_305 {strides = array<i32>} : memref<40x144xf32, #tpu.memory_space<vmem>>, vector<16xf32>,
        %parallel_loop3A_309 = arith.constant 4 : i32
        %parallel_loop3A_310 = vector.broadcast %parallel_loop3A_309 : i32 to vector<16xi32>
        %parallel_loop3A_311 = arith.cmpi eq, %iota3A, %parallel_loop3A_310 : vector<16xi32>
        %parallel_loop3A_312 = arith.select %parallel_loop3A_311, %parallel_loop3A_301, %parallel_loop3A_282 : vector<16xi1>, vector<16xf32>
        %parallel_loop3A_313 = arith.mulf %parallel_loop3A_292, %parallel_loop3A_294 : vector<16xf32>
        %parallel_loop3A_314 = arith.constant true
        %parallel_loop3A_315 = vector.broadcast %parallel_loop3A_314 : i1 to vector<16xi1>
        %parallel_loop3A_316 = tpu.scan <sum>, %parallel_loop3A_313 masked %parallel_loop3A_315 : vector<16xf32>, vector<16xi1> -> vector<16xf32>
        %parallel_loop3A_317 = vector.extract %parallel_loop3A_316[15] : f32 from vector<16xf32>
        %parallel_loop3A_318 = vector.broadcast %parallel_loop3A_317 : f32 to vector<16xf32>
        %parallel_loop3A_319 = math.exp %parallel_loop3A_318 : vector<16xf32>
        %parallel_loop3A_320 = arith.index_cast %parallel_loop3A_184 : i32 to index
        %parallel_loop3A_321 = arith.constant 144 : index
        %parallel_loop3A_322 = tpu.vector_load %arg9[%parallel_loop3A_320, %parallel_loop3A_321] {strides = array<i32>} : memref<40x192xf32, #tpu.memory_space<vmem>>, vector<16xf32>,
        %parallel_loop3A_323 = arith.mulf %parallel_loop3A_322, %parallel_loop3A_319 : vector<16xf32>
        %parallel_loop3A_324 = arith.index_cast %parallel_loop3A_184 : i32 to index
        %parallel_loop3A_325 = arith.constant 80 : index
        %parallel_loop3A_326 = tpu.vector_load %arg12[%parallel_loop3A_324, %parallel_loop3A_325] {strides = array<i32>} : memref<40x144xf32, #tpu.memory_space<vmem>>, vector<16xf32>,
        tpu.vector_store %arg12[%parallel_loop3A_324, %parallel_loop3A_325], %parallel_loop3A_323 {strides = array<i32>} : memref<40x144xf32, #tpu.memory_space<vmem>>, vector<16xf32>,
        %parallel_loop3A_327 = arith.constant 5 : i32
        %parallel_loop3A_328 = vector.broadcast %parallel_loop3A_327 : i32 to vector<16xi32>
        %parallel_loop3A_329 = arith.cmpi eq, %iota3A, %parallel_loop3A_328 : vector<16xi32>
        %parallel_loop3A_330 = arith.select %parallel_loop3A_329, %parallel_loop3A_319, %parallel_loop3A_312 : vector<16xi1>, vector<16xf32>
        %parallel_loop3A_331 = arith.index_cast %parallel_loop3A_184 : i32 to index
        %parallel_loop3A_332 = arith.constant 48 : index
        %parallel_loop3A_333 = tpu.vector_load %arg9[%parallel_loop3A_331, %parallel_loop3A_332] {strides = array<i32>} : memref<40x192xf32, #tpu.memory_space<vmem>>, vector<16xf32>,
        %parallel_loop3A_334 = vector.bitcast %parallel_loop3A_333 : vector<16xf32> to vector<32xbf16>
        %parallel_loop3A_335 = arith.index_cast %parallel_loop3A_184 : i32 to index
        %parallel_loop3A_336 = arith.constant 48 : index
        %parallel_loop3A_337 = tpu.vector_load %arg11[%parallel_loop3A_335, %parallel_loop3A_336] {strides = array<i32>} : memref<40x64xf32, #tpu.memory_space<vmem>>, vector<16xf32>,
        %parallel_loop3A_338 = vector.bitcast %parallel_loop3A_337 : vector<16xf32> to vector<32xbf16>
        %parallel_loop3A_339 = tpu.unpack_subelements %parallel_loop3A_334, 0 {pack_format = #tpu.pack_format<interleaved>} : vector<32xbf16> -> vector<16xf32>
        %parallel_loop3A_340 = tpu.unpack_subelements %parallel_loop3A_334, 1 {pack_format = #tpu.pack_format<interleaved>} : vector<32xbf16> -> vector<16xf32>
        %parallel_loop3A_341 = tpu.unpack_subelements %parallel_loop3A_338, 0 {pack_format = #tpu.pack_format<interleaved>} : vector<32xbf16> -> vector<16xf32>
        %parallel_loop3A_342 = tpu.unpack_subelements %parallel_loop3A_338, 1 {pack_format = #tpu.pack_format<interleaved>} : vector<32xbf16> -> vector<16xf32>
        %parallel_loop3A_343 = arith.mulf %parallel_loop3A_339, %parallel_loop3A_341 : vector<16xf32>
        %parallel_loop3A_344 = arith.constant true
        %parallel_loop3A_345 = vector.broadcast %parallel_loop3A_344 : i1 to vector<16xi1>
        %parallel_loop3A_346 = tpu.scan <sum>, %parallel_loop3A_343 masked %parallel_loop3A_345 : vector<16xf32>, vector<16xi1> -> vector<16xf32>
        %parallel_loop3A_347 = vector.extract %parallel_loop3A_346[15] : f32 from vector<16xf32>
        %parallel_loop3A_348 = vector.broadcast %parallel_loop3A_347 : f32 to vector<16xf32>
        %parallel_loop3A_349 = math.exp %parallel_loop3A_348 : vector<16xf32>
        %parallel_loop3A_350 = arith.index_cast %parallel_loop3A_184 : i32 to index
        %parallel_loop3A_351 = arith.constant 160 : index
        %parallel_loop3A_352 = tpu.vector_load %arg9[%parallel_loop3A_350, %parallel_loop3A_351] {strides = array<i32>} : memref<40x192xf32, #tpu.memory_space<vmem>>, vector<16xf32>,
        %parallel_loop3A_353 = arith.mulf %parallel_loop3A_352, %parallel_loop3A_349 : vector<16xf32>
        %parallel_loop3A_354 = arith.index_cast %parallel_loop3A_184 : i32 to index
        %parallel_loop3A_355 = arith.constant 96 : index
        %parallel_loop3A_356 = tpu.vector_load %arg12[%parallel_loop3A_354, %parallel_loop3A_355] {strides = array<i32>} : memref<40x144xf32, #tpu.memory_space<vmem>>, vector<16xf32>,
        tpu.vector_store %arg12[%parallel_loop3A_354, %parallel_loop3A_355], %parallel_loop3A_353 {strides = array<i32>} : memref<40x144xf32, #tpu.memory_space<vmem>>, vector<16xf32>,
        %parallel_loop3A_357 = arith.constant 6 : i32
        %parallel_loop3A_358 = vector.broadcast %parallel_loop3A_357 : i32 to vector<16xi32>
        %parallel_loop3A_359 = arith.cmpi eq, %iota3A, %parallel_loop3A_358 : vector<16xi32>
        %parallel_loop3A_360 = arith.select %parallel_loop3A_359, %parallel_loop3A_349, %parallel_loop3A_330 : vector<16xi1>, vector<16xf32>
        %parallel_loop3A_361 = arith.mulf %parallel_loop3A_340, %parallel_loop3A_342 : vector<16xf32>
        %parallel_loop3A_362 = arith.constant true
        %parallel_loop3A_363 = vector.broadcast %parallel_loop3A_362 : i1 to vector<16xi1>
        %parallel_loop3A_364 = tpu.scan <sum>, %parallel_loop3A_361 masked %parallel_loop3A_363 : vector<16xf32>, vector<16xi1> -> vector<16xf32>
        %parallel_loop3A_365 = vector.extract %parallel_loop3A_364[15] : f32 from vector<16xf32>
        %parallel_loop3A_366 = vector.broadcast %parallel_loop3A_365 : f32 to vector<16xf32>
        %parallel_loop3A_367 = math.exp %parallel_loop3A_366 : vector<16xf32>
        %parallel_loop3A_368 = arith.index_cast %parallel_loop3A_184 : i32 to index
        %parallel_loop3A_369 = arith.constant 176 : index
        %parallel_loop3A_370 = tpu.vector_load %arg9[%parallel_loop3A_368, %parallel_loop3A_369] {strides = array<i32>} : memref<40x192xf32, #tpu.memory_space<vmem>>, vector<16xf32>,
        %parallel_loop3A_371 = arith.mulf %parallel_loop3A_370, %parallel_loop3A_367 : vector<16xf32>
        %parallel_loop3A_372 = arith.index_cast %parallel_loop3A_184 : i32 to index
        %parallel_loop3A_373 = arith.constant 112 : index
        %parallel_loop3A_374 = tpu.vector_load %arg12[%parallel_loop3A_372, %parallel_loop3A_373] {strides = array<i32>} : memref<40x144xf32, #tpu.memory_space<vmem>>, vector<16xf32>,
        tpu.vector_store %arg12[%parallel_loop3A_372, %parallel_loop3A_373], %parallel_loop3A_371 {strides = array<i32>} : memref<40x144xf32, #tpu.memory_space<vmem>>, vector<16xf32>,
        %parallel_loop3A_375 = arith.constant 7 : i32
        %parallel_loop3A_376 = vector.broadcast %parallel_loop3A_375 : i32 to vector<16xi32>
        %parallel_loop3A_377 = arith.cmpi eq, %iota3A, %parallel_loop3A_376 : vector<16xi32>
        %parallel_loop3A_378 = arith.select %parallel_loop3A_377, %parallel_loop3A_367, %parallel_loop3A_360 : vector<16xi1>, vector<16xf32>
        %parallel_loop3A_379 = arith.index_cast %parallel_loop3A_184 : i32 to index
        %parallel_loop3A_380 = arith.constant 128 : index
        %parallel_loop3A_381 = tpu.vector_load %arg12[%parallel_loop3A_379, %parallel_loop3A_380] {strides = array<i32>} : memref<40x144xf32, #tpu.memory_space<vmem>>, vector<16xf32>,
        tpu.vector_store %arg12[%parallel_loop3A_379, %parallel_loop3A_380], %parallel_loop3A_378 {strides = array<i32>} : memref<40x144xf32, #tpu.memory_space<vmem>>, vector<16xf32>,
      } {sc.loop_unroll_factor = 2 : i64, sc.parallel_access}
      %dma_wait3A_173 = arith.constant 1 : i32
      %dma_wait3A_174 = tpu.memref_slice %arg4[%dma_wait3A_173, %mul3A_27] : memref<2x320000xi32, #tpu.memory_space<hbm>> -> memref<1x40xi32, #tpu.memory_space<hbm>>
      %dma_wait3A_175 = arith.constant 1 : i32
      %dma_wait3A_176 = tpu.memref_slice %arg4[%dma_wait3A_175, %mul3A_27] : memref<2x320000xi32, #tpu.memory_space<hbm>> -> memref<1x40xi32, #tpu.memory_space<hbm>>
      tpu.wait_dma2 semaphore(%arg23 : memref<!tpu.dma_semaphore, #tpu.memory_space<semaphore_mem>>) src(%dma_wait3A_176 : memref<1x40xi32, #tpu.memory_space<hbm>>) dst(%arg14 : memref<1x40xi32, #tpu.memory_space<vmem>>)
      %dma_start3A_177 = arith.constant 0 : i32
      %dma_start3A_178 = arith.constant 0 : i32
      %dma_start3A_179 = tpu.memref_slice %arg14[%dma_start3A_177, %dma_start3A_178] : memref<1x40xi32, #tpu.memory_space<vmem>> -> memref<1x40xi32, #tpu.memory_space<vmem>>
      %dma_start3A_180 = tpu.memref_squeeze %dma_start3A_179 : memref<1x40xi32, #tpu.memory_space<vmem>> -> memref<40xi32, #tpu.memory_space<vmem>>
      %dma_start3A_181 = arith.constant 0 : i32
      %dma_start3A_182 = arith.constant 0 : i32
      %dma_start3A_183 = tpu.memref_slice %arg15[%dma_start3A_181, %dma_start3A_182] : memref<10000x144xf32, #tpu.memory_space<vmem_shared>> -> memref<10000x144xf32, #tpu.memory_space<vmem_shared>>
      tpu.enqueue_indirect_dma source(%arg12 : memref<40x144xf32, #tpu.memory_space<vmem>>) target(%dma_start3A_183 : memref<10000x144xf32, #tpu.memory_space<vmem_shared>>) offsets(%dma_start3A_180 : memref<40xi32, #tpu.memory_space<vmem>>) semaphore(%arg24 : memref<!tpu.dma_semaphore, #tpu.memory_space<semaphore_mem>>) {add = true}
    }
    %scan3A_58 = arith.constant 125 : i32
    %dma_wait3A_59 = arith.constant 0 : i32
    %dma_wait3A_60 = arith.constant 0 : i32
    %dma_wait3A_61 = tpu.memref_slice %arg14[%dma_wait3A_59, %dma_wait3A_60] : memref<1x40xi32, #tpu.memory_space<vmem>> -> memref<1x40xi32, #tpu.memory_space<vmem>>
    %dma_wait3A_62 = tpu.memref_squeeze %dma_wait3A_61 : memref<1x40xi32, #tpu.memory_space<vmem>> -> memref<40xi32, #tpu.memory_space<vmem>>
    %dma_wait3A_63 = arith.constant 0 : i32
    %dma_wait3A_64 = arith.constant 0 : i32
    %dma_wait3A_65 = tpu.memref_slice %arg15[%dma_wait3A_63, %dma_wait3A_64] : memref<10000x144xf32, #tpu.memory_space<vmem_shared>> -> memref<10000x144xf32, #tpu.memory_space<vmem_shared>>
    tpu.wait_indirect_dma semaphore(%arg24 : memref<!tpu.dma_semaphore, #tpu.memory_space<semaphore_mem>>) src(%arg12 : memref<40x144xf32, #tpu.memory_space<vmem>>) dst(%dma_wait3A_65 : memref<10000x144xf32, #tpu.memory_space<vmem_shared>>)
    %barrier3A_66 = arith.constant 0 : index
    tpu.barrier barrier_id(%barrier3A_66)
    %scan3A_67 = arith.constant 0 : i32
    %scan3A_68 = arith.constant 5 : i32
    %scan3A_69 = arith.addi %scan3A_67, %scan3A_68 : i32
    %scan3A_70 = arith.constant 1 : i32
    scf.for %scan3A_72 = %scan3A_67 to %scan3A_69 step %scan3A_70  : i32 {
      %mul3A_73 = arith.constant 125 : i32
      %mul3A_74 = arith.muli %scan3A_72, %mul3A_73 : i32
      %add3A_75 = arith.constant 0 : i32
      %add3A_76 = arith.addi %add3A_75, %mul3A_74 : i32
      %add3A_77 = arith.addi %mul3A_20, %add3A_76 : i32
      %add3A_78 = arith.addi %mul3A_20, %add3A_76 : i32
      "tpu.region"() ({
        %run_scoped3A = tpu.sem_alloc : memref<!tpu.dma_semaphore, #tpu.memory_space<semaphore_mem>>
        %dma_start3A_79 = arith.constant 0 : i32
        %dma_start3A_80 = tpu.memref_slice %arg5[%arg0, %add3A_78, %dma_start3A_79] : memref<2x10000x144xf32, #tpu.memory_space<hbm>> -> memref<1x125x144xf32, #tpu.memory_space<hbm>>
        %dma_start3A_81 = tpu.memref_squeeze %dma_start3A_80 : memref<1x125x144xf32, #tpu.memory_space<hbm>> -> memref<125x144xf32, #tpu.memory_space<hbm>>
        %dma_start3A_82 = arith.constant 0 : i32
        %dma_start3A_83 = tpu.memref_slice %arg15[%add3A_77, %dma_start3A_82] : memref<10000x144xf32, #tpu.memory_space<vmem_shared>> -> memref<125x144xf32, #tpu.memory_space<vmem_shared>>
        tpu.enqueue_dma source(%dma_start3A_83 : memref<125x144xf32, #tpu.memory_space<vmem_shared>>) target(%dma_start3A_81 : memref<125x144xf32, #tpu.memory_space<hbm>>) target_semaphore(%run_scoped3A : memref<!tpu.dma_semaphore, #tpu.memory_space<semaphore_mem>>)
        %dma_wait3A_84 = arith.constant 0 : i32
        %dma_wait3A_85 = tpu.memref_slice %arg5[%arg0, %add3A_78, %dma_wait3A_84] : memref<2x10000x144xf32, #tpu.memory_space<hbm>> -> memref<1x125x144xf32, #tpu.memory_space<hbm>>
        %dma_wait3A_86 = tpu.memref_squeeze %dma_wait3A_85 : memref<1x125x144xf32, #tpu.memory_space<hbm>> -> memref<125x144xf32, #tpu.memory_space<hbm>>
        %dma_wait3A_87 = arith.constant 0 : i32
        %dma_wait3A_88 = tpu.memref_slice %arg15[%add3A_77, %dma_wait3A_87] : memref<10000x144xf32, #tpu.memory_space<vmem_shared>> -> memref<125x144xf32, #tpu.memory_space<vmem_shared>>
        tpu.wait_dma2 semaphore(%run_scoped3A : memref<!tpu.dma_semaphore, #tpu.memory_space<semaphore_mem>>) src(%dma_wait3A_88 : memref<125x144xf32, #tpu.memory_space<vmem_shared>>) dst(%dma_wait3A_86 : memref<125x144xf32, #tpu.memory_space<hbm>>)
        tpu.yield
      }) : () -> ()
    }
    %scan3A_71 = arith.constant 5 : i32
    return
  }
}

module attributes {stable_mosaic.version = 14 : i64} {
  func.func @body(%arg0: i32, %arg1: memref<1000x128xf32, #tpu.memory_space<vmem>>, %arg2: memref<128x128xf32, #tpu.memory_space<vmem>>, %arg3: memref<1x128xf32, #tpu.memory_space<vmem>>, %arg4: memref<128x128xf32, #tpu.memory_space<vmem>>, %arg5: memref<1x128xf32, #tpu.memory_space<vmem>>, %arg6: memref<1000x256xf32, #tpu.memory_space<vmem>>) attributes {dimension_semantics = [#tpu.dimension_semantics<arbitrary>], iteration_bounds = array<i64: 10>, scalar_prefetch = 0 : i64, scratch_operands = 0 : i64, tpu.core_type = #tpu.core_type<tc>, window_params = [{transform_indices = @transform_0, window_bounds = array<i64: 1000, 128>}, {pipeline_mode = #tpu.pipeline_mode<synchronous>, transform_indices = @transform_1, window_bounds = array<i64: 128, 128>}, {pipeline_mode = #tpu.pipeline_mode<synchronous>, transform_indices = @transform_2, window_bounds = array<i64: 1, 128>}, {pipeline_mode = #tpu.pipeline_mode<synchronous>, transform_indices = @transform_3, window_bounds = array<i64: 128, 128>}, {pipeline_mode = #tpu.pipeline_mode<synchronous>, transform_indices = @transform_4, window_bounds = array<i64: 1, 128>}, {transform_indices = @transform_5, window_bounds = array<i64: 1000, 256>}]} {
    %get3A = arith.constant 0 : index
    %get3A_0 = arith.constant 0 : index
    %get3A_1 = vector.load %arg1[%get3A, %get3A_0] : memref<1000x128xf32, #tpu.memory_space<vmem>>, vector<1000x128xf32>
    %get3A_2 = arith.constant 0 : index
    %get3A_3 = arith.constant 0 : index
    %get3A_4 = vector.load %arg2[%get3A_2, %get3A_3] : memref<128x128xf32, #tpu.memory_space<vmem>>, vector<128x128xf32>
    %dot_general3A = arith.constant dense<0.000000e+00> : vector<1000x128xf32>
    %dot_general3A_5 = tpu.matmul %get3A_1, %get3A_4, %dot_general3A {dimension_numbers = #tpu.dot_dimension_numbers<[1], [1], [0], [0], [0, 0, 1, 0], [], []>, transpose_lhs_hint = false} : vector<1000x128xf32>, vector<128x128xf32>, vector<1000x128xf32> -> vector<1000x128xf32>
    %get3A_6 = arith.constant 0 : index
    %get3A_7 = arith.constant 0 : index
    %get3A_8 = vector.load %arg4[%get3A_6, %get3A_7] : memref<128x128xf32, #tpu.memory_space<vmem>>, vector<128x128xf32>
    %dot_general3A_9 = arith.constant dense<0.000000e+00> : vector<1000x128xf32>
    %dot_general3A_10 = tpu.matmul %get3A_1, %get3A_8, %dot_general3A_9 {dimension_numbers = #tpu.dot_dimension_numbers<[1], [1], [0], [0], [0, 0, 1, 0], [], []>, transpose_lhs_hint = false} : vector<1000x128xf32>, vector<128x128xf32>, vector<1000x128xf32> -> vector<1000x128xf32>
    %get3A_11 = arith.constant 0 : index
    %get3A_12 = arith.constant 0 : index
    %get3A_13 = vector.load %arg3[%get3A_11, %get3A_12] : memref<1x128xf32, #tpu.memory_space<vmem>>, vector<1x128xf32>
    %add3A = vector.broadcast %get3A_13 : vector<1x128xf32> to vector<1000x128xf32>
    %add3A_14 = arith.addf %dot_general3A_5, %add3A : vector<1000x128xf32>
    %mul3A = arith.constant 2.500000e-01 : f32
    %mul3A_15 = vector.broadcast %mul3A : f32 to vector<1000x128xf32>
    %mul3A_16 = arith.mulf %add3A_14, %mul3A_15 : vector<1000x128xf32>
    %get3A_17 = arith.constant 0 : index
    %get3A_18 = arith.constant 0 : index
    %get3A_19 = vector.load %arg5[%get3A_17, %get3A_18] : memref<1x128xf32, #tpu.memory_space<vmem>>, vector<1x128xf32>
    %add3A_20 = vector.broadcast %get3A_19 : vector<1x128xf32> to vector<1000x128xf32>
    %add3A_21 = arith.addf %dot_general3A_10, %add3A_20 : vector<1000x128xf32>
    %concatenate3A = tpu.concatenate %mul3A_16, %add3A_21 in 1 : vector<1000x128xf32>, vector<1000x128xf32> -> vector<1000x256xf32>
    %swap3A = arith.constant 0 : index
    %swap3A_22 = arith.constant 0 : index
    %swap3A_23 = vector.load %arg6[%swap3A, %swap3A_22] : memref<1000x256xf32, #tpu.memory_space<vmem>>, vector<1000x256xf32>
    tpu.vector_store %arg6[%swap3A, %swap3A_22], %concatenate3A {strides = array<i32>} : memref<1000x256xf32, #tpu.memory_space<vmem>>, vector<1000x256xf32>,
    return
  }
  func.func @transform_0(%arg0: i32) -> (i32, i32) {
    %c0_i32 = arith.constant 0 : i32
    %c0_i32_0 = arith.constant 0 : i32
    return %arg0, %c0_i32 : i32, i32
  }
  func.func @transform_1(%arg0: i32) -> (i32, i32) {
    %c0_i32 = arith.constant 0 : i32
    %c0_i32_0 = arith.constant 0 : i32
    %c0_i32_1 = arith.constant 0 : i32
    return %c0_i32, %c0_i32_0 : i32, i32
  }
  func.func @transform_2(%arg0: i32) -> (i32, i32) {
    %c0_i32 = arith.constant 0 : i32
    %c0_i32_0 = arith.constant 0 : i32
    %c0_i32_1 = arith.constant 0 : i32
    return %c0_i32, %c0_i32_0 : i32, i32
  }
  func.func @transform_3(%arg0: i32) -> (i32, i32) {
    %c0_i32 = arith.constant 0 : i32
    %c0_i32_0 = arith.constant 0 : i32
    %c0_i32_1 = arith.constant 0 : i32
    return %c0_i32, %c0_i32_0 : i32, i32
  }
  func.func @transform_4(%arg0: i32) -> (i32, i32) {
    %c0_i32 = arith.constant 0 : i32
    %c0_i32_0 = arith.constant 0 : i32
    %c0_i32_1 = arith.constant 0 : i32
    return %c0_i32, %c0_i32_0 : i32, i32
  }
  func.func @transform_5(%arg0: i32) -> (i32, i32) {
    %c0_i32 = arith.constant 0 : i32
    %c0_i32_0 = arith.constant 0 : i32
    return %arg0, %c0_i32 : i32, i32
  }
}

module attributes {stable_mosaic.version = 14 : i64} {
  func.func @body(%arg0: i32, %arg1: memref<2x1000x144xf32, #tpu.memory_space<vmem>>, %arg2: memref<128x128xf32, #tpu.memory_space<vmem>>, %arg3: memref<1x128xf32, #tpu.memory_space<vmem>>, %arg4: memref<1000x128xf32, #tpu.memory_space<vmem>>) attributes {dimension_semantics = [#tpu.dimension_semantics<arbitrary>], iteration_bounds = array<i64: 10>, scalar_prefetch = 0 : i64, scratch_operands = 0 : i64, tpu.core_type = #tpu.core_type<tc>, window_params = [{transform_indices = @transform_0, window_bounds = array<i64: 2, 1000, 144>}, {pipeline_mode = #tpu.pipeline_mode<synchronous>, transform_indices = @transform_1, window_bounds = array<i64: 128, 128>}, {pipeline_mode = #tpu.pipeline_mode<synchronous>, transform_indices = @transform_2, window_bounds = array<i64: 1, 128>}, {transform_indices = @transform_3, window_bounds = array<i64: 1000, 128>}]} {
    %get3A = arith.constant 0 : index
    %get3A_0 = arith.constant 0 : index
    %get3A_1 = arith.constant 0 : index
    %get3A_2 = vector.load %arg1[%get3A, %get3A_0, %get3A_1] : memref<2x1000x144xf32, #tpu.memory_space<vmem>>, vector<1x1000x144xf32>
    %get3A_3 = vector.shape_cast %get3A_2 : vector<1x1000x144xf32> to vector<1000x144xf32>
    %get3A_4 = arith.constant 1 : index
    %get3A_5 = arith.constant 0 : index
    %get3A_6 = arith.constant 0 : index
    %get3A_7 = vector.load %arg1[%get3A_4, %get3A_5, %get3A_6] : memref<2x1000x144xf32, #tpu.memory_space<vmem>>, vector<1x1000x144xf32>
    %get3A_8 = vector.shape_cast %get3A_7 : vector<1x1000x144xf32> to vector<1000x144xf32>
    %add3A = arith.addf %get3A_3, %get3A_8 : vector<1000x144xf32>
    %slice3A = vector.extract_strided_slice %add3A {offsets = [0, 0], sizes = [1000, 128], strides = [1, 1]} : vector<1000x144xf32> to vector<1000x128xf32>
    %iota3A = tpu.iota {dimensions = array<i32: 0>} : vector<144x128xi32>
    %iota3A_9 = tpu.iota {dimensions = array<i32: 1>} : vector<144x128xi32>
    %ge3A = arith.constant 128 : i32
    %ge3A_10 = vector.broadcast %ge3A : i32 to vector<144x128xi32>
    %ge3A_11 = arith.cmpi sge, %iota3A, %ge3A_10 : vector<144x128xi32>
    %jit3A = arith.constant 16 : i32
    %div3A = vector.broadcast %jit3A : i32 to vector<144x128xi32>
    %div3A_12 = arith.divsi %iota3A_9, %div3A : vector<144x128xi32>
    %sign3A = arith.constant 0 : i32
    %sign3A_13 = vector.broadcast %sign3A : i32 to vector<144x128xi32>
    %sign3A_14 = arith.cmpi sgt, %iota3A_9, %sign3A_13 : vector<144x128xi32>
    %sign3A_15 = arith.extui %sign3A_14 : vector<144x128xi1> to vector<144x128xi32>
    %sign3A_16 = arith.constant 0 : i32
    %sign3A_17 = vector.broadcast %sign3A_16 : i32 to vector<144x128xi32>
    %sign3A_18 = arith.cmpi slt, %iota3A_9, %sign3A_17 : vector<144x128xi32>
    %sign3A_19 = arith.extui %sign3A_18 : vector<144x128xi1> to vector<144x128xi32>
    %sign3A_20 = arith.subi %sign3A_15, %sign3A_19 : vector<144x128xi32>
    %sign3A_21 = arith.constant 0 : i32
    %sign3A_22 = arith.cmpi sgt, %jit3A, %sign3A_21 : i32
    %sign3A_23 = arith.extui %sign3A_22 : i1 to i32
    %sign3A_24 = arith.constant 0 : i32
    %sign3A_25 = arith.cmpi slt, %jit3A, %sign3A_24 : i32
    %sign3A_26 = arith.extui %sign3A_25 : i1 to i32
    %sign3A_27 = arith.subi %sign3A_23, %sign3A_26 : i32
    %ne3A = vector.broadcast %sign3A_27 : i32 to vector<144x128xi32>
    %ne3A_28 = arith.cmpi ne, %sign3A_20, %ne3A : vector<144x128xi32>
    %rem3A = vector.broadcast %jit3A : i32 to vector<144x128xi32>
    %rem3A_29 = arith.remsi %iota3A_9, %rem3A : vector<144x128xi32>
    %ne3A_30 = arith.constant 0 : i32
    %ne3A_31 = vector.broadcast %ne3A_30 : i32 to vector<144x128xi32>
    %ne3A_32 = arith.cmpi ne, %rem3A_29, %ne3A_31 : vector<144x128xi32>
    %and3A = arith.andi %ne3A_28, %ne3A_32 : vector<144x128xi1>
    %sub3A = arith.constant 1 : i32
    %sub3A_33 = vector.broadcast %sub3A : i32 to vector<144x128xi32>
    %sub3A_34 = arith.subi %div3A_12, %sub3A_33 : vector<144x128xi32>
    %select_n3A = arith.select %and3A, %sub3A_34, %div3A_12 : vector<144x128xi1>, vector<144x128xi32>
    %sub3A_35 = arith.constant 128 : i32
    %sub3A_36 = vector.broadcast %sub3A_35 : i32 to vector<144x128xi32>
    %sub3A_37 = arith.subi %iota3A, %sub3A_36 : vector<144x128xi32>
    %eq3A = arith.cmpi eq, %select_n3A, %sub3A_37 : vector<144x128xi32>
    %and3A_38 = arith.andi %ge3A_11, %eq3A : vector<144x128xi1>
    %jit3A_39 = arith.constant 1.000000e+00 : f32
    %jit3A_40 = arith.constant 0.000000e+00 : f32
    %broadcast_in_dim3A = vector.broadcast %jit3A_39 : f32 to vector<144x128xf32>
    %broadcast_in_dim3A_41 = vector.broadcast %jit3A_40 : f32 to vector<144x128xf32>
    %select_n3A_42 = arith.select %and3A_38, %broadcast_in_dim3A, %broadcast_in_dim3A_41 : vector<144x128xi1>, vector<144x128xf32>
    %dot_general3A = arith.constant dense<0.000000e+00> : vector<1000x128xf32>
    %dot_general3A_43 = tpu.matmul %add3A, %select_n3A_42, %dot_general3A {dimension_numbers = #tpu.dot_dimension_numbers<[1], [0], [0], [1], [0, 0, 1, 1], [], []>, transpose_lhs_hint = false} : vector<1000x144xf32>, vector<144x128xf32>, vector<1000x128xf32> -> vector<1000x128xf32>
    %add3A_44 = arith.constant 1.000000e-16 : f32
    %add3A_45 = vector.broadcast %add3A_44 : f32 to vector<1000x128xf32>
    %add3A_46 = arith.addf %dot_general3A_43, %add3A_45 : vector<1000x128xf32>
    %div3A_47 = arith.divf %slice3A, %add3A_46 : vector<1000x128xf32>
    %get3A_48 = arith.constant 0 : index
    %get3A_49 = arith.constant 0 : index
    %get3A_50 = vector.load %arg2[%get3A_48, %get3A_49] : memref<128x128xf32, #tpu.memory_space<vmem>>, vector<128x128xf32>
    %dot_general3A_51 = arith.constant dense<0.000000e+00> : vector<1000x128xf32>
    %dot_general3A_52 = tpu.matmul %div3A_47, %get3A_50, %dot_general3A_51 {dimension_numbers = #tpu.dot_dimension_numbers<[1], [1], [0], [0], [0, 0, 1, 0], [], []>, transpose_lhs_hint = false} : vector<1000x128xf32>, vector<128x128xf32>, vector<1000x128xf32> -> vector<1000x128xf32>
    %get3A_53 = arith.constant 0 : index
    %get3A_54 = arith.constant 0 : index
    %get3A_55 = vector.load %arg3[%get3A_53, %get3A_54] : memref<1x128xf32, #tpu.memory_space<vmem>>, vector<1x128xf32>
    %add3A_56 = vector.broadcast %get3A_55 : vector<1x128xf32> to vector<1000x128xf32>
    %add3A_57 = arith.addf %dot_general3A_52, %add3A_56 : vector<1000x128xf32>
    %swap3A = arith.constant 0 : index
    %swap3A_58 = arith.constant 0 : index
    %swap3A_59 = vector.load %arg4[%swap3A, %swap3A_58] : memref<1000x128xf32, #tpu.memory_space<vmem>>, vector<1000x128xf32>
    tpu.vector_store %arg4[%swap3A, %swap3A_58], %add3A_57 {strides = array<i32>} : memref<1000x128xf32, #tpu.memory_space<vmem>>, vector<1000x128xf32>,
    return
  }
  func.func @transform_0(%arg0: i32) -> (i32, i32, i32) {
    %c0_i32 = arith.constant 0 : i32
    %c0_i32_0 = arith.constant 0 : i32
    %c0_i32_1 = arith.constant 0 : i32
    return %c0_i32, %arg0, %c0_i32_0 : i32, i32, i32
  }
  func.func @transform_1(%arg0: i32) -> (i32, i32) {
    %c0_i32 = arith.constant 0 : i32
    %c0_i32_0 = arith.constant 0 : i32
    %c0_i32_1 = arith.constant 0 : i32
    return %c0_i32, %c0_i32_0 : i32, i32
  }
  func.func @transform_2(%arg0: i32) -> (i32, i32) {
    %c0_i32 = arith.constant 0 : i32
    %c0_i32_0 = arith.constant 0 : i32
    %c0_i32_1 = arith.constant 0 : i32
    return %c0_i32, %c0_i32_0 : i32, i32
  }
  func.func @transform_3(%arg0: i32) -> (i32, i32) {
    %c0_i32 = arith.constant 0 : i32
    %c0_i32_0 = arith.constant 0 : i32
    return %arg0, %c0_i32 : i32, i32
  }
}

</mosaic_0001>

<sc_bundles>
// kernel: kernel.5.cloned.1.call-start
scs
__scs_entry_jumppad:
0x0: {  	(pc) =	sbr.rel $0x88, $3  }
0x1: {  	(tag) =	ssettag $0x0;
	lr =	simm.s32 $0x1  }
0x2: {  	[smem:$0x3F98] =	sst lr;
	_ =	strace $0xD0000000  }
0x3: {  	_ = 	snop  }
0x4: {  	_ = 	snop  }
0x5: {  	_ = 	snop  }
0x6: {  	_ = 	snop  }
0x7: {  	_ = 	snop  }
__scs_overlays_trampoline_lowered:
0x8: {  	[smem:$0x3FA7] =	sst s0  }
0x9: {  	[smem:$0x3FA8] =	sst s1  }
0xa: {  	[smem:$0x3FA9] =	sst s2  }
0xb: {  	[smem:$0x3FAA] =	sst s3  }
0xc: {  	[smem:$0x3FAB] =	sst s4  }
0xd: {  	[smem:$0x3FAC] =	sst s5  }
0xe: {  	[smem:$0x3FAD] =	sst s6  }
0xf: {  	[smem:$0x3FAE] =	sst s7  }
0x10: {  	[smem:$0x3FAF] =	sst s8  }
0x11: {  	[smem:$0x3FB0] =	sst s9;
	s0 =	simm.s32 @!p0 $0x0  }
0x12: {  	s1 =	sld [smem:$0x3F96];
	s0 =	simm.s32 @p0 $0x1  }
0x13: {  	[smem:$0x3FB1] =	sst s0;
	s0 =	simm.s32 @!p1 $0x0  }
0x14: {  	s2 =	sld [smem:$0x3F95];
	s0 =	simm.s32 @p1 $0x1  }
0x15: {  	[smem:$0x3FB2] =	sst s0;
	s0 =	simm.s32 @!p2 $0x0  }
0x16: {  	s3 =	sld [smem:$0x3FDB];
	s0 =	simm.s32 @p2 $0x1  }
0x17: {  	s4 =	simm.s32 $0x1BF5;
	[smem:$0x3FB4] =	sst s0  }
0x18: {  	s0 =	sld [smem:$0x3F97];
	_ =	swait.ge [sflag:s4], $0x0  }
0x19: {  	s7 =	sld [smem:$0x3F98]  }
0x1a: {  	s8 =	sadd.s32 $0xFFFFE003, lr  }
0x1b: {  	s9 =	sadd.s32 $0xFFFFFEF7, lr;
	s5 =	simm.s32 $0xFFFFFFFF;
	p2 =	slt.u32 s8, $0xFFFFF086  }
0x1c: {  	p1 =	slt.u32 s9, $0xF7A;
	s5 =	simm.s32 @!p2 $0x0  }
0x1d: {  	s5 =	simm.s32 @p1 $0x1;
	p0 =	seq.s32 s7, s2  }
0x1e: {  	s7 =	smul.u32 @!p0 $0xF7A, s2;
	p2 =	seq.s32 @!p0 s5, $0x0  }
0x1f: {  	s9 =	smul.u32 $0xF7A, s1;
	s8 =	simm.s32 @!p0 $0x1BF5;
	p2 =	por !p2, p0  }
0x20: {  	[sflag:s8] =	ssyncset.s32 @!p0 $0xFFFFF086;
	s6 =	sadd.s32 @!p0 s3, s7;
	s7 =	simm.s32 @!p0 $0x108  }
0x21: {  	s3 =	sadd.s32 s3, s9;
	s6 =	sadd.s32 @!p0 $0x88, s6;
	s7 =	simm.s32 @p2 $0x1082  }
0x22: {  	[simem:s7], [sflag:s8] =	dma.local @!p0 [hbm:s6], $0xF7A  }
0x23: {  	s9 =	sor.u32 $0xD0000000, s2;
	s6 =	simm.s32 $0x108;
	_ =	swait.ge @!p0 [sflag:s8], $0x0  }
0x24: {  	s3 =	sadd.s32 $0x88, s3;
	s6 =	simm.s32 @!p1 $0x1082;
	[sflag:s4] =	ssyncset.s32 $0xFFFFF086  }
0x25: {  	[simem:s6], [sflag:s4] =	dma.local [hbm:s3], $0xF7A  }
0x26: {  	[smem:$0x3F98] =	sst s1;
	(tag) =	ssettag s2;
	_ =	strace s9  }
0x27: {  	s1 =	sld [smem:$0x3FA8]  }
0x28: {  	s2 =	sld [smem:$0x3FA9]  }
0x29: {  	s4 =	sld [smem:$0x3FAB]  }
0x2a: {  	p0 =	seq.s32 s5, $0x0;
	s5 =	sld [smem:$0x3FAC]  }
0x2b: {  	s6 =	sld [smem:$0x3FAD]  }
0x2c: {  	s7 =	sld [smem:$0x3FAE]  }
0x2d: {  	s3 =	simm.s32 $0x108;
	s8 =	sld [smem:$0x3FAF]  }
0x2e: {  	s3 =	simm.s32 @!p0 $0x1082;
	s9 =	sld [smem:$0x3FB0]  }
0x2f: {  	lr =	sadd.s32 s0, s3;
	s0 =	sld [smem:$0x3FA7]  }
0x30: {  	s3 =	sld [smem:$0x3FAA]  }
0x31: {  	[smem:$0x3FB3] =	sst s10  }
0x32: {  	s10 =	sld [smem:$0x3FB1];
	_ =	sdelay $0x3  }
0x33: {  	p0 =	seq.s32 s10, $0x1;
	s10 =	sld [smem:$0x3FB3];
	_ =	sdelay $0x3  }
0x34: {  	[smem:$0x3FB3] =	sst s10  }
0x35: {  	s10 =	sld [smem:$0x3FB2];
	_ =	sdelay $0x3  }
0x36: {  	p1 =	seq.s32 s10, $0x1;
	s10 =	sld [smem:$0x3FB3];
	_ =	sdelay $0x3  }
0x37: {  	[smem:$0x3FB3] =	sst s10  }
0x38: {  	s10 =	sld [smem:$0x3FB4]  }
0x39: {  	_ = 	snop;
	(pc) =	sbr.ind lr, $3  }
0x3a: {  	_ = 	snop  }
0x3b: {  	_ = 	snop  }
0x3c: {  	p2 =	seq.s32 s10, $0x1;
	s10 =	sld [smem:$0x3FB3]  }
0x3d: {  	_ =	shalt  }
0x3e: {  	_ =	shalt  }
0x3f: {  	_ =	shalt  }
0x40: {  	_ =	shalt  }
0x41: {  	_ =	shalt  }
0x42: {  	_ =	shalt  }
0x43: {  	_ =	shalt  }
0x44: {  	_ =	shalt  }
0x45: {  	_ =	shalt  }
0x46: {  	_ =	shalt  }
0x47: {  	_ =	shalt  }
0x48: {  	_ =	shalt  }
0x49: {  	_ =	shalt  }
0x4a: {  	_ =	shalt  }
0x4b: {  	_ =	shalt  }
0x4c: {  	_ =	shalt  }
0x4d: {  	_ =	shalt  }
0x4e: {  	_ =	shalt  }
0x4f: {  	_ =	shalt  }
0x50: {  	_ =	shalt  }
0x51: {  	_ =	shalt  }
0x52: {  	_ =	shalt  }
0x53: {  	_ =	shalt  }
0x54: {  	_ =	shalt  }
0x55: {  	_ =	shalt  }
0x56: {  	_ =	shalt  }
0x57: {  	_ =	shalt  }
0x58: {  	_ =	shalt  }
0x59: {  	_ =	shalt  }
0x5a: {  	_ =	shalt  }
0x5b: {  	_ =	shalt  }
0x5c: {  	_ =	shalt  }
0x5d: {  	_ =	shalt  }
0x5e: {  	_ =	shalt  }
0x5f: {  	_ =	shalt  }
0x60: {  	_ =	shalt  }
0x61: {  	_ =	shalt  }
0x62: {  	_ =	shalt  }
0x63: {  	_ =	shalt  }
0x64: {  	_ =	shalt  }
0x65: {  	_ =	shalt  }
0x66: {  	_ =	shalt  }
0x67: {  	_ =	shalt  }
0x68: {  	_ =	shalt  }
0x69: {  	_ =	shalt  }
0x6a: {  	_ =	shalt  }
0x6b: {  	_ =	shalt  }
0x6c: {  	_ =	shalt  }
0x6d: {  	_ =	shalt  }
0x6e: {  	_ =	shalt  }
0x6f: {  	_ =	shalt  }
0x70: {  	_ =	shalt  }
0x71: {  	_ =	shalt  }
0x72: {  	_ =	shalt  }
0x73: {  	_ =	shalt  }
0x74: {  	_ =	shalt  }
0x75: {  	_ =	shalt  }
0x76: {  	_ =	shalt  }
0x77: {  	_ =	shalt  }
0x78: {  	_ =	shalt  }
0x79: {  	_ =	shalt  }
0x7a: {  	_ =	shalt  }
0x7b: {  	_ =	shalt  }
0x7c: {  	_ =	shalt  }
0x7d: {  	_ =	shalt  }
0x7e: {  	_ =	shalt  }
0x7f: {  	_ =	shalt  }
0x80: {  	_ =	shalt  }
0x81: {  	_ =	shalt  }
0x82: {  	_ =	shalt  }
0x83: {  	_ =	shalt  }
0x84: {  	_ =	shalt  }
0x85: {  	_ =	shalt  }
0x86: {  	_ =	shalt  }
0x87: {  	_ =	shalt  }
.Lfunc_end0:
.L_simem_size_0:
called_computation_lowered:
.L_overlay_start_0:
0x88: {  	s2 =	sld [smem:$0x3FD9]  }
0x89: {  	s3 =	sld [smem:$0x3FFE];
	_ =	sdelay $0x1  }
0x8a: {  	s1 =	srdreg.scid  }
0x8b: {  	s0 =	sand.u32 $0x1, s1  }
0x8c: {  	s17 =	sshll.u32 s0, $0xA;
	s2 =	sadd.s32 s3, s2  }
0x8d: {  	s2 =	sadd.s32 s2, s17  }
0x8e: {  	[smem:$0x3FBF] =	sst s2  }
0x8f: {  	_ = 	snop  }
0x90: {  	s2 =	sld [smem:$0x3FD0];
	(tm) =	ssettm $0x1  }
0x91: {  	s18 =	sld [smem:$0x3FFB];
	_ =	sdelay $0x3  }
0x92: {  	_ =	strace s18  }
0x93: {  	s3 =	sld [smem:$0x3FFC];
	_ =	sdelay $0x3  }
0x94: {  	_ =	strace s3  }
0x95: {  	s3 =	sld [smem:$0x3FFD];
	_ =	sdelay $0x3  }
0x96: {  	_ =	strace s3  }
0x97: {  	_ =	strace $0x8FFFFFFF  }
0x98: {  	s19 =	sld [smem:$0x3FDB];
	_ =	sdelay $0x1  }
0x99: {  	s4 =	simm.s32 $_scs_section_size  }
0x9a: {  	s5 =	simm.s32 $_size__tile_overlayer_lowered;
	s6 =	simm.s32 $_tile_overlayer_lowered  }
0x9b: {  	s22 =	simm.s32 $0x1BFF;
	s21 =	sshll.u32 s6, $0x1;
	s3 =	sadd.s32 s4, s19  }
0x9c: {  	s7 =	simm.s32 $0x0;
	s20 =	sshll.u32 s5, $0x1;
	s5 =	sadd.s32 s21, s3  }
0x9d: {  	[timem:s7], [sflag:s22] =	dma.local [hbm:s5], s20  }
0x9e: {  	_ =	swait.ge [sflag:s22], s20  }
0x9f: {  	s4 =	ssub.s32 $0x0, s20;
	[sflag:s22] =	ssyncset.done $0x0  }
0xa0: {  	[sflag:s22] =	ssyncadd.s32 s4;
	_ =	sdelay $0x1  }
0xa1: {  	s23 =	simm.s32 $0x1B8B  }
0xa2: {  	_ =	swait.ge [sflag:s23], $0x1  }
0xa3: {  	[sflag:s23] =	ssyncset.done $0x0  }
0xa4: {  	s25 =	simm.s32 $0x1B8E;
	s24 =	sld [smem:$0x3FFE];
	[sflag:s23] =	ssyncadd.s32 $0xFFFFFFFF  }
0xa5: {  	s26 =	simm.s32 $execute0_lowered;
	[smem:$0x3FD2] =	sst s25  }
0xa6: {  	s5 =	sshll.u32 s26, $0x1;
	_ =	strace $0x80000046;
	[dreg:$0x1] =	wrdreg $0xFFFFFFFF  }
0xa7: {  	s28 =	simm.s32 $_size_execute0_lowered;
	s3 =	sadd.s32 s3, s5;
	[dreg:$0x0] =	wrdreg $0x0  }
0xa8: {  	s5 =	sshll.u32 s28, $0x1;
	[dreg:$0x2] =	wrdreg s3  }
0xa9: {  	[dreg:$0x3] =	wrdreg s5  }
0xaa: {  	[dreg:$0x4] =	wrdreg $0xC0  }
0xab: {  	_ =	task [dreg:s7], $0x5FFFF  }
0xac: {  	[dreg:$0x1] =	wrdreg $0xFFFFFFFF  }
0xad: {  	[dreg:$0x0] =	wrdreg $0x60  }
0xae: {  	[dreg:$0x2] =	wrdreg s2  }
0xaf: {  	[dreg:$0x3] =	wrdreg s24  }
0xb0: {  	[dreg:$0x4] =	wrdreg $0x67700  }
0xb1: {  	[dreg:$0x5] =	wrdreg $0x9  }
0xb2: {  	_ =	task.clear_ibuf [dreg:s7], $0x6FFFF;
	_ =	strace $0x90000046  }
0xb3: {  	s29 =	simm.s32 $0x9;
	_ =	strace $0x80000048  }
0xb4: {  	_ =	swait.ge [sflag:s29], $0x1  }
0xb5: {  	[sflag:s29] =	ssyncadd.s32 $0xFFFFFFFF  }
0xb6: {  	_ =	strace $0x90000048  }
0xb7: {  	_ =	sfence  }
0xb8: {  	s30 =	sld [smem:$0x0];
	_ =	sdelay $0x2  }
0xb9: {  	s31 =	sshll.u32 s1, $0xD;
	s1 =	sshrl.u32 s1, $0x2  }
0xba: {  	s3 =	sand.u32 $0x4000, s31;
	s1 =	sadd.s32 s1, s30  }
0xbb: {  	s0 =	sor.u32 s3, s0;
	s1 =	sshll.u32 s1, $0x11  }
0xbc: {  	s0 =	sor.u32 s1, s0  }
0xbd: {  	s0 =	sadd.s32 $0x8F2B, s0  }
0xbe: {  	[sflag:s0] =	ssyncadd.remote.s32 $0x1  }
0xbf: {  	_ =	sfence.sel $0xFFFF  }
0xc0: {  	[dreg:$0x0] =	wrdreg $0xFFFFFFFF;
	(pc) =	sbr.abs _section_cstart, $3  }
0xc1: {  	[dreg:$0x1] =	wrdreg $0xFFFFFFFF  }
0xc2: {  	_ =	task.clear_ibuf [dreg:s7], $0x2FFFF;
	_ =	strace $0x9FFFFFFF  }
0xc3: {  	(tm) =	ssettm $0x7FFFFFFF  }
tec
execute0_lowered:
.L_overlay_start_1:
0x0: {  	(tag) =	ssettag $0x1  }
0x1: {  	s16 =	rddreg [dreg:$0x0]  }
0x2: {  	s0 =	rddreg [dreg:$0x1]  }
0x3: {  	s11 =	rddreg [dreg:$0x2]  }
0x4: {  	s1 =	srdreg.scid;
	s2 =	simm.s32 $0x0;
	s10 =	stileid.u32  }
0x5: {  	s28 =	simm.s32 $0x28;
	s29 =	simm.s32 $0x5;
	s1 =	sand.u32 $0x1, s1  }
0x6: {  	[smem:$0x7FF] =	sst s2;
	s5 =	sadd.s32 $0x1800, s0;
	s6 =	sadd.s32 $0x4FA00, s0  }
0x7: {  	s0 =	sadd.s32 $0x63400, s0;
	s9 =	smul.u32 $0x15F90, s10;
	s23 =	sshll.u32 s1, $0x4  }
0x8: {  	_ =	strace $0x80000047;
	s3 =	ssub.s32 $0x2, s1;
	s1 =	smul.u32 $0x15F900, s1  }
0x9: {  	s2 =	sor.u32 s10, s23;
	s4 =	sshrl.u32 s3, $0x1;
	s13 =	sadd.s32 $0x4650, s9  }
0xa: {  	s15 =	sadd.s32 $0x8CA0, s9;
	s17 =	sadd.s32 s9, s11;
	s10 =	smul.u32 $0x57E40, s10  }
0xb: {  	s20 =	sadd.s32 $0xD2F0, s9;
	s2 =	smul.u32 $0x2710, s2;
	s3 =	ssub.s32 s3, s4  }
0xc: {  	s30 =	sadd.s32 s1, s9;
	s14 =	sadd.s32 s1, s13;
	s18 =	sadd.s32 s1, s15  }
0xd: {  	s21 =	sadd.s32 s1, s20;
	s9 =	sadd.s32 $0x11940, s9;
	s22 =	sadd.s32 s20, s11  }
0xe: {  	s20 =	simm.s32 $0x50A0;
	s3 =	smax.u32 s3, $0x1;
	s19 =	sshrl.u32 s18, $0x3  }
0xf: {  	s1 =	sadd.s32 s1, s9;
	s23 =	sshrl.u32 s10, $0x2;
	s18 =	simm.s32 $0x6  }
0x10: {  	s7 =	sshrl.u32 s2, $0x3;
	s26 =	sadd.s32 $0x4E200, s2;
	[dreg:$0xb] =	wrdreg s3  }
0x11: {  	s8 =	sadd.s32 $0x28, s2;
	s31 =	sadd.s32 $0x50, s2;
	[dreg:$0x6] =	wrdreg s26  }
0x12: {  	s3 =	sshrl.u32 s14, $0x3;
	s24 =	sadd.s32 s6, s7;
	[dreg:$0x7] =	wrdreg s31  }
0x13: {  	s25 =	sshrl.u32 s8, $0x3;
	s8 =	sadd.s32 $0x4E228, s2;
	[dreg:$0x4] =	wrdreg s24  }
0x14: {  	s1 =	sshrl.u32 s1, $0x3;
	s2 =	sadd.s32 $0x78, s2;
	[dreg:$0x8] =	wrdreg s8  }
0x15: {  	s3 =	sadd.s32 s0, s3;
	s31 =	sshrl.u32 s22, $0x3;
	[dreg:$0x9] =	wrdreg s2  }
0x16: {  	s7 =	simm.s32 $0x2;
	s22 =	simm.s32 $0x8;
	[dreg:$0xc] =	wrdreg s3  }
0x17: {  	s4 =	sadd.s32 s6, s25;
	s2 =	sadd.s32 s13, s11;
	[dreg:$0x13] =	wrdreg s31  }
0x18: {  	s3 =	sadd.s32 s0, s19;
	s24 =	sadd.s32 s9, s11;
	[dreg:$0x5] =	wrdreg s4  }
0x19: {  	s19 =	sadd.s32 s23, s11;
	s25 =	sshrl.u32 s17, $0x3;
	[dreg:$0xd] =	wrdreg s3  }
0x1a: {  	s4 =	sshrl.u32 s30, $0x3;
	[dreg:$0x10] =	wrdreg s25;
	s26 =	sshrl.u32 s2, $0x3  }
0x1b: {  	s3 =	sshrl.u32 s21, $0x3;
	s12 =	sadd.s32 s0, s4;
	[dreg:$0x11] =	wrdreg s26  }
0x1c: {  	s17 =	simm.s32 $0x4;
	s3 =	sadd.s32 s0, s3;
	[dreg:$0xa] =	wrdreg s12  }
0x1d: {  	s4 =	sadd.s32 s15, s11;
	s0 =	sadd.s32 s0, s1;
	[dreg:$0xe] =	wrdreg s3  }
0x1e: {  	v0 =	vimm.f32 $0.0e+00;
	vm0 =	vmmov $0x1;
	vm1 =	vcmask $0x320;
	s21 =	simm.s32 $0x9;
	[dreg:$0xf] =	wrdreg s0;
	s30 =	sshrl.u32 s4, $0x3  }
0x1f: {  	vm2 =	vcmask $0x720;
	vm3 =	vcmask $0xB20;
	vm4 =	vcmask $0xF20;
	s26 =	simm.s32 $0xA;
	s0 =	sshrl.u32 s24, $0x3;
	[dreg:$0x12] =	wrdreg s30  }
0x20: {  	vm5 =	vcmask $0x1320;
	vm6 =	vcmask $0x1720;
	vm7 =	vcmask $0x1B20;
	s15 =	simm.s32 $0x7;
	s1 =	simm.s32 $0x0;
	[dreg:$0x14] =	wrdreg s0  }
.LBB2_1:
0x21: {  	[dreg:$0x15] =	wrdreg s1;
	s0 =	simm.s32 $0x80;
	s1 =	simm.s32 $0x440  }
.LBB2_2:
0x22: {  	p0 =	sne.s32 s1, $0x3800;
	[tilespmem:s0+$0x50A0] =	vst v0  }
0x23: {  	[tilespmem:s0+$0x5020] =	vst v0  }
0x24: {  	[tilespmem:s0+$0x5030] =	vst v0  }
0x25: {  	[tilespmem:s0+$0x5040] =	vst v0  }
.Ltmp0:
0x26: {  	[tilespmem:s0+$0x5050] =	vst v0;
	(pc) =	sbr.rel @p0 .LBB2_2-.Ltmp0, $4  }
0x27: {  	[tilespmem:s0+$0x5060] =	vst v0  }
0x28: {  	[tilespmem:s0+$0x5070] =	vst v0  }
0x29: {  	[tilespmem:s0+$0x5080] =	vst v0  }
0x2a: {  	[tilespmem:s0+$0x5090] =	vst v0;
	s0 =	sshra.s32 s1, $0x2;
	s1 =	sadd.s32 $0x240, s1  }
0x2b: {  	[tilespmem:s0+$0x50A0] =	vst v0  }
0x2c: {  	[tilespmem:s0+$0x5020] =	vst v0  }
0x2d: {  	[tilespmem:s0+$0x5030] =	vst v0  }
0x2e: {  	[tilespmem:s0+$0x5040] =	vst v0  }
0x2f: {  	[tilespmem:s0+$0x5050] =	vst v0  }
0x30: {  	[tilespmem:s0+$0x5060] =	vst v0  }
0x31: {  	[tilespmem:s0+$0x5070] =	vst v0  }
0x32: {  	[tilespmem:s0+$0x5080] =	vst v0  }
0x33: {  	[tilespmem:s0+$0x5090] =	vst v0;
	s31 =	sadd.s32 $0x0, s19  }
0x34: {  	[spmem:s31] =	stream.linear.scatter [tilespmem:s20], [sflag:$0xA], $0xE10, $0x38;
	[tilespmem:$0x1C700] =	vst v63  }
0x35: {  	s0 =	simm.s32 $0x3840;
	_ =	swait.ge [sflag:s26], $0xE10  }
.LBB2_4:
0x36: {  	s1 =	sshra.s32 s0, $0x2;
	[sflag:s26] =	ssyncset.done $0x0;
	p0 =	sne.s32 s0, $0x54600  }
.Ltmp1:
0x37: {  	s1 =	sadd.s32 s1, s19;
	[sflag:s26] =	ssyncadd.s32 $0xFFFFF1F0;
	(pc) =	sbr.rel @p0 .LBB2_4-.Ltmp1, $3  }
0x38: {  	[spmem:s1] =	stream.linear.scatter [tilespmem:s20], [sflag:$0xA], $0xE10, $0x38;
	[tilespmem:$0x1C700] =	vst v63  }
0x39: {  	s0 =	sadd.s32 $0x3840, s0;
	_ =	sdelay $0x1  }
0x3a: {  	_ =	swait.ge [sflag:s26], $0xE10  }
0x3b: {  	[sflag:s26] =	ssyncset.done $0x0  }
0x3c: {  	[sflag:s26] =	ssyncadd.s32 $0xFFFFF1F0  }
0x3d: {  	s24 =	simm.s32 $0x0;
	[bflag:$0x0] =	sbarrier.arrive $0xFFFF  }
0x3e: {  	s1 =	simm.s32 $0x4E200;
	s23 =	simm.s32 $0x1;
	s0 =	rddreg [dreg:$0x4]  }
0x3f: {  	[tilespmem:s24], [sflag:$0x1] =	stream.strided.gather [hbm4b:s0+s28], $0x50, s1, s28, $0x38;
	[tilespmem:$0x1C700] =	vst v63  }
0x40: {  	_ =	swait.ge [sflag:s23], $0x50  }
0x41: {  	[sflag:s23] =	ssyncset.done $0x0  }
0x42: {  	s2 =	simm.s32 $0x50;
	s25 =	rddreg [dreg:$0x5];
	[sflag:s23] =	ssyncadd.s32 $0xFFFFFFB0  }
0x43: {  	[tilespmem:s2], [sflag:$0x2] =	stream.strided.gather [hbm4b:s25+s28], $0x50, s1, s28, $0x38;
	[tilespmem:$0x1C700] =	vst v63  }
0x44: {  	s30 =	simm.s32 $0xA0  }
0x45: {  	[tilespmem:s30], [sflag:$0x3] =	stream.indirect.gather [hbm4b:s5+s28], $0xC0, s24, s28, $0xb8;
	[tilespmem:$0x1C700] =	vst v63  }
0x46: {  	s31 =	simm.s32 $0x3CA0  }
0x47: {  	[tilespmem:s31], [sflag:$0x5] =	stream.indirect.gather [hbm4b:s16+s28], $0x40, s28, s28, $0xb8;
	[tilespmem:$0x1C700] =	vst v63  }
.LBB2_6:
0x48: {  	s25 =	smul.u32 $0x50, s24  }
0x49: {  	s0 =	rddreg [dreg:$0x6]  }
0x4a: {  	s0 =	sadd.s32 s25, s0  }
0x4b: {  	s1 =	simm.s32 $0x0;
	s0 =	sshrl.u32 s0, $0x3  }
0x4c: {  	s2 =	simm.s32 $0x6720;
	s10 =	simm.s32 $0x3;
	s0 =	sadd.s32 s6, s0  }
0x4d: {  	[tilespmem:s2], [sflag:$0x7] =	stream.linear.gather [hbm4b:s0+s1], $0x28, $0x38;
	[tilespmem:$0x1C700] =	vst v63  }
0x4e: {  	_ =	swait.ge [sflag:s10], $0x1E00  }
0x4f: {  	[sflag:s10] =	ssyncset.done $0x0  }
0x50: {  	[sflag:s10] =	ssyncadd.s32 $0xFFFFE200  }
0x51: {  	_ =	swait.ge [sflag:s29], $0xA00  }
0x52: {  	p0 =	seq.s32 s24, $0x7C;
	s0 =	rddreg [dreg:$0x7]  }
0x53: {  	s4 =	simm.s32 @!p0 $0x0;
	s0 =	sadd.s32 @!p0 s25, s0  }
0x54: {  	s1 =	simm.s32 @!p0 $0x28;
	[sflag:s29] =	ssyncset.done $0x0;
	s0 =	sshrl.u32 @!p0 s0, $0x3  }
0x55: {  	s2 =	simm.s32 @!p0 $0x4E200;
	[sflag:s29] =	ssyncadd.s32 $0xFFFFF600;
	s0 =	sadd.s32 @!p0 s6, s0  }
0x56: {  	[tilespmem:s4], [sflag:$0x1] =	stream.strided.gather @!p0 [hbm4b:s0+s1], $0x50, s2, s1, $0x38;
	[tilespmem:$0x1C700] =	vst v63  }
0x57: {  	_ =	swait.ge [sflag:s7], $0x50  }
0x58: {  	s11 =	simm.s32 $0x50;
	[sflag:s7] =	ssyncset.done $0x0  }
0x59: {  	s12 =	simm.s32 $0x1EA0;
	p1 =	seq.s32 s24, $0x0;
	[sflag:s7] =	ssyncadd.s32 $0xFFFFFFB0  }
0x5a: {  	[tilespmem:s12], [sflag:$0x4] =	stream.indirect.gather [hbm4b:s5+s28], $0xC0, s11, s28, $0xb8;
	[tilespmem:$0x1C700] =	vst v63  }
0x5b: {  	s13 =	simm.s32 $0x78;
	s14 =	simm.s32 $0x46A0;
	s0 =	simm.s32 @!p1 $0x9  }
0x5c: {  	[tilespmem:s14], [sflag:$0x6] =	stream.indirect.gather [hbm4b:s16+s28], $0x40, s13, s28, $0xb8;
	[tilespmem:$0x1C700] =	vst v63  }
0x5d: {  	_ =	swait.ge @!p1 [sflag:s0], $0x1680  }
0x5e: {  	[sflag:s0] =	ssyncset.done @!p1 $0x0  }
0x5f: {  	s12 =	simm.s32 $0x160;
	[sflag:s0] =	ssyncadd.s32 @!p1 $0xFFFFE980  }
0x60: {  	s3 =	smov.u32 s16;
	s16 =	simm.s32 $0x3CE0;
	v1 =	vld [tilespmem:s12+$0xFFFFFF40]  }
0x61: {  	v2 =	vld [tilespmem:s16+$0x0]  }
0x62: {  	v3 =	vld [tilespmem:s12+$0x0]  }
0x63: {  	v4 =	vld [tilespmem:s16+$0xFFFFFFC0];
	_ =	sdelay $0x3  }
0x64: {  	v5 =	vunpack.i.u.bf16.f32 v2;
	v6 =	vunpack.i.u.bf16.f32 v3  }
0x65: {  	v7 =	vunpack.i.l.bf16.f32 v1;
	v8 =	vunpack.i.l.bf16.f32 v4;
	v5 =	vmul.f32 v5, v6  }
0x66: {  	v3 =	vunpack.i.l.bf16.f32 v3;
	v2 =	vunpack.i.l.bf16.f32 v2;
	v6 =	vmul.f32 v8, v7  }
0x67: {  	v2 =	vmul.f32 v2, v3;
	(xrf2) =	vadd.scan.msk.f32 $0xffff, v5  }
0x68: {  	(xrf2) =	vadd.scan.msk.f32 $0xffff, v6  }
0x69: {  	(xrf2) =	vadd.scan.msk.f32 $0xffff, v2;
	_ =	sdelay $0x3  }
0x6a: {  	v1 =	vunpack.i.u.bf16.f32 v1;
	v2 =	vunpack.i.u.bf16.f32 v4  }
0x6b: {  	v1 =	vmul.f32 v2, v1;
	_ =	sdelay $0x2  }
0x6c: {  	v2, _, _ =	vpop (xrf2)  }
0x6d: {  	(xrf2) =	vadd.scan.msk.f32 $0xffff, v1;
	v1, _, _ =	vpop (xrf2)  }
0x6e: {  	v3, _, _ =	vpop (xrf2)  }
0x6f: {  	v3 =	vmul.f32 $1.442695020e+00, v3  }
0x70: {  	v1 =	vmul.f32 $1.442695020e+00, v1  }
0x71: {  	v3 =	vbroadcast v3, $0xF  }
0x72: {  	v1 =	vbroadcast v1, $0xF  }
0x73: {  	(erf) = vpow2.f32 v3  }
0x74: {  	(erf) = vpow2.f32 v1;
	_ =	sdelay $0x2  }
0x75: {  	v1, _, _ =	vpop (xrf2)  }
0x76: {  	v1 =	vmul.f32 $1.442695020e+00, v1  }
0x77: {  	v3 =	vld [tilespmem:s12+$0xFFFFFF80]  }
0x78: {  	v1 =	vbroadcast v1, $0xF;
	_ =	sdelay $0x1  }
0x79: {  	(erf) = vpow2.f32 v1;
	v8 =	vpop (erf)  }
0x7a: {  	v6 =	vpop (erf)  }
0x7b: {  	v1 =	vmul.f32 v6, v3  }
0x7c: {  	s11 =	simm.s32 $0x5130  }
0x7d: {  	[tilespmem:s11+$0xFFFFFF70] =	vst v1  }
0x7e: {  	v1 =	vld [tilespmem:s12+$0xFFFFFF90]  }
0x7f: {  	s1 =	simm.s32 $0x3D60  }
0x80: {  	s23 =	simm.s32 $0x2E0;
	v7 =	vld [tilespmem:s1+$0xFFFFFFC0]  }
0x81: {  	v5 =	vld [tilespmem:s23+$0x0]  }
0x82: {  	v4 =	vld [tilespmem:s1+$0x0];
	v9 =	vpop (erf)  }
0x83: {  	v1 =	vmul.f32 v9, v1  }
0x84: {  	v3 =	vld [tilespmem:s23+$0xFFFFFF40]  }
0x85: {  	[tilespmem:s11+$0xFFFFFF80] =	vst v1  }
0x86: {  	v14 =	vunpack.i.l.bf16.f32 v7;
	v1 =	vld [tilespmem:s12+$0xFFFFFF50]  }
0x87: {  	v11 =	vunpack.i.u.bf16.f32 v5;
	v10 =	vunpack.i.u.bf16.f32 v4;
	v2 =	vmul.f32 $1.442695020e+00, v2;
	v12 =	vld [tilespmem:s16+$0xFFFFFFD0]  }
0x88: {  	v5 =	vunpack.i.l.bf16.f32 v5;
	v4 =	vunpack.i.l.bf16.f32 v4;
	v10 =	vmul.f32 v10, v11  }
0x89: {  	v4 =	vmul.f32 v4, v5;
	v2 =	vbroadcast v2, $0xF;
	v13 =	vunpack.i.l.bf16.f32 v3  }
0x8a: {  	v5 =	vunpack.i.u.bf16.f32 v7;
	v3 =	vunpack.i.u.bf16.f32 v3;
	v11 =	vmul.f32 v14, v13;
	v13 =	vld [tilespmem:s12+$0x40]  }
0x8b: {  	(xrf2) =	vadd.scan.msk.f32 $0xffff, v10;
	(erf) = vpow2.f32 v2;
	v3 =	vmul.f32 v5, v3  }
0x8c: {  	(xrf2) =	vadd.scan.msk.f32 $0xffff, v11;
	v7 =	vunpack.i.l.bf16.f32 v1;
	v1 =	vunpack.i.u.bf16.f32 v1;
	v10 =	vunpack.i.u.bf16.f32 v12  }
0x8d: {  	(xrf2) =	vadd.scan.msk.f32 $0xffff, v4;
	v5 =	vunpack.i.l.bf16.f32 v12;
	v1 =	vmul.f32 v10, v1  }
0x8e: {  	(xrf2) =	vadd.scan.msk.f32 $0xffff, v3;
	v2 =	vmul.f32 v5, v7  }
0x8f: {  	v3 =	vmul.f32 v8, v13;
	(xrf2) =	vadd.scan.msk.f32 $0xffff, v1  }
0x90: {  	(xrf2) =	vadd.scan.msk.f32 $0xffff, v2  }
0x91: {  	[tilespmem:s11+$0x0] =	vst v3  }
0x92: {  	v1 =	vld [tilespmem:s12+$0x50];
	_ =	sdelay $0x1  }
0x93: {  	v12 =	vpop (erf)  }
0x94: {  	v2, _, _ =	vpop (xrf2)  }
0x95: {  	v3, _, _ =	vpop (xrf2)  }
0x96: {  	s30 =	simm.s32 $0x460;
	v4, _, _ =	vpop (xrf2);
	v1 =	vmul.f32 v12, v1  }
0x97: {  	s2 =	simm.s32 $0x3DE0;
	v14 =	vld [tilespmem:s30+$0x0];
	v4 =	vmul.f32 $1.442695020e+00, v4;
	v5, _, _ =	vpop (xrf2)  }
0x98: {  	v13 =	vld [tilespmem:s2+$0x0];
	v3 =	vmul.f32 $1.442695020e+00, v3;
	[tilespmem:s11+$0x10] =	vst v1;
	v7, _, _ =	vpop (xrf2)  }
0x99: {  	v1 =	vbroadcast v4, $0xF;
	v4 =	vmul.f32 $1.442695020e+00, v5;
	v15 =	vld [tilespmem:s12+$0x10];
	v5, _, _ =	vpop (xrf2)  }
0x9a: {  	v3 =	vbroadcast v3, $0xF;
	v16 =	vld [tilespmem:s16+$0x10];
	v5 =	vmul.f32 $1.442695020e+00, v5  }
0x9b: {  	(erf) = vpow2.f32 v1;
	v1 =	vbroadcast v4, $0xF  }
0x9c: {  	(erf) = vpow2.f32 v3;
	v3 =	vbroadcast v5, $0xF  }
0x9d: {  	(erf) = vpow2.f32 v1  }
0x9e: {  	v1 =	vunpack.i.u.bf16.f32 v13;
	(erf) = vpow2.f32 v3;
	v3 =	vunpack.i.u.bf16.f32 v14  }
0x9f: {  	v4 =	vunpack.i.l.bf16.f32 v16;
	v1 =	vmul.f32 v1, v3;
	v3 =	vunpack.i.l.bf16.f32 v15  }
0xa0: {  	v3 =	vmul.f32 v4, v3  }
0xa1: {  	v4 =	vld [tilespmem:s23+$0xFFFFFF80];
	(xrf2) =	vadd.scan.msk.f32 $0xffff, v1  }
0xa2: {  	(xrf2) =	vadd.scan.msk.f32 $0xffff, v3;
	v3 =	vmul.f32 $1.442695020e+00, v7  }
0xa3: {  	v5 =	vld [tilespmem:s12+$0xFFFFFFA0]  }
0xa4: {  	v1 =	vpop (erf);
	v3 =	vbroadcast v3, $0xF  }
0xa5: {  	v11 =	vpop (erf)  }
0xa6: {  	v4 =	vmul.f32 v11, v4;
	v10 =	vpop (erf);
	(erf) = vpow2.f32 v3  }
0xa7: {  	s8 =	simm.s32 $0x5250;
	v7 =	vunpack.i.u.bf16.f32 v15;
	v3 =	vunpack.i.u.bf16.f32 v16;
	v15 =	vpop (erf)  }
0xa8: {  	v3 =	vmul.f32 v3, v7;
	[tilespmem:s8+$0xFFFFFF70] =	vst v4;
	v4 =	vmul.f32 v15, v5  }
0xa9: {  	v5 =	vld [tilespmem:s23+$0xFFFFFF90]  }
0xaa: {  	(xrf2) =	vadd.scan.msk.f32 $0xffff, v3;
	[tilespmem:s11+$0xFFFFFF90] =	vst v4  }
0xab: {  	v7, _, _ =	vpop (xrf2);
	v3 =	vld [tilespmem:s12+$0xFFFFFFB0]  }
0xac: {  	v18 =	vld [tilespmem:s2+$0xFFFFFFC0];
	v4, _, _ =	vpop (xrf2)  }
0xad: {  	v17 =	vld [tilespmem:s30+$0xFFFFFF40];
	v4 =	vmul.f32 $1.442695020e+00, v4  }
0xae: {  	v5 =	vmul.f32 v10, v5  }
0xaf: {  	v4 =	vbroadcast v4, $0xF;
	v16 =	vpop (erf)  }
0xb0: {  	[tilespmem:s8+$0xFFFFFF80] =	vst v5;
	v3 =	vmul.f32 v16, v3  }
0xb1: {  	v19 =	vunpack.i.l.bf16.f32 v18;
	v20 =	vld [tilespmem:s1+$0xFFFFFFD0];
	(erf) = vpow2.f32 v4  }
0xb2: {  	v2 =	vmul.f32 $1.442695020e+00, v2;
	v5 =	vunpack.i.l.bf16.f32 v17;
	v4 =	vld [tilespmem:s23+$0xFFFFFF50];
	[tilespmem:s11+$0xFFFFFFA0] =	vst v3  }
0xb3: {  	v13 =	vunpack.i.l.bf16.f32 v13;
	v14 =	vunpack.i.l.bf16.f32 v14;
	v3 =	vmul.f32 v19, v5;
	v5 =	vld [tilespmem:s12+$0xFFFFFF60]  }
0xb4: {  	v2 =	vbroadcast v2, $0xF;
	v13 =	vmul.f32 v13, v14;
	v19, _, _ =	vpop (xrf2);
	v21 =	vld [tilespmem:s16+$0xFFFFFFE0]  }
0xb5: {  	v14 =	vunpack.i.u.bf16.f32 v18;
	v17 =	vunpack.i.u.bf16.f32 v17;
	v19 =	vmul.f32 $1.442695020e+00, v19  }
0xb6: {  	v14 =	vmul.f32 v14, v17;
	(erf) = vpow2.f32 v2;
	(xrf2) =	vadd.scan.msk.f32 $0xffff, v3;
	v3 =	vld [tilespmem:s12+$0x60];
	v2 =	vunpack.i.u.bf16.f32 v20  }
0xb7: {  	(xrf2) =	vadd.scan.msk.f32 $0xffff, v13;
	v18 =	vunpack.i.l.bf16.f32 v4;
	v19 =	vbroadcast v19, $0xF;
	v4 =	vunpack.i.u.bf16.f32 v4  }
0xb8: {  	(xrf2) =	vadd.scan.msk.f32 $0xffff, v14;
	v14 =	vld [tilespmem:s23+$0x40];
	v2 =	vmul.f32 v2, v4  }
0xb9: {  	(erf) = vpow2.f32 v19;
	v4 =	vunpack.i.l.bf16.f32 v5;
	v17 =	vunpack.i.l.bf16.f32 v21  }
0xba: {  	v19 =	vunpack.i.l.bf16.f32 v20;
	v4 =	vmul.f32 v17, v4;
	v13 =	vpop (erf)  }
0xbb: {  	v17 =	vmul.f32 v19, v18;
	(xrf2) =	vadd.scan.msk.f32 $0xffff, v2;
	v3 =	vmul.f32 v13, v3  }
0xbc: {  	(xrf2) =	vadd.scan.msk.f32 $0xffff, v4  }
0xbd: {  	(xrf2) =	vadd.scan.msk.f32 $0xffff, v17;
	v17 =	vmul.f32 v1, v14;
	[tilespmem:s11+$0x20] =	vst v3  }
0xbe: {  	v3 =	vld [tilespmem:s12+$0x70]  }
0xbf: {  	v2 =	vpop (erf)  }
0xc0: {  	v4, _, _ =	vpop (xrf2)  }
0xc1: {  	[tilespmem:s8+$0x0] =	vst v17;
	v17, _, _ =	vpop (xrf2)  }
0xc2: {  	v14 =	vpop (erf);
	v17 =	vmul.f32 $1.442695020e+00, v17  }
0xc3: {  	v3 =	vmul.f32 v14, v3  }
0xc4: {  	v18 =	vld [tilespmem:s23+$0x50]  }
0xc5: {  	v4 =	vmul.f32 $1.442695020e+00, v4;
	v19, _, _ =	vpop (xrf2);
	[tilespmem:s11+$0x30] =	vst v3  }
0xc6: {  	v3 =	vbroadcast v17, $0xF;
	v17, _, _ =	vpop (xrf2);
	v20 =	vld [tilespmem:s16+$0x20]  }
0xc7: {  	v4 =	vbroadcast v4, $0xF;
	v22, _, _ =	vpop (xrf2);
	v23 =	vld [tilespmem:s12+$0x20]  }
0xc8: {  	(erf) = vpow2.f32 v3;
	v3 =	vmul.f32 $1.442695020e+00, v19;
	v19, _, _ =	vpop (xrf2)  }
0xc9: {  	v5 =	vunpack.i.u.bf16.f32 v5;
	v18 =	vmul.f32 v2, v18;
	v19 =	vmul.f32 $1.442695020e+00, v19  }
0xca: {  	s4 =	simm.s32 $0x3E60;
	v21 =	vunpack.i.u.bf16.f32 v21;
	(erf) = vpow2.f32 v4;
	v3 =	vbroadcast v3, $0xF  }
0xcb: {  	s13 =	simm.s32 $0x5E0;
	v24 =	vld [tilespmem:s4+$0x0];
	v4 =	vmul.f32 v21, v5;
	v5 =	vbroadcast v19, $0xF  }
0xcc: {  	[tilespmem:s8+$0x10] =	vst v18;
	v21 =	vld [tilespmem:s13+$0x0];
	(erf) = vpow2.f32 v3;
	v3 =	vunpack.i.l.bf16.f32 v20;
	v18 =	vunpack.i.l.bf16.f32 v23  }
0xcd: {  	v19 =	vld [tilespmem:s23+$0x10];
	v3 =	vmul.f32 v3, v18  }
0xce: {  	(xrf2) =	vadd.scan.msk.f32 $0xffff, v4;
	(erf) = vpow2.f32 v5;
	v18 =	vld [tilespmem:s1+$0x10]  }
0xcf: {  	v5 =	vmul.f32 $1.442695020e+00, v17;
	v17 =	vld [tilespmem:s30+$0xFFFFFF80];
	(xrf2) =	vadd.scan.msk.f32 $0xffff, v3;
	v3 =	vunpack.i.u.bf16.f32 v20  }
0xd0: {  	v4 =	vunpack.i.u.bf16.f32 v23  }
0xd1: {  	v25 =	vmul.f32 v3, v4  }
0xd2: {  	v23 =	vunpack.i.u.bf16.f32 v21;
	v5 =	vbroadcast v5, $0xF;
	v20 =	vunpack.i.u.bf16.f32 v24;
	v3 =	vpop (erf)  }
0xd3: {  	v26 =	vld [tilespmem:s23+$0xFFFFFFA0];
	v22 =	vmul.f32 $1.442695020e+00, v22;
	v20 =	vmul.f32 v20, v23;
	(xrf2) =	vadd.scan.msk.f32 $0xffff, v25;
	v4 =	vpop (erf)  }
0xd4: {  	v23 =	vunpack.i.l.bf16.f32 v19;
	v27 =	vunpack.i.l.bf16.f32 v18;
	v17 =	vmul.f32 v4, v17  }
0xd5: {  	s14 =	simm.s32 $0x5370;
	v23 =	vmul.f32 v27, v23  }
0xd6: {  	v25 =	vld [tilespmem:s13+$0xFFFFFF40];
	(erf) = vpow2.f32 v5;
	(xrf2) =	vadd.scan.msk.f32 $0xffff, v20;
	v20 =	vbroadcast v22, $0xF;
	v5 =	vpop (erf);
	[tilespmem:s14+$0xFFFFFF70] =	vst v17  }
0xd7: {  	(xrf2) =	vadd.scan.msk.f32 $0xffff, v23;
	v27 =	vpop (erf);
	v17 =	vld [tilespmem:s30+$0xFFFFFF90]  }
0xd8: {  	v22 =	vld [tilespmem:s4+$0xFFFFFFC0];
	v23 =	vmul.f32 v27, v26  }
0xd9: {  	(erf) = vpow2.f32 v20;
	v26, _, _ =	vpop (xrf2)  }
0xda: {  	v24 =	vunpack.i.l.bf16.f32 v24;
	v19 =	vunpack.i.u.bf16.f32 v19;
	v18 =	vunpack.i.u.bf16.f32 v18;
	[tilespmem:s8+$0xFFFFFF90] =	vst v23;
	v20, _, _ =	vpop (xrf2)  }
0xdb: {  	v21 =	vunpack.i.l.bf16.f32 v21;
	v18 =	vmul.f32 v18, v19;
	v19 =	vld [tilespmem:s23+$0xFFFFFFB0];
	v23 =	vmul.f32 $1.442695020e+00, v20  }
0xdc: {  	v21 =	vmul.f32 v24, v21;
	v28 =	vunpack.i.l.bf16.f32 v25;
	v17 =	vmul.f32 v5, v17  }
0xdd: {  	v26 =	vmul.f32 $1.442695020e+00, v26;
	v29 =	vunpack.i.l.bf16.f32 v22;
	(xrf2) =	vadd.scan.msk.f32 $0xffff, v18;
	v18 =	vbroadcast v23, $0xF;
	v24, _, _ =	vpop (xrf2)  }
0xde: {  	v23 =	vmul.f32 v29, v28;
	v28 =	vld [tilespmem:s12+$0xFFFFFFC0];
	v24 =	vmul.f32 $1.442695020e+00, v24  }
0xdf: {  	v26 =	vbroadcast v26, $0xF;
	v20 =	vpop (erf);
	(erf) = vpow2.f32 v18  }
0xe0: {  	[tilespmem:s14+$0xFFFFFF80] =	vst v17;
	(xrf2) =	vadd.scan.msk.f32 $0xffff, v23;
	v19 =	vmul.f32 v20, v19;
	v17, _, _ =	vpop (xrf2)  }
0xe1: {  	v18 =	vld [tilespmem:s30+$0xFFFFFF50];
	(erf) = vpow2.f32 v26;
	v29, _, _ =	vpop (xrf2);
	(xrf2) =	vadd.scan.msk.f32 $0xffff, v21;
	v21 =	vbroadcast v24, $0xF  }
0xe2: {  	v30 =	vld [tilespmem:s2+$0xFFFFFFD0];
	v24 =	vpop (erf);
	v23 =	vmul.f32 $1.442695020e+00, v29  }
0xe3: {  	[tilespmem:s8+$0xFFFFFFA0] =	vst v19;
	v19 =	vld [tilespmem:s12+$0x80];
	v26 =	vmul.f32 v24, v28;
	(erf) = vpow2.f32 v21  }
0xe4: {  	v29 =	vld [tilespmem:s1+$0xFFFFFFE0];
	v21 =	vunpack.i.u.bf16.f32 v22;
	v22 =	vunpack.i.u.bf16.f32 v25;
	v23 =	vbroadcast v23, $0xF  }
0xe5: {  	v28 =	vld [tilespmem:s23+$0xFFFFFF60];
	[tilespmem:s11+$0xFFFFFFB0] =	vst v26  }
0xe6: {  	v21 =	vmul.f32 v21, v22;
	v26 =	vld [tilespmem:s12+$0xFFFFFFD0];
	(erf) = vpow2.f32 v23  }
0xe7: {  	v7 =	vmul.f32 $1.442695020e+00, v7;
	v25 =	vunpack.i.u.bf16.f32 v30;
	v23 =	vunpack.i.u.bf16.f32 v18;
	v22, _, _ =	vpop (xrf2)  }
0xe8: {  	(xrf2) =	vadd.scan.msk.f32 $0xffff, v21;
	v23 =	vmul.f32 v25, v23;
	v21 =	vmul.f32 $1.442695020e+00, v22;
	v22 =	vpop (erf)  }
0xe9: {  	v31 =	vld [tilespmem:s30+$0x40];
	v7 =	vbroadcast v7, $0xF;
	v25 =	vunpack.i.l.bf16.f32 v29;
	v19 =	vmul.f32 v22, v19  }
0xea: {  	v30 =	vunpack.i.l.bf16.f32 v30;
	v32 =	vpop (erf);
	(xrf2) =	vadd.scan.msk.f32 $0xffff, v23;
	v21 =	vbroadcast v21, $0xF;
	v23 =	vunpack.i.l.bf16.f32 v28  }
0xeb: {  	v33 =	vld [tilespmem:s23+$0x60];
	v18 =	vunpack.i.l.bf16.f32 v18;
	v34, _, _ =	vpop (xrf2);
	v23 =	vmul.f32 v25, v23;
	[tilespmem:s11+$0x40] =	vst v19;
	v19 =	vmul.f32 v32, v26  }
0xec: {  	v18 =	vmul.f32 v30, v18;
	(erf) = vpow2.f32 v7;
	v25, _, _ =	vpop (xrf2);
	v26 =	vld [tilespmem:s12+$0x90]  }
0xed: {  	v30 =	vmul.f32 $1.442695020e+00, v25;
	(xrf2) =	vadd.scan.msk.f32 $0xffff, v23;
	v25 =	vpop (erf);
	(erf) = vpow2.f32 v21;
	[tilespmem:s11+$0xFFFFFFC0] =	vst v19  }
0xee: {  	v6 =	vnsel vm0, $0x0, v6;
	v19 =	vmul.f32 v3, v31;
	v21 =	vunpack.i.u.bf16.f32 v28;
	v28 =	vld [tilespmem:s12+$0xFFFFFF70]  }
0xef: {  	v29 =	vunpack.i.u.bf16.f32 v29;
	v23 =	vmul.f32 $1.442695020e+00, v34;
	v31 =	vld [tilespmem:s16+$0xFFFFFFF0];
	v30 =	vbroadcast v30, $0xF;
	v7 =	vpop (erf)  }
0xf0: {  	(xrf2) =	vadd.scan.msk.f32 $0xffff, v18;
	[tilespmem:s14+$0x0] =	vst v19;
	v19 =	vmul.f32 v29, v21;
	v18 =	vmul.f32 v7, v33  }
0xf1: {  	v6 =	vsel vm1, v6, v9;
	v21 =	vbroadcast v23, $0xF;
	v9 =	vmul.f32 v25, v26  }
0xf2: {  	v57 =	vld [tilespmem:s13+$0x40];
	v11 =	vnsel vm0, $0x0, v11;
	v6 =	vsel vm2, v6, v15;
	(erf) = vpow2.f32 v30;
	[tilespmem:s8+$0x20] =	vst v18  }
0xf3: {  	s10 =	simm.s32 $0x3EE0;
	v10 =	vsel vm1, v11, v10;
	v16 =	vsel vm3, v6, v16;
	v15, _, _ =	vpop (xrf2);
	(erf) = vpow2.f32 v21;
	v21 =	vld [tilespmem:s23+$0x70]  }
0xf4: {  	v40 =	vld [tilespmem:s10+$0xFFFFFFC0];
	v6 =	vmul.f32 $1.442695020e+00, v17;
	[tilespmem:s11+$0x50] =	vst v9;
	v23 =	vunpack.i.u.bf16.f32 v28;
	v26 =	vunpack.i.u.bf16.f32 v31;
	v17, _, _ =	vpop (xrf2)  }
0xf5: {  	v15 =	vmul.f32 $1.442695020e+00, v15;
	v30 =	vld [tilespmem:s16+$0x30];
	v26 =	vmul.f32 v26, v23;
	v9 =	vpop (erf)  }
0xf6: {  	(xrf2) =	vadd.scan.msk.f32 $0xffff, v19;
	v19 =	vld [tilespmem:s12+$0x30];
	v23 =	vbroadcast v6, $0xF;
	v11 =	vpop (erf)  }
0xf7: {  	v29 =	vld [tilespmem:s30+$0x50];
	v6 =	vsel vm2, v10, v27;
	v15 =	vbroadcast v15, $0xF;
	v10, _, _ =	vpop (xrf2);
	(xrf2) =	vadd.scan.msk.f32 $0xffff, v26;
	v26 =	vunpack.i.l.bf16.f32 v28  }
0xf8: {  	v27 =	vld [tilespmem:s13+$0xFFFFFF80];
	v28 =	vunpack.i.l.bf16.f32 v31;
	v10 =	vmul.f32 $1.442695020e+00, v10;
	v58 =	vmul.f32 v11, v21  }
0xf9: {  	s31 =	simm.s32 $0x760;
	v42 =	vunpack.i.l.bf16.f32 v40;
	v31 =	vld [tilespmem:s10+$0x0];
	v26 =	vmul.f32 v28, v26  }
0xfa: {  	v16 =	vsel vm4, v16, v24;
	(erf) = vpow2.f32 v15;
	v35, _, _ =	vpop (xrf2);
	v21 =	vld [tilespmem:s31+$0xFFFFFF40];
	v15 =	vunpack.i.l.bf16.f32 v30;
	[tilespmem:s8+$0x30] =	vst v58  }
0xfb: {  	v17 =	vmul.f32 $1.442695020e+00, v17;
	v28 =	vunpack.i.l.bf16.f32 v19;
	v35 =	vmul.f32 $1.442695020e+00, v35;
	(xrf2) =	vadd.scan.msk.f32 $0xffff, v26;
	v36 =	vld [tilespmem:s1+$0x20]  }
0xfc: {  	v59 =	vunpack.i.u.bf16.f32 v19;
	v19 =	vbroadcast v10, $0xF;
	v37 =	vmul.f32 v15, v28;
	v10 =	vpop (erf);
	v39 =	vld [tilespmem:s23+$0x20]  }
0xfd: {  	v6 =	vsel vm3, v6, v20;
	v28 =	vld [tilespmem:s31+$0x0];
	v26 =	vsel vm5, v16, v32;
	v16 =	vmul.f32 v9, v29;
	v15 =	vpop (erf)  }
0xfe: {  	v24 =	vld [tilespmem:s12+$0xFFFFFFE0];
	v30 =	vunpack.i.u.bf16.f32 v30;
	v60 =	vbroadcast v35, $0xF;
	(xrf2) =	vadd.scan.msk.f32 $0xffff, v37;
	v20 =	vmul.f32 v15, v27  }
0xff: {  	s0 =	simm.s32 $0x5490;
	v18 =	vld [tilespmem:s30+$0xFFFFFFA0];
	v17 =	vbroadcast v17, $0xF;
	v30 =	vmul.f32 v30, v59;
	v37 =	vunpack.i.u.bf16.f32 v31;
	[tilespmem:s14+$0x10] =	vst v16  }
0x100: {  	v31 =	vunpack.i.l.bf16.f32 v31;
	v33 =	vmul.f32 v10, v57;
	(erf) = vpow2.f32 v60;
	v34 =	vld [tilespmem:s30+$0x10];
	v27, _, _ =	vpop (xrf2);
	[tilespmem:s0+$0xFFFFFF70] =	vst v20  }
0x101: {  	v61 =	vunpack.i.l.bf16.f32 v21;
	v29 =	vunpack.i.l.bf16.f32 v36;
	v62 =	vunpack.i.l.bf16.f32 v39;
	v35 =	vld [tilespmem:s13+$0xFFFFFF90];
	v16, _, _ =	vpop (xrf2);
	(xrf2) =	vadd.scan.msk.f32 $0xffff, v30  }
0x102: {  	v32 =	vmul.f32 $1.442695020e+00, v27;
	v27 =	vld [tilespmem:s12+$0xA0];
	[tilespmem:s0+$0x0] =	vst v33;
	v63 =	vunpack.i.l.bf16.f32 v28;
	v41 =	vmul.f32 v29, v62  }
0x103: {  	v20 =	vld [tilespmem:s13+$0x50];
	v38 =	vunpack.i.u.bf16.f32 v36;
	v30 =	vunpack.i.u.bf16.f32 v40;
	v29 =	vmul.f32 v31, v63  }
0x104: {  	s9 =	simm.s32 $0x5490;
	s16 =	simm.s32 $0x8;
	v36 =	vld [tilespmem:s2+$0x10];
	v39 =	vunpack.i.u.bf16.f32 v39;
	v33 =	vmul.f32 $1.442695020e+00, v16;
	v16 =	vpop (erf);
	v31 =	vmul.f32 v42, v61;
	(xrf2) =	vadd.scan.msk.f32 $0xffff, v41  }
.LBB2_7:
0x105: {  	s16 =	sadd.s32 $0x2, s16;
	v28 =	vunpack.i.u.bf16.f32 v28;
	v32 =	vbroadcast v32, $0xF;
	v38 =	vmul.f32 v38, v39;
	v39, _, _ =	vpop (xrf2)  }
0x106: {  	p1 =	slt.u32 s16, $0x26;
	v0 =	vmul.f32 v16, v35;
	v40 =	vmul.f32 $1.442695020e+00, v39  }
0x107: {  	v28 =	vmul.f32 v37, v28;
	v37 =	vnsel vm0, $0x0, v4;
	v4 =	vmovc v15;
	(erf) = vpow2.f32 v17;
	(xrf2) =	vadd.scan.msk.f32 $0xffff, v38  }
0x108: {  	v15 =	vsel vm1, v37, v5;
	[tilespmem:s0+$0xFFFFFF80] =	vst v0;
	v0 =	vunpack.i.l.bf16.f32 v34;
	v17 =	vbroadcast v40, $0xF;
	v35, _, _ =	vpop (xrf2)  }
0x109: {  	v37 =	vld [tilespmem:s13+$0xFFFFFF50];
	v40 =	vunpack.i.u.bf16.f32 v36;
	v36 =	vunpack.i.l.bf16.f32 v36;
	v39 =	vpop (erf);
	v35 =	vmul.f32 $1.442695020e+00, v35  }
0x10a: {  	v5 =	vmovc v16;
	v34 =	vunpack.i.u.bf16.f32 v34;
	(xrf2) =	vadd.scan.msk.f32 $0xffff, v28;
	v28 =	vmul.f32 v39, v18;
	v18 =	vld [tilespmem:s13+$0xFFFFFFA0];
	v36 =	vmul.f32 v36, v0  }
0x10b: {  	v15 =	vsel vm2, v15, v39;
	v34 =	vmul.f32 v40, v34;
	v16 =	vld [tilespmem:s4+$0xFFFFFFD0];
	v35 =	vbroadcast v35, $0xF;
	v38, _, _ =	vpop (xrf2)  }
0x10c: {  	[tilespmem:s14+$0xFFFFFF90] =	vst v28;
	v28 =	vnsel vm0, $0x0, v8;
	v38 =	vmul.f32 $1.442695020e+00, v38;
	(erf) = vpow2.f32 v17;
	v8 =	vmovc v1;
	v1 =	vmovc v3  }
0x10d: {  	v3 =	vbroadcast v33, $0xF;
	v17 =	vld [tilespmem:s30+$0xFFFFFFB0];
	(xrf2) =	vadd.scan.msk.f32 $0xffff, v36;
	v28 =	vsel vm1, v28, v12;
	(erf) = vpow2.f32 v35;
	v12 =	vmovc v2  }
0x10e: {  	v33 =	vunpack.i.l.bf16.f32 v37;
	v2, _, _ =	vpop (xrf2);
	v28 =	vsel vm2, v28, v13;
	v35 =	vbroadcast v38, $0xF  }
0x10f: {  	v36 =	vunpack.i.u.bf16.f32 v37;
	v13 =	vmovc v7;
	v37 =	vmul.f32 $1.442695020e+00, v2;
	(erf) = vpow2.f32 v3;
	v2 =	vmovc v9  }
0x110: {  	v0 =	vunpack.i.u.bf16.f32 v21;
	v7 =	vunpack.i.u.bf16.f32 v16;
	v9 =	vpop (erf);
	(xrf2) =	vadd.scan.msk.f32 $0xffff, v34;
	(erf) = vpow2.f32 v35  }
0x111: {  	v21 =	vmul.f32 v30, v0;
	v15 =	vsel vm3, v15, v9;
	v30 =	vbroadcast v37, $0xF;
	v34, _, _ =	vpop (xrf2)  }
0x112: {  	v16 =	vunpack.i.l.bf16.f32 v16;
	v3 =	vmovc v10;
	v7 =	vmul.f32 v7, v36;
	(erf) = vpow2.f32 v19  }
0x113: {  	v10 =	vmul.f32 v16, v33;
	v16 =	vsel vm3, v28, v14;
	v14 =	vmovc v11;
	(xrf2) =	vadd.scan.msk.f32 $0xffff, v31  }
0x114: {  	v9 =	vmul.f32 v9, v17;
	v17 =	vmul.f32 $1.442695020e+00, v34;
	v16 =	vsel vm4, v16, v22;
	v11, _, _ =	vpop (xrf2)  }
0x115: {  	v16 =	vsel vm5, v16, v25;
	v11 =	vmul.f32 $1.442695020e+00, v11;
	v19 =	vld [tilespmem:s23+$0xFFFFFFC0];
	(erf) = vpow2.f32 v30;
	v22 =	vpop (erf)  }
0x116: {  	v17 =	vbroadcast v17, $0xF;
	(xrf2) =	vadd.scan.msk.f32 $0xffff, v29;
	[tilespmem:s14+$0xFFFFFFA0] =	vst v9;
	v9 =	vld [tilespmem:s23+$0x80];
	v0 =	vmul.f32 v22, v24;
	v25 =	vpop (erf)  }
0x117: {  	v22 =	vsel vm6, v26, v22;
	v28 =	vld [tilespmem:s30+$0xFFFFFF60];
	v29, _, _ =	vpop (xrf2);
	v30 =	vmul.f32 v25, v27;
	v16 =	vsel vm6, v16, v25  }
0x118: {  	v11 =	vbroadcast v11, $0xF;
	v25 =	vld [tilespmem:s2+$0xFFFFFFE0];
	v27 =	vmul.f32 $1.442695020e+00, v29;
	[tilespmem:s11+$0xFFFFFFD0] =	vst v0;
	v24 =	vpop (erf)  }
0x119: {  	(xrf2) =	vadd.scan.msk.f32 $0xffff, v21;
	(erf) = vpow2.f32 v32;
	v21 =	vld [tilespmem:s12+$0xFFFFFFF0];
	v22 =	vsel vm7, v22, v24;
	[tilespmem:s11+$0x60] =	vst v30;
	v26 =	vpop (erf)  }
0x11a: {  	v27 =	vbroadcast v27, $0xF;
	v29, _, _ =	vpop (xrf2);
	[tilespmem:s11+$0xFFFFFFF0] =	vst v22;
	v30 =	vld [tilespmem:s12+$0xB0];
	v16 =	vsel vm7, v16, v26;
	s12 =	smov.u32 s23;
	s23 =	smov.u32 s30;
	s30 =	smov.u32 s13  }
0x11b: {  	s13 =	smov.u32 s31;
	v0 =	vmul.f32 $1.442695020e+00, v29;
	v29 =	vpop (erf);
	[tilespmem:s11+$0x80] =	vst v16  }
0x11c: {  	(xrf2) =	vadd.scan.msk.f32 $0xffff, v7;
	v7 =	vmul.f32 v29, v19;
	v16 =	vsel vm4, v6, v29;
	(erf) = vpow2.f32 v17;
	v6 =	vmovc v15  }
0x11d: {  	v17 =	vunpack.i.u.bf16.f32 v28;
	v15, _, _ =	vpop (xrf2);
	v19 =	vunpack.i.u.bf16.f32 v25;
	v29 =	vbroadcast v0, $0xF  }
0x11e: {  	v28 =	vunpack.i.l.bf16.f32 v28;
	(erf) = vpow2.f32 v27;
	[tilespmem:s8+$0xFFFFFFB0] =	vst v7;
	v22 =	vpop (erf);
	v7 =	vmul.f32 v24, v21  }
0x11f: {  	s0 =	sadd.s32 $0x120, s0;
	v21 =	vunpack.i.l.bf16.f32 v25;
	v24 =	vld [tilespmem:s12+$0xFFFFFFD0];
	v9 =	vmul.f32 v22, v9;
	v25 =	vmul.f32 v26, v30  }
0x120: {  	v19 =	vmul.f32 v19, v17;
	v21 =	vmul.f32 v21, v28;
	v26, _, _ =	vpop (xrf2);
	[tilespmem:s11+$0xFFFFFFE0] =	vst v7  }
0x121: {  	v7 =	vmul.f32 $1.442695020e+00, v26;
	[tilespmem:s8+$0x40] =	vst v9  }
0x122: {  	v9 =	vmul.f32 $1.442695020e+00, v15;
	(xrf2) =	vadd.scan.msk.f32 $0xffff, v21;
	v15 =	vld [tilespmem:s12+$0x90];
	v17 =	vpop (erf);
	[tilespmem:s11+$0x70] =	vst v25;
	s11 =	smov.u32 s8;
	s8 =	smov.u32 s14;
	s14 =	smov.u32 s9  }
0x123: {  	s9 =	smov.u32 s0;
	v21 =	vbroadcast v7, $0xF;
	v27, _, _ =	vpop (xrf2);
	v28 =	vld [tilespmem:s23+$0x60];
	v26 =	vsel vm5, v16, v17  }
0x124: {  	v0 =	vmul.f32 v17, v24  }
0x125: {  	(erf) = vpow2.f32 v23;
	v25 =	vpop (erf);
	v23 =	vmov v11  }
0x126: {  	v11, _, _ =	vpop (xrf2);
	(erf) = vpow2.f32 v29;
	[tilespmem:s11+$0xFFFFFFC0] =	vst v0  }
0x127: {  	v9 =	vbroadcast v9, $0xF;
	v7 =	vpop (erf);
	v16 =	vld [tilespmem:s12+$0xFFFFFF70];
	v15 =	vmul.f32 v25, v15  }
0x128: {  	v11 =	vmul.f32 $1.442695020e+00, v11;
	(xrf2) =	vadd.scan.msk.f32 $0xffff, v10;
	v10 =	vmul.f32 v7, v28;
	v28 =	vld [tilespmem:s1+$0xFFFFFFF0]  }
0x129: {  	v24 =	vld [tilespmem:s12+$0xFFFFFFE0];
	[tilespmem:s11+$0x50] =	vst v15  }
0x12a: {  	v17 =	vbroadcast v11, $0xF;
	(erf) = vpow2.f32 v21;
	[tilespmem:s8+$0x20] =	vst v10;
	v10 =	vld [tilespmem:s12+$0x30]  }
0x12b: {  	v11 =	vmul.f32 $1.442695020e+00, v27;
	(erf) = vpow2.f32 v9;
	v15 =	vld [tilespmem:s23+$0x70];
	(xrf2) =	vadd.scan.msk.f32 $0xffff, v19  }
0x12c: {  	v19, _, _ =	vpop (xrf2);
	v21 =	vunpack.i.u.bf16.f32 v16;
	v16 =	vunpack.i.l.bf16.f32 v16;
	v29 =	vld [tilespmem:s1+$0x30];
	s1 =	smov.u32 s2;
	s2 =	smov.u32 s4;
	s4 =	smov.u32 s10  }
0x12d: {  	v30 =	vbroadcast v11, $0xF;
	v0 =	vunpack.i.u.bf16.f32 v28;
	v28 =	vunpack.i.l.bf16.f32 v28;
	v27 =	vld [tilespmem:s12+$0xA0]  }
0x12e: {  	v9 =	vpop (erf);
	v21 =	vmul.f32 v0, v21  }
0x12f: {  	v19 =	vmul.f32 $1.442695020e+00, v19;
	v16 =	vmul.f32 v28, v16;
	v31 =	vld [tilespmem:s31+$0x40];
	v11 =	vpop (erf);
	v28 =	vunpack.i.l.bf16.f32 v10  }
0x130: {  	s31 =	sadd.s32 $0x180, s31;
	v10 =	vunpack.i.u.bf16.f32 v10;
	v32 =	vld [tilespmem:s13+$0xFFFFFF80];
	(erf) = vpow2.f32 v30;
	v15 =	vmul.f32 v11, v15;
	(xrf2) =	vadd.scan.msk.f32 $0xffff, v21  }
0x131: {  	s10 =	sadd.s32 $0x80, s10;
	v19 =	vbroadcast v19, $0xF;
	v21 =	vld [tilespmem:s31+$0xFFFFFF40];
	v30 =	vunpack.i.u.bf16.f32 v29;
	v29 =	vunpack.i.l.bf16.f32 v29  }
0x132: {  	v33 =	vld [tilespmem:s10+$0x0];
	v34, _, _ =	vpop (xrf2);
	[tilespmem:s8+$0x30] =	vst v15;
	v29 =	vmul.f32 v29, v28;
	v30 =	vmul.f32 v30, v10  }
0x133: {  	v10 =	vpop (erf);
	v35 =	vld [tilespmem:s1+$0x20];
	(xrf2) =	vadd.scan.msk.f32 $0xffff, v16  }
0x134: {  	v16 =	vmul.f32 $1.442695020e+00, v34;
	v15 =	vpop (erf);
	v39 =	vld [tilespmem:s23+$0x20]  }
0x135: {  	v31 =	vmul.f32 v10, v31;
	v28 =	vld [tilespmem:s31+$0x0];
	v34 =	vmul.f32 v15, v32;
	v32, _, _ =	vpop (xrf2)  }
0x136: {  	v0 =	vbroadcast v16, $0xF;
	v36 =	vld [tilespmem:s10+$0xFFFFFFC0];
	v32 =	vmul.f32 $1.442695020e+00, v32;
	(xrf2) =	vadd.scan.msk.f32 $0xffff, v29  }
0x137: {  	v29 =	vmul.f32 v9, v20;
	[tilespmem:s0+$0x0] =	vst v31  }
.Ltmp2:
0x138: {  	[tilespmem:s0+$0xFFFFFF70] =	vst v34;
	v20 =	vld [tilespmem:s13+$0x50];
	(erf) = vpow2.f32 v0;
	v38 =	vunpack.i.u.bf16.f32 v35;
	v0 =	vunpack.i.l.bf16.f32 v35;
	(pc) =	sbr.rel @p1 .LBB2_7-.Ltmp2, $4  }
0x139: {  	v40 =	vunpack.i.l.bf16.f32 v21;
	v37 =	vunpack.i.u.bf16.f32 v33;
	v35 =	vld [tilespmem:s13+$0xFFFFFF90];
	v16 =	vpop (erf);
	v34 =	vunpack.i.l.bf16.f32 v39;
	(xrf2) =	vadd.scan.msk.f32 $0xffff, v30  }
0x13a: {  	v33 =	vunpack.i.l.bf16.f32 v33;
	v30 =	vunpack.i.l.bf16.f32 v28;
	[tilespmem:s14+$0x10] =	vst v29;
	v41 =	vmul.f32 v0, v34;
	v31, _, _ =	vpop (xrf2)  }
0x13b: {  	v42 =	vunpack.i.l.bf16.f32 v36;
	v29 =	vmul.f32 v33, v30;
	v34 =	vld [tilespmem:s30+$0x10];
	v33 =	vmul.f32 $1.442695020e+00, v31  }
0x13c: {  	v39 =	vunpack.i.u.bf16.f32 v39;
	v30 =	vunpack.i.u.bf16.f32 v36;
	v31 =	vmul.f32 v42, v40;
	v36 =	vld [tilespmem:s2+$0x10];
	(xrf2) =	vadd.scan.msk.f32 $0xffff, v41  }
0x13d: {  	_ =	sdelay $0x1  }
0x13e: {  	v60, _, _ =	vpop (xrf2)  }
0x13f: {  	v38 =	vmul.f32 v38, v39;
	(erf) = vpow2.f32 v17;
	v61, _, _ =	vpop (xrf2)  }
0x140: {  	v28 =	vunpack.i.u.bf16.f32 v28;
	v39 =	vmul.f32 $1.442695020e+00, v60;
	v17 =	vmul.f32 $1.442695020e+00, v61  }
0x141: {  	v28 =	vmul.f32 v37, v28  }
0x142: {  	(xrf2) =	vadd.scan.msk.f32 $0xffff, v38;
	v62 =	vunpack.i.l.bf16.f32 v34;
	v63 =	vbroadcast v39, $0xF;
	v42 =	vunpack.i.l.bf16.f32 v36  }
0x143: {  	(xrf2) =	vadd.scan.msk.f32 $0xffff, v28;
	v28 =	vmul.f32 v42, v62  }
0x144: {  	(erf) = vpow2.f32 v63;
	v43 =	vbroadcast v17, $0xF;
	v17, _, _ =	vpop (xrf2)  }
0x145: {  	v0 =	vpop (erf);
	(xrf2) =	vadd.scan.msk.f32 $0xffff, v28;
	v44 =	vmul.f32 $1.442695020e+00, v17  }
0x146: {  	v18 =	vmul.f32 v0, v18;
	v28 =	vbroadcast v33, $0xF  }
0x147: {  	(erf) = vpow2.f32 v43;
	v45 =	vbroadcast v44, $0xF  }
0x148: {  	v46, _, _ =	vpop (xrf2);
	(erf) = vpow2.f32 v28  }
0x149: {  	[tilespmem:$0x1FFF0] =	vst v0;
	v28 =	vmul.f32 $1.442695020e+00, v46;
	(erf) = vpow2.f32 v45  }
0x14a: {  	[tilespmem:s14+$0xFFFFFF90] =	vst v18;
	(erf) = vpow2.f32 v19;
	v19 =	vmul.f32 v16, v35  }
0x14b: {  	v49 =	vunpack.i.u.bf16.f32 v34;
	v47 =	vld [tilespmem:s30+$0xFFFFFFB0];
	v18 =	vpop (erf);
	v48 =	vbroadcast v28, $0xF;
	v28 =	vunpack.i.u.bf16.f32 v36  }
0x14c: {  	v50, _, _ =	vpop (xrf2);
	[tilespmem:s0+$0xFFFFFF80] =	vst v19;
	v19 =	vmul.f32 v28, v49  }
0x14d: {  	v52 =	vpop (erf);
	(erf) = vpow2.f32 v48  }
0x14e: {  	v28, _, _ =	vpop (xrf2);
	(xrf2) =	vadd.scan.msk.f32 $0xffff, v19  }
0x14f: {  	v32 =	vbroadcast v32, $0xF;
	v53 =	vld [tilespmem:s23+$0xFFFFFFC0];
	v36 =	vmul.f32 $1.442695020e+00, v50;
	v56, _, _ =	vpop (xrf2)  }
0x150: {  	v40 =	vld [tilespmem:s23+$0x80];
	v54 =	vpop (erf);
	v19 =	vmul.f32 v18, v47;
	v39 =	vmul.f32 $1.442695020e+00, v56  }
0x151: {  	v51 =	vld [tilespmem:s13+$0xFFFFFF50];
	v41 =	vpop (erf);
	(erf) = vpow2.f32 v32;
	(xrf2) =	vadd.scan.msk.f32 $0xffff, v31;
	v31 =	vbroadcast v36, $0xF  }
0x152: {  	v55 =	vld [tilespmem:s4+$0xFFFFFFD0];
	v39 =	vbroadcast v39, $0xF  }
0x153: {  	(erf) = vpow2.f32 v31;
	v31 =	vunpack.i.u.bf16.f32 v21  }
0x154: {  	[tilespmem:s14+$0xFFFFFFA0] =	vst v19;
	v57 =	vpop (erf);
	(erf) = vpow2.f32 v39;
	v30 =	vmul.f32 v30, v31  }
0x155: {  	v8 =	vnsel vm0, $0x0, v8;
	(xrf2) =	vadd.scan.msk.f32 $0xffff, v29;
	v42 =	vld [tilespmem:s30+$0xFFFFFF60];
	v19 =	vpop (erf)  }
0x156: {  	v8 =	vsel vm1, v8, v12;
	v12 =	vmul.f32 v54, v27;
	v58 =	vld [tilespmem:s2+$0xFFFFFFE0];
	v33 =	vmul.f32 v19, v53;
	v21 =	vpop (erf)  }
0x157: {  	v43 =	vunpack.i.u.bf16.f32 v51;
	v29 =	vunpack.i.u.bf16.f32 v55;
	v59 =	vmul.f32 v21, v40  }
0x158: {  	v63 =	vld [tilespmem:s30+$0x60];
	v29 =	vmul.f32 v29, v43;
	(xrf2) =	vadd.scan.msk.f32 $0xffff, v30;
	[tilespmem:s8+$0xFFFFFFB0] =	vst v33;
	v30, _, _ =	vpop (xrf2)  }
0x159: {  	v8 =	vsel vm2, v8, v13;
	v31 =	vld [tilespmem:s23+$0xFFFFFFD0];
	[tilespmem:s8+$0x40] =	vst v59;
	v30 =	vmul.f32 $1.442695020e+00, v30  }
0x15a: {  	v8 =	vsel vm3, v8, v14;
	v62 =	vmul.f32 v52, v24;
	(xrf2) =	vadd.scan.msk.f32 $0xffff, v29;
	v24 =	vpop (erf);
	v29 =	vld [tilespmem:s23+$0x90]  }
0x15b: {  	[tilespmem:s11+$0x60] =	vst v12;
	v60 =	vunpack.i.l.bf16.f32 v42;
	v61 =	vunpack.i.l.bf16.f32 v58;
	v12, _, _ =	vpop (xrf2);
	v30 =	vbroadcast v30, $0xF  }
0x15c: {  	v8 =	vsel vm4, v8, v22;
	(erf) = vpow2.f32 v23;
	v39 =	vmul.f32 v61, v60;
	v13 =	vpop (erf)  }
0x15d: {  	v22 =	vld [tilespmem:s12+$0xB0];
	v43 =	vunpack.i.l.bf16.f32 v51;
	v12 =	vmul.f32 $1.442695020e+00, v12;
	v17 =	vpop (erf);
	(erf) = vpow2.f32 v30  }
0x15e: {  	v23 =	vunpack.i.l.bf16.f32 v55;
	v31 =	vmul.f32 v24, v31;
	v44 =	vmul.f32 v17, v63  }
0x15f: {  	[tilespmem:s11+$0xFFFFFFD0] =	vst v62;
	v30 =	vmul.f32 v23, v43;
	v23 =	vsel vm5, v8, v25;
	v25 =	vmul.f32 v13, v29;
	v29, _, _ =	vpop (xrf2)  }
0x160: {  	v14 =	vld [tilespmem:s12+$0xFFFFFFF0];
	(xrf2) =	vadd.scan.msk.f32 $0xffff, v39;
	[tilespmem:s8+$0xFFFFFFC0] =	vst v31;
	v29 =	vmul.f32 $1.442695020e+00, v29  }
0x161: {  	v26 =	vsel vm6, v26, v52;
	v12 =	vbroadcast v12, $0xF;
	[tilespmem:s14+$0x20] =	vst v44;
	v31 =	vld [tilespmem:s23+$0xFFFFFF70]  }
0x162: {  	v26 =	vsel vm7, v26, v41;
	v22 =	vmul.f32 v57, v22;
	v49 =	vld [tilespmem:s30+$0x70];
	v29 =	vbroadcast v29, $0xF  }
0x163: {  	[tilespmem:s11+$0xFFFFFFF0] =	vst v26;
	v45 =	vld [tilespmem:s1+$0xFFFFFFF0]  }
0x164: {  	v27 =	vld [tilespmem:s13+$0xFFFFFFA0];
	v26 =	vunpack.i.u.bf16.f32 v58;
	v48, _, _ =	vpop (xrf2);
	[tilespmem:s8+$0x50] =	vst v25;
	v25 =	vunpack.i.u.bf16.f32 v42;
	(erf) = vpow2.f32 v29  }
0x165: {  	v32 =	vld [tilespmem:s31+$0x40];
	v26 =	vmul.f32 v26, v25;
	(erf) = vpow2.f32 v12;
	v12 =	vpop (erf)  }
0x166: {  	v14 =	vmul.f32 v41, v14;
	[tilespmem:s11+$0x70] =	vst v22;
	(xrf2) =	vadd.scan.msk.f32 $0xffff, v30;
	v47 =	vld [tilespmem:s23+$0x30];
	v22 =	vpop (erf)  }
0x167: {  	v23 =	vsel vm6, v23, v54;
	v52 =	vld [tilespmem:s1+$0x30];
	(xrf2) =	vadd.scan.msk.f32 $0xffff, v26;
	v26 =	vmul.f32 v22, v49  }
0x168: {  	[tilespmem:s11+$0xFFFFFFE0] =	vst v14;
	v46 =	vsel vm7, v23, v57;
	v50 =	vld [tilespmem:s23+$0xFFFFFFE0];
	v29 =	vunpack.i.u.bf16.f32 v31;
	v30 =	vunpack.i.u.bf16.f32 v45  }
0x169: {  	v51, _, _ =	vpop (xrf2);
	v25 =	vld [tilespmem:s23+$0xA0];
	v29 =	vmul.f32 v30, v29;
	[tilespmem:s14+$0x30] =	vst v26;
	v26 =	vunpack.i.l.bf16.f32 v31;
	v31 =	vunpack.i.l.bf16.f32 v45  }
0x16a: {  	[tilespmem:s11+$0x80] =	vst v46;
	v14, _, _ =	vpop (xrf2);
	v30 =	vld [tilespmem:s2+$0x20];
	v26 =	vmul.f32 v31, v26  }
0x16b: {  	v54 =	vld [tilespmem:s30+$0x20];
	(xrf2) =	vadd.scan.msk.f32 $0xffff, v29  }
0x16c: {  	v53 =	vunpack.i.l.bf16.f32 v52;
	v31 =	vunpack.i.l.bf16.f32 v47;
	(xrf2) =	vadd.scan.msk.f32 $0xffff, v26  }
0x16d: {  	v55 =	vunpack.i.u.bf16.f32 v52;
	v29 =	vmul.f32 v53, v31;
	v31 =	vunpack.i.u.bf16.f32 v47  }
0x16e: {  	v20 =	vmul.f32 v12, v20;
	v31 =	vmul.f32 v55, v31  }
0x16f: {  	v14 =	vmul.f32 $1.442695020e+00, v14;
	(xrf2) =	vadd.scan.msk.f32 $0xffff, v29  }
0x170: {  	[tilespmem:s9+$0x10] =	vst v20;
	(xrf2) =	vadd.scan.msk.f32 $0xffff, v31;
	v56 =	vunpack.i.l.bf16.f32 v30;
	v57 =	vunpack.i.l.bf16.f32 v54  }
0x171: {  	v29 =	vld [tilespmem:s13+$0x10];
	v33 =	vmul.f32 v56, v57  }
0x172: {  	v61 =	vbroadcast v14, $0xF;
	v59, _, _ =	vpop (xrf2);
	v26 =	vmul.f32 $1.442695020e+00, v48;
	v31 =	vld [tilespmem:s4+$0x10]  }
0x173: {  	v20 =	vmul.f32 $1.442695020e+00, v51;
	v36 =	vmul.f32 $1.442695020e+00, v59;
	(xrf2) =	vadd.scan.msk.f32 $0xffff, v33  }
0x174: {  	v63, _, _ =	vpop (xrf2);
	v26 =	vbroadcast v26, $0xF;
	v30 =	vunpack.i.u.bf16.f32 v30;
	v62 =	vunpack.i.u.bf16.f32 v54  }
0x175: {  	v60 =	vbroadcast v20, $0xF;
	v30 =	vmul.f32 v30, v62;
	v44, _, _ =	vpop (xrf2)  }
0x176: {  	(erf) = vpow2.f32 v26;
	v26 =	vbroadcast v36, $0xF;
	v42 =	vunpack.i.l.bf16.f32 v29;
	v45, _, _ =	vpop (xrf2)  }
0x177: {  	v29 =	vunpack.i.u.bf16.f32 v29;
	v43 =	vunpack.i.l.bf16.f32 v31;
	(xrf2) =	vadd.scan.msk.f32 $0xffff, v30;
	v30 =	vmul.f32 $1.442695020e+00, v45  }
0x178: {  	v14 =	vpop (erf);
	(erf) = vpow2.f32 v26;
	v31 =	vunpack.i.u.bf16.f32 v31;
	v33 =	vmul.f32 v43, v42  }
0x179: {  	v31 =	vmul.f32 v31, v29;
	v46, _, _ =	vpop (xrf2);
	v30 =	vbroadcast v30, $0xF  }
0x17a: {  	v26 =	vmul.f32 $1.442695020e+00, v44;
	(xrf2) =	vadd.scan.msk.f32 $0xffff, v33;
	v47 =	vmul.f32 $1.442695020e+00, v46;
	v29, _, _ =	vpop (xrf2)  }
0x17b: {  	(erf) = vpow2.f32 v60;
	v29 =	vmul.f32 $1.442695020e+00, v29  }
0x17c: {  	v26 =	vbroadcast v26, $0xF;
	v33 =	vbroadcast v47, $0xF  }
0x17d: {  	v58 =	vld [tilespmem:s31+$0xFFFFFF80];
	(erf) = vpow2.f32 v30;
	v29 =	vbroadcast v29, $0xF;
	v30, _, _ =	vpop (xrf2)  }
0x17e: {  	(erf) = vpow2.f32 v33;
	v30 =	vmul.f32 $1.442695020e+00, v30  }
0x17f: {  	(erf) = vpow2.f32 v26  }
0x180: {  	v20 =	vpop (erf);
	(erf) = vpow2.f32 v29;
	v30 =	vbroadcast v30, $0xF  }
0x181: {  	v26 =	vpop (erf);
	(xrf2) =	vadd.scan.msk.f32 $0xffff, v31;
	(erf) = vpow2.f32 v61  }
0x182: {  	v35 =	vmul.f32 v20, v58;
	v29 =	vpop (erf)  }
0x183: {  	s1 =	sadd.s32 $0x120, s0;
	v48 =	vmul.f32 $1.442695020e+00, v63;
	v31, _, _ =	vpop (xrf2);
	(erf) = vpow2.f32 v30  }
0x184: {  	[tilespmem:s1+$0xFFFFFF70] =	vst v35;
	v27 =	vmul.f32 v29, v27;
	v51 =	vmul.f32 $1.442695020e+00, v31;
	v30, _, _ =	vpop (xrf2)  }
0x185: {  	v49 =	vld [tilespmem:s31+$0xFFFFFF90];
	v33 =	vbroadcast v48, $0xF;
	v31 =	vpop (erf);
	v30 =	vmul.f32 $1.442695020e+00, v30  }
0x186: {  	[tilespmem:s9+$0xFFFFFF90] =	vst v27;
	v27 =	vld [tilespmem:s30+$0xFFFFFFC0];
	v52 =	vbroadcast v51, $0xF;
	v35 =	vpop (erf)  }
0x187: {  	(erf) = vpow2.f32 v33;
	v38 =	vpop (erf);
	v30 =	vbroadcast v30, $0xF  }
0x188: {  	v54 =	vld [tilespmem:s30+$0x80];
	(erf) = vpow2.f32 v52;
	v36 =	vpop (erf)  }
0x189: {  	v53 =	vld [tilespmem:s13+$0xFFFFFFB0];
	v33 =	vpop (erf);
	(erf) = vpow2.f32 v30  }
0x18a: {  	v34 =	vmul.f32 v26, v49;
	v39 =	vpop (erf)  }
0x18b: {  	v27 =	vmul.f32 v39, v27;
	v30, _, _ =	vpop (xrf2)  }
0x18c: {  	v28 =	vmul.f32 $1.442695020e+00, v28;
	v59 =	vld [tilespmem:s13+$0x60];
	[tilespmem:s1+$0xFFFFFF80] =	vst v34;
	v58 =	vmul.f32 $1.442695020e+00, v30;
	v30 =	vpop (erf)  }
0x18d: {  	v55 =	vld [tilespmem:s31+$0xFFFFFF50];
	[tilespmem:s14+$0xFFFFFFB0] =	vst v27;
	v27 =	vmul.f32 v30, v54  }
0x18e: {  	v28 =	vbroadcast v28, $0xF;
	v56 =	vld [tilespmem:s10+$0xFFFFFFD0];
	v57 =	vmul.f32 v31, v53  }
0x18f: {  	v44 =	vld [tilespmem:s30+$0xFFFFFFD0];
	v60 =	vbroadcast v58, $0xF;
	[tilespmem:s14+$0x40] =	vst v27  }
0x190: {  	[tilespmem:s9+$0xFFFFFFA0] =	vst v57;
	(erf) = vpow2.f32 v28;
	v37 =	vpop (erf);
	v28 =	vld [tilespmem:s30+$0x90]  }
0x191: {  	v45 =	vld [tilespmem:s13+$0xFFFFFF60];
	v34 =	vpop (erf);
	(erf) = vpow2.f32 v60  }
0x192: {  	v32 =	vmul.f32 v14, v32;
	v61 =	vld [tilespmem:s4+$0xFFFFFFE0];
	v27 =	vpop (erf)  }
0x193: {  	v40 =	vmul.f32 v27, v59  }
0x194: {  	[tilespmem:s1+$0x0] =	vst v32;
	v44 =	vmul.f32 v37, v44  }
0x195: {  	v46 =	vunpack.i.u.bf16.f32 v56;
	v42 =	vunpack.i.l.bf16.f32 v56;
	v56 =	vld [tilespmem:s31+$0x50];
	[tilespmem:s9+$0x20] =	vst v40;
	v28 =	vmul.f32 v34, v28  }
0x196: {  	v62 =	vunpack.i.u.bf16.f32 v55;
	[tilespmem:s14+$0xFFFFFFC0] =	vst v44;
	v63 =	vld [tilespmem:s13+$0x70]  }
0x197: {  	v52 =	vunpack.i.l.bf16.f32 v45;
	v47 =	vunpack.i.l.bf16.f32 v61;
	v48 =	vld [tilespmem:s30+$0xFFFFFF70];
	v40 =	vmul.f32 v46, v62  }
0x198: {  	v53 =	vld [tilespmem:s2+$0xFFFFFFF0];
	v46 =	vmul.f32 v47, v52;
	[tilespmem:s14+$0x50] =	vst v28  }
0x199: {  	v41 =	vunpack.i.l.bf16.f32 v55;
	(xrf2) =	vadd.scan.msk.f32 $0xffff, v40;
	v54 =	vld [tilespmem:s30+$0x30];
	v28 =	vpop (erf)  }
0x19a: {  	v41 =	vmul.f32 v42, v41;
	(xrf2) =	vadd.scan.msk.f32 $0xffff, v46;
	v55 =	vld [tilespmem:s2+$0x30];
	v32 =	vpop (erf)  }
0x19b: {  	v58 =	vunpack.i.u.bf16.f32 v45;
	v43 =	vunpack.i.u.bf16.f32 v61;
	v57 =	vmul.f32 v32, v63  }
0x19c: {  	v43 =	vmul.f32 v43, v58;
	(xrf2) =	vadd.scan.msk.f32 $0xffff, v41;
	v59 =	vunpack.i.u.bf16.f32 v48  }
0x19d: {  	v60 =	vunpack.i.u.bf16.f32 v53;
	v61 =	vunpack.i.l.bf16.f32 v48;
	v47 =	vunpack.i.l.bf16.f32 v53;
	[tilespmem:s9+$0x30] =	vst v57  }
0x19e: {  	v44 =	vmul.f32 v60, v59;
	v41 =	vmul.f32 v47, v61;
	v45 =	vld [tilespmem:s4+$0x20]  }
0x19f: {  	(xrf2) =	vadd.scan.msk.f32 $0xffff, v43;
	v53 =	vmul.f32 v28, v56;
	v62 =	vunpack.i.l.bf16.f32 v54;
	v63 =	vunpack.i.l.bf16.f32 v55;
	v52 =	vld [tilespmem:s13+$0x20]  }
0x1a0: {  	(xrf2) =	vadd.scan.msk.f32 $0xffff, v44;
	v43 =	vmul.f32 v63, v62  }
0x1a1: {  	[tilespmem:s1+$0x10] =	vst v53;
	v40 =	vunpack.i.u.bf16.f32 v54;
	v42 =	vunpack.i.u.bf16.f32 v55;
	(xrf2) =	vadd.scan.msk.f32 $0xffff, v41  }
0x1a2: {  	v58 =	vld [tilespmem:s10+$0x10];
	v40 =	vmul.f32 v42, v40;
	(xrf2) =	vadd.scan.msk.f32 $0xffff, v43  }
0x1a3: {  	v54, _, _ =	vpop (xrf2)  }
0x1a4: {  	v42 =	vld [tilespmem:s31+$0x10];
	v55, _, _ =	vpop (xrf2);
	(xrf2) =	vadd.scan.msk.f32 $0xffff, v40;
	v56 =	vunpack.i.l.bf16.f32 v45;
	v57 =	vunpack.i.l.bf16.f32 v52  }
0x1a5: {  	v44 =	vmul.f32 v56, v57  }
0x1a6: {  	v41 =	vmul.f32 $1.442695020e+00, v54  }
0x1a7: {  	v53 =	vunpack.i.l.bf16.f32 v58;
	v40 =	vunpack.i.u.bf16.f32 v58;
	v59, _, _ =	vpop (xrf2);
	v43 =	vmul.f32 $1.442695020e+00, v55;
	(xrf2) =	vadd.scan.msk.f32 $0xffff, v44  }
0x1a8: {  	v45 =	vunpack.i.u.bf16.f32 v45;
	v62 =	vunpack.i.u.bf16.f32 v52;
	v60 =	vmul.f32 $1.442695020e+00, v59  }
0x1a9: {  	v52 =	vunpack.i.l.bf16.f32 v42;
	v41 =	vbroadcast v41, $0xF;
	v63, _, _ =	vpop (xrf2);
	v45 =	vmul.f32 v45, v62  }
0x1aa: {  	v42 =	vunpack.i.u.bf16.f32 v42;
	v46 =	vmul.f32 v53, v52;
	v61 =	vbroadcast v60, $0xF;
	v49, _, _ =	vpop (xrf2)  }
0x1ab: {  	v40 =	vmul.f32 v40, v42;
	v43 =	vbroadcast v43, $0xF;
	v55, _, _ =	vpop (xrf2);
	(xrf2) =	vadd.scan.msk.f32 $0xffff, v45  }
0x1ac: {  	(erf) = vpow2.f32 v61;
	v56 =	vmul.f32 $1.442695020e+00, v55;
	(xrf2) =	vadd.scan.msk.f32 $0xffff, v46;
	v57, _, _ =	vpop (xrf2)  }
0x1ad: {  	(erf) = vpow2.f32 v41;
	v41 =	vmul.f32 $1.442695020e+00, v57  }
0x1ae: {  	v54 =	vmul.f32 $1.442695020e+00, v49;
	v45 =	vbroadcast v56, $0xF;
	v58, _, _ =	vpop (xrf2)  }
0x1af: {  	v41 =	vbroadcast v41, $0xF;
	v42 =	vmul.f32 $1.442695020e+00, v58  }
0x1b0: {  	v44 =	vbroadcast v54, $0xF;
	(erf) = vpow2.f32 v45  }
0x1b1: {  	(erf) = vpow2.f32 v41;
	v42 =	vbroadcast v42, $0xF;
	v59, _, _ =	vpop (xrf2)  }
0x1b2: {  	(erf) = vpow2.f32 v44;
	v41 =	vmul.f32 $1.442695020e+00, v59  }
0x1b3: {  	(erf) = vpow2.f32 v42  }
0x1b4: {  	(xrf2) =	vadd.scan.msk.f32 $0xffff, v40;
	(erf) = vpow2.f32 v43;
	v60 =	vbroadcast v41, $0xF  }
0x1b5: {  	v61 =	vmul.f32 $1.442695020e+00, v63;
	v62, _, _ =	vpop (xrf2)  }
0x1b6: {  	v63 =	vld [tilespmem:s31+$0xFFFFFFA0];
	v42 =	vmul.f32 $1.442695020e+00, v62;
	v47, _, _ =	vpop (xrf2);
	(erf) = vpow2.f32 v60  }
0x1b7: {  	v51 =	vpop (erf);
	v41 =	vbroadcast v61, $0xF;
	v40 =	vmul.f32 $1.442695020e+00, v47  }
0x1b8: {  	v8 =	vpop (erf);
	v42 =	vbroadcast v42, $0xF  }
0x1b9: {  	v53 =	vld [tilespmem:s13+$0xFFFFFFC0];
	v48 =	vpop (erf);
	v40 =	vbroadcast v40, $0xF;
	(erf) = vpow2.f32 v41  }
0x1ba: {  	v49 =	vpop (erf);
	(erf) = vpow2.f32 v42  }
0x1bb: {  	v55 =	vld [tilespmem:s13+$0x80];
	v54 =	vmul.f32 v51, v63;
	v43 =	vpop (erf);
	(erf) = vpow2.f32 v40  }
0x1bc: {  	v41 =	vpop (erf)  }
0x1bd: {  	[tilespmem:s1+$0xFFFFFF90] =	vst v54;
	v44 =	vpop (erf)  }
0x1be: {  	v57, _, _ =	vpop (xrf2);
	v56 =	vld [tilespmem:s31+$0xFFFFFFB0];
	v45 =	vmul.f32 v44, v53  }
0x1bf: {  	v58 =	vmul.f32 $1.442695020e+00, v57;
	v42 =	vpop (erf)  }
0x1c0: {  	v60 =	vld [tilespmem:s31+$0x60];
	[tilespmem:s9+$0xFFFFFFB0] =	vst v45;
	v59 =	vmul.f32 v42, v55  }
0x1c1: {  	v52 =	vbroadcast v58, $0xF;
	v53 =	vld [tilespmem:s13+$0xFFFFFFD0]  }
0x1c2: {  	v47 =	vpop (erf);
	[tilespmem:s9+$0x40] =	vst v59  }
0x1c3: {  	v54 =	vmul.f32 v8, v56;
	(erf) = vpow2.f32 v52;
	v45 =	vpop (erf);
	v55 =	vld [tilespmem:s13+$0x90]  }
0x1c4: {  	v40 =	vpop (erf)  }
0x1c5: {  	[tilespmem:s1+$0xFFFFFFA0] =	vst v54;
	v46 =	vmul.f32 v40, v60  }
0x1c6: {  	v52 =	vld [tilespmem:s31+$0xFFFFFF60];
	v53 =	vmul.f32 v47, v53  }
0x1c7: {  	v54 =	vld [tilespmem:s10+$0xFFFFFFE0];
	[tilespmem:s1+$0x20] =	vst v46  }
0x1c8: {  	[tilespmem:s9+$0xFFFFFFC0] =	vst v53;
	v53 =	vld [tilespmem:s31+$0x70];
	v61 =	vmul.f32 v45, v55  }
0x1c9: {  	v55 =	vld [tilespmem:s13+$0xFFFFFF70]  }
0x1ca: {  	v56 =	vld [tilespmem:s4+$0xFFFFFFF0];
	[tilespmem:s9+$0x50] =	vst v61  }
0x1cb: {  	v57 =	vld [tilespmem:s13+$0x30]  }
0x1cc: {  	v46 =	vpop (erf);
	v58 =	vld [tilespmem:s4+$0x30]  }
0x1cd: {  	v59 =	vunpack.i.l.bf16.f32 v52;
	v60 =	vunpack.i.l.bf16.f32 v54;
	v53 =	vmul.f32 v46, v53  }
0x1ce: {  	v52 =	vunpack.i.u.bf16.f32 v52;
	v54 =	vunpack.i.u.bf16.f32 v54;
	v59 =	vmul.f32 v60, v59  }
0x1cf: {  	v52 =	vmul.f32 v54, v52;
	v54 =	vunpack.i.u.bf16.f32 v55;
	v60 =	vunpack.i.u.bf16.f32 v56;
	[tilespmem:s1+$0x30] =	vst v53  }
0x1d0: {  	(xrf2) =	vadd.scan.msk.f32 $0xffff, v59;
	v62 =	vunpack.i.l.bf16.f32 v55;
	v63 =	vunpack.i.l.bf16.f32 v56;
	v54 =	vmul.f32 v60, v54;
	v56 =	vld [tilespmem:s10+$0x20]  }
0x1d1: {  	(xrf2) =	vadd.scan.msk.f32 $0xffff, v52;
	v61 =	vmul.f32 v63, v62;
	v59 =	vld [tilespmem:s31+$0x20];
	v62 =	vunpack.i.l.bf16.f32 v57;
	v63 =	vunpack.i.l.bf16.f32 v58  }
0x1d2: {  	(xrf2) =	vadd.scan.msk.f32 $0xffff, v54;
	v53 =	vmul.f32 v63, v62  }
0x1d3: {  	v57 =	vunpack.i.u.bf16.f32 v57;
	v60 =	vunpack.i.u.bf16.f32 v58;
	(xrf2) =	vadd.scan.msk.f32 $0xffff, v61  }
0x1d4: {  	v61 =	vmul.f32 v60, v57;
	(xrf2) =	vadd.scan.msk.f32 $0xffff, v53;
	_ =	sdelay $0x1  }
0x1d5: {  	v62 =	vunpack.i.l.bf16.f32 v56;
	v63 =	vunpack.i.l.bf16.f32 v59;
	(xrf2) =	vadd.scan.msk.f32 $0xffff, v61  }
0x1d6: {  	v57 =	vmul.f32 v62, v63;
	_ =	sdelay $0x1  }
0x1d7: {  	(xrf2) =	vadd.scan.msk.f32 $0xffff, v57  }
0x1d8: {  	v58, _, _ =	vpop (xrf2)  }
0x1d9: {  	v60 =	vunpack.i.u.bf16.f32 v56;
	v53, _, _ =	vpop (xrf2)  }
0x1da: {  	v54, _, _ =	vpop (xrf2)  }
0x1db: {  	v52 =	vmul.f32 $1.442695020e+00, v58;
	v61 =	vunpack.i.u.bf16.f32 v59;
	v62, _, _ =	vpop (xrf2)  }
0x1dc: {  	v55 =	vmul.f32 v60, v61;
	v63 =	vmul.f32 $1.442695020e+00, v62;
	v60, _, _ =	vpop (xrf2)  }
0x1dd: {  	v52 =	vbroadcast v52, $0xF;
	v57 =	vmul.f32 $1.442695020e+00, v60  }
0x1de: {  	(xrf2) =	vadd.scan.msk.f32 $0xffff, v55;
	v54 =	vmul.f32 $1.442695020e+00, v54;
	v61 =	vbroadcast v63, $0xF;
	v62, _, _ =	vpop (xrf2)  }
0x1df: {  	v56 =	vmul.f32 $1.442695020e+00, v62;
	v57 =	vbroadcast v57, $0xF  }
0x1e0: {  	v54 =	vbroadcast v54, $0xF;
	(erf) = vpow2.f32 v61  }
0x1e1: {  	v63, _, _ =	vpop (xrf2);
	v56 =	vbroadcast v56, $0xF;
	(erf) = vpow2.f32 v57  }
0x1e2: {  	v55 =	vmul.f32 $1.442695020e+00, v63;
	(erf) = vpow2.f32 v54  }
0x1e3: {  	(erf) = vpow2.f32 v56  }
0x1e4: {  	v59 =	vbroadcast v55, $0xF;
	(erf) = vpow2.f32 v52;
	_ =	sdelay $0x1  }
0x1e5: {  	v60 =	vmul.f32 $1.442695020e+00, v53;
	(erf) = vpow2.f32 v59;
	_ =	sdelay $0x1  }
0x1e6: {  	v61, _, _ =	vpop (xrf2);
	v52 =	vbroadcast v60, $0xF  }
0x1e7: {  	v62 =	vld [tilespmem:s31+$0xFFFFFFC0];
	v56 =	vpop (erf)  }
0x1e8: {  	v63 =	vmul.f32 $1.442695020e+00, v61;
	v58 =	vpop (erf)  }
0x1e9: {  	v57 =	vld [tilespmem:s31+$0x80];
	v53 =	vpop (erf)  }
0x1ea: {  	v59 =	vbroadcast v63, $0xF;
	(erf) = vpow2.f32 v52;
	v52 =	vpop (erf)  }
0x1eb: {  	v55 =	vpop (erf)  }
0x1ec: {  	(erf) = vpow2.f32 v59;
	v60 =	vmul.f32 v55, v62  }
0x1ed: {  	v54 =	vpop (erf)  }
0x1ee: {  	v57 =	vmul.f32 v54, v57;
	[tilespmem:s1+$0xFFFFFFB0] =	vst v60  }
0x1ef: {  	v60 =	vld [tilespmem:s31+$0xFFFFFFD0]  }
0x1f0: {  	[tilespmem:s1+$0x40] =	vst v57  }
0x1f1: {  	v61 =	vld [tilespmem:s31+$0x90];
	_ =	sdelay $0x1  }
0x1f2: {  	v59 =	vpop (erf)  }
0x1f3: {  	v60 =	vmul.f32 v59, v60  }
0x1f4: {  	v57 =	vpop (erf)  }
0x1f5: {  	[tilespmem:s1+$0xFFFFFFC0] =	vst v60;
	v60 =	vmul.f32 v57, v61  }
0x1f6: {  	v61 =	vld [tilespmem:s31+$0xFFFFFF70]  }
0x1f7: {  	v62 =	vld [tilespmem:s10+$0xFFFFFFF0];
	[tilespmem:s1+$0x50] =	vst v60  }
0x1f8: {  	v60 =	vld [tilespmem:s31+$0x30]  }
0x1f9: {  	v63 =	vld [tilespmem:s10+$0x30];
	_ =	sdelay $0x2  }
0x1fa: {  	v0 =	vunpack.i.u.bf16.f32 v61;
	v23 =	vunpack.i.u.bf16.f32 v62  }
0x1fb: {  	v0 =	vmul.f32 v23, v0;
	v23 =	vunpack.i.l.bf16.f32 v61;
	v61 =	vunpack.i.l.bf16.f32 v62  }
0x1fc: {  	v23 =	vmul.f32 v61, v23;
	v61 =	vunpack.i.l.bf16.f32 v60;
	v62 =	vunpack.i.l.bf16.f32 v63  }
0x1fd: {  	(xrf2) =	vadd.scan.msk.f32 $0xffff, v0;
	v0 =	vmul.f32 v62, v61  }
0x1fe: {  	(xrf2) =	vadd.scan.msk.f32 $0xffff, v23  }
0x1ff: {  	(xrf2) =	vadd.scan.msk.f32 $0xffff, v0;
	v0 =	vnsel vm0, $0x0, v4  }
0x200: {  	v0 =	vsel vm1, v0, v5;
	v5 =	vld [tilespmem:$0x1FFF0];
	_ =	sdelay $0x1  }
0x201: {  	v1 =	vnsel vm0, $0x0, v1  }
0x202: {  	v1 =	vsel vm1, v1, v2  }
0x203: {  	v1 =	vsel vm2, v1, v7;
	v4 =	vmul.f32 v35, v50  }
0x204: {  	v1 =	vsel vm3, v1, v11;
	v0 =	vsel vm2, v0, v5;
	v5 =	vmul.f32 v38, v25  }
0x205: {  	v1 =	vsel vm4, v1, v21;
	v2 =	vunpack.i.u.bf16.f32 v60;
	[tilespmem:s8+$0xFFFFFFD0] =	vst v4;
	v4 =	vunpack.i.u.bf16.f32 v63  }
0x206: {  	v2 =	vmul.f32 v4, v2;
	v4 =	vld [tilespmem:s23+$0xFFFFFFF0];
	[tilespmem:s8+$0x60] =	vst v5;
	v5 =	vsel vm4, v6, v19;
	v6 =	vnsel vm0, $0x0, v15  }
0x207: {  	v3 =	vnsel vm0, $0x0, v3;
	v1 =	vsel vm5, v1, v13;
	v6 =	vsel vm1, v6, v16  }
0x208: {  	v3 =	vsel vm1, v3, v9;
	v1 =	vsel vm6, v1, v38  }
0x209: {  	v3 =	vsel vm2, v3, v17;
	v1 =	vsel vm7, v1, v33;
	v11 =	vld [tilespmem:s30+$0xFFFFFFE0];
	(xrf2) =	vadd.scan.msk.f32 $0xffff, v2  }
0x20a: {  	v0 =	vsel vm3, v0, v18;
	v18 =	vnsel vm0, $0x0, v20;
	v2 =	vsel vm2, v6, v29;
	v6, _, _ =	vpop (xrf2)  }
0x20b: {  	v0 =	vsel vm4, v0, v39;
	v4 =	vmul.f32 v36, v4;
	v15 =	vld [tilespmem:s30+$0xA0];
	v5 =	vsel vm5, v5, v24;
	v13, _, _ =	vpop (xrf2)  }
0x20c: {  	v18 =	vsel vm1, v18, v26;
	v5 =	vsel vm6, v5, v35;
	v13 =	vmul.f32 $1.442695020e+00, v13;
	v16, _, _ =	vpop (xrf2)  }
0x20d: {  	v7 =	vld [tilespmem:s23+$0xB0];
	[tilespmem:s8+$0x80] =	vst v1;
	v1 =	vsel vm3, v3, v22;
	v5 =	vsel vm7, v5, v36;
	v16 =	vmul.f32 $1.442695020e+00, v16  }
0x20e: {  	v0 =	vsel vm5, v0, v37;
	[tilespmem:s8+$0xFFFFFFF0] =	vst v5;
	v5 =	vmul.f32 v48, v11;
	v13 =	vbroadcast v13, $0xF  }
0x20f: {  	v1 =	vsel vm4, v1, v30;
	v0 =	vsel vm6, v0, v48;
	v9 =	vbroadcast v16, $0xF  }
0x210: {  	v2 =	vsel vm3, v2, v31;
	v3 =	vmul.f32 v49, v15;
	[tilespmem:s14+$0xFFFFFFD0] =	vst v5;
	v5 =	vld [tilespmem:s13+$0xA0];
	(erf) = vpow2.f32 v13  }
0x211: {  	v1 =	vsel vm5, v1, v34;
	v11 =	vld [tilespmem:s13+$0xFFFFFFE0];
	(erf) = vpow2.f32 v9;
	v9 =	vsel vm2, v18, v51  }
0x212: {  	v0 =	vsel vm7, v0, v43;
	v1 =	vsel vm6, v1, v49;
	[tilespmem:s14+$0x60] =	vst v3;
	v8 =	vsel vm3, v9, v8;
	v9 =	vld [tilespmem:s30+$0xFFFFFFF0]  }
0x213: {  	[tilespmem:s8+$0xFFFFFFE0] =	vst v4;
	v2 =	vsel vm4, v2, v44;
	v1 =	vsel vm7, v1, v41;
	v3 =	vmul.f32 $1.442695020e+00, v6;
	v6, _, _ =	vpop (xrf2);
	v4 =	vld [tilespmem:s30+$0xB0]  }
0x214: {  	v7 =	vmul.f32 v33, v7;
	v6 =	vmul.f32 $1.442695020e+00, v6;
	[tilespmem:s14+$0xFFFFFFF0] =	vst v0;
	v0 =	vnsel vm0, $0x0, v10  }
0x215: {  	[tilespmem:s14+$0x80] =	vst v1;
	v3 =	vbroadcast v3, $0xF;
	v1 =	vmul.f32 v58, v5;
	v0 =	vsel vm1, v0, v12  }
0x216: {  	[tilespmem:s8+$0x70] =	vst v7;
	v7 =	vld [tilespmem:s31+$0xFFFFFFE0];
	v6 =	vbroadcast v6, $0xF;
	v10 =	vmul.f32 v56, v11;
	v0 =	vsel vm2, v0, v27  }
0x217: {  	v11 =	vld [tilespmem:s31+$0xA0];
	(erf) = vpow2.f32 v3;
	[tilespmem:s9+$0x60] =	vst v1;
	v0 =	vsel vm3, v0, v32;
	v3 =	vmul.f32 v43, v9  }
0x218: {  	v2 =	vsel vm5, v2, v47;
	v4 =	vmul.f32 v41, v4;
	[tilespmem:s9+$0xFFFFFFD0] =	vst v10;
	v0 =	vsel vm4, v0, v42  }
0x219: {  	v2 =	vsel vm6, v2, v56;
	(erf) = vpow2.f32 v6;
	v0 =	vsel vm5, v0, v45;
	[tilespmem:s14+$0xFFFFFFE0] =	vst v3;
	v3 =	vld [tilespmem:s13+$0xB0]  }
0x21a: {  	v2 =	vsel vm7, v2, v53;
	v5 =	vld [tilespmem:s13+$0xFFFFFFF0];
	[tilespmem:s14+$0x70] =	vst v4;
	v4 =	vnsel vm0, $0x0, v14;
	v0 =	vsel vm6, v0, v58;
	v1 =	vpop (erf)  }
0x21b: {  	[tilespmem:s9+$0xFFFFFFF0] =	vst v2;
	v4 =	vsel vm1, v4, v28;
	v0 =	vsel vm7, v0, v52;
	v6 =	vmul.f32 v1, v7;
	v7 =	vpop (erf)  }
0x21c: {  	v4 =	vsel vm2, v4, v40;
	[tilespmem:s9+$0x80] =	vst v0;
	v9 =	vmul.f32 v7, v11  }
0x21d: {  	v2 =	vsel vm4, v8, v55;
	v4 =	vsel vm3, v4, v46;
	[tilespmem:s1+$0xFFFFFFD0] =	vst v6  }
0x21e: {  	v2 =	vsel vm5, v2, v59;
	v6 =	vld [tilespmem:s31+$0xFFFFFFF0];
	[tilespmem:s1+$0x60] =	vst v9;
	v0 =	vmul.f32 v52, v3;
	v3 =	vsel vm4, v4, v54  }
0x21f: {  	v5 =	vmul.f32 v53, v5;
	v8 =	vld [tilespmem:s31+$0xB0];
	v3 =	vsel vm5, v3, v57;
	_ =	sdelay $0x1  }
0x220: {  	v1 =	vsel vm6, v2, v1;
	v2 =	vpop (erf);
	[tilespmem:s9+$0xFFFFFFE0] =	vst v5  }
0x221: {  	v1 =	vsel vm7, v1, v2;
	[tilespmem:s9+$0x70] =	vst v0;
	v0 =	vsel vm6, v3, v7;
	v3 =	vpop (erf)  }
0x222: {  	[tilespmem:s1+$0xFFFFFFF0] =	vst v1;
	v1 =	vmul.f32 v2, v6;
	v0 =	vsel vm7, v0, v3  }
0x223: {  	[tilespmem:s1+$0x80] =	vst v0;
	v0 =	vmul.f32 v3, v8  }
0x224: {  	[tilespmem:s1+$0xFFFFFFE0] =	vst v1  }
0x225: {  	[tilespmem:s1+$0x70] =	vst v0  }
0x226: {  	_ =	swait.ge [sflag:s15], $0x28  }
0x227: {  	[sflag:s15] =	ssyncset.done $0x0;
	s9 =	rddreg [dreg:$0x8]  }
0x228: {  	[sflag:s15] =	ssyncadd.s32 $0xFFFFFFD8;
	s0 =	sadd.s32 s25, s9  }
0x229: {  	s8 =	simm.s32 $0x6720;
	s4 =	rddreg [dreg:$0x2];
	s0 =	sshrl.u32 s0, $0x3  }
0x22a: {  	[spmem:s4] =	stream.indirect.scatter.add.f32 [tilespmem:s20], [sflag:$0x9], $0x90, s8, s28, $0xb8;
	[tilespmem:$0x1C700] =	vst v63  }
0x22b: {  	s11 =	simm.s32 $0x6748;
	s10 =	simm.s32 $0x0;
	s0 =	sadd.s32 s6, s0  }
0x22c: {  	[tilespmem:s11], [sflag:$0x8] =	stream.linear.gather [hbm4b:s0+s10], $0x28, $0x38;
	[tilespmem:$0x1C700] =	vst v63  }
0x22d: {  	_ =	swait.ge [sflag:s17], $0x1E00  }
0x22e: {  	[sflag:s17] =	ssyncset.done $0x0  }
0x22f: {  	[sflag:s17] =	ssyncadd.s32 $0xFFFFE200  }
0x230: {  	_ =	swait.ge [sflag:s18], $0xA00  }
0x231: {  	s0 =	rddreg [dreg:$0x9]  }
0x232: {  	s2 =	simm.s32 @!p0 $0x4E200;
	s0 =	sadd.s32 @!p0 s25, s0  }
0x233: {  	s1 =	simm.s32 @!p0 $0x28;
	[sflag:s18] =	ssyncset.done $0x0;
	s0 =	sshrl.u32 @!p0 s0, $0x3  }
0x234: {  	s4 =	simm.s32 @!p0 $0x50;
	[sflag:s18] =	ssyncadd.s32 $0xFFFFF600;
	s0 =	sadd.s32 @!p0 s6, s0  }
0x235: {  	[tilespmem:s4], [sflag:$0x2] =	stream.strided.gather @!p0 [hbm4b:s0+s1], $0x50, s2, s1, $0x38;
	[tilespmem:$0x1C700] =	vst v63  }
0x236: {  	s0 =	simm.s32 @!p0 $0x1  }
0x237: {  	_ =	swait.ge @!p0 [sflag:s0], $0x50  }
0x238: {  	[sflag:s0] =	ssyncset.done @!p0 $0x0  }
0x239: {  	s2 =	simm.s32 @!p0 $0xA0;
	[sflag:s0] =	ssyncadd.s32 @!p0 $0xFFFFFFB0;
	s0 =	simm.s32 @!p0 $0x0  }
0x23a: {  	[tilespmem:s2], [sflag:$0x3] =	stream.indirect.gather @!p0 [hbm4b:s5+s1], $0xC0, s0, s1, $0xb8;
	[tilespmem:$0x1C700] =	vst v63  }
0x23b: {  	s0 =	simm.s32 @!p0 $0x3CA0  }
0x23c: {  	[tilespmem:s0], [sflag:$0x5] =	stream.indirect.gather @!p0 [hbm4b:s3+s1], $0x40, s1, s1, $0xb8;
	[tilespmem:$0x1C700] =	vst v63  }
0x23d: {  	_ =	swait.ge [sflag:s21], $0x1680  }
0x23e: {  	[sflag:s21] =	ssyncset.done $0x0  }
0x23f: {  	s30 =	simm.s32 $0x1F60;
	[sflag:s21] =	ssyncadd.s32 $0xFFFFE980  }
0x240: {  	s12 =	simm.s32 $0x46E0;
	v0 =	vld [tilespmem:s30+$0xFFFFFF40]  }
0x241: {  	v1 =	vld [tilespmem:s12+$0x0]  }
0x242: {  	v2 =	vld [tilespmem:s30+$0x0]  }
0x243: {  	v3 =	vld [tilespmem:s12+$0xFFFFFFC0];
	_ =	sdelay $0x3  }
0x244: {  	v4 =	vunpack.i.u.bf16.f32 v1;
	v5 =	vunpack.i.u.bf16.f32 v2  }
0x245: {  	v6 =	vunpack.i.l.bf16.f32 v0;
	v7 =	vunpack.i.l.bf16.f32 v3;
	v4 =	vmul.f32 v4, v5  }
0x246: {  	v2 =	vunpack.i.l.bf16.f32 v2;
	v1 =	vunpack.i.l.bf16.f32 v1;
	v5 =	vmul.f32 v7, v6  }
0x247: {  	v1 =	vmul.f32 v1, v2;
	(xrf2) =	vadd.scan.msk.f32 $0xffff, v4  }
0x248: {  	(xrf2) =	vadd.scan.msk.f32 $0xffff, v5  }
0x249: {  	(xrf2) =	vadd.scan.msk.f32 $0xffff, v1;
	_ =	sdelay $0x3  }
0x24a: {  	v0 =	vunpack.i.u.bf16.f32 v0;
	v1 =	vunpack.i.u.bf16.f32 v3  }
0x24b: {  	v0 =	vmul.f32 v1, v0;
	_ =	sdelay $0x2  }
0x24c: {  	v2, _, _ =	vpop (xrf2)  }
0x24d: {  	(xrf2) =	vadd.scan.msk.f32 $0xffff, v0;
	v0, _, _ =	vpop (xrf2)  }
0x24e: {  	v1, _, _ =	vpop (xrf2)  }
0x24f: {  	v1 =	vmul.f32 $1.442695020e+00, v1  }
0x250: {  	v0 =	vmul.f32 $1.442695020e+00, v0  }
0x251: {  	v1 =	vbroadcast v1, $0xF  }
0x252: {  	v0 =	vbroadcast v0, $0xF  }
0x253: {  	(erf) = vpow2.f32 v1  }
0x254: {  	(erf) = vpow2.f32 v0;
	_ =	sdelay $0x2  }
0x255: {  	v0, _, _ =	vpop (xrf2)  }
0x256: {  	v0 =	vmul.f32 $1.442695020e+00, v0  }
0x257: {  	v3 =	vld [tilespmem:s30+$0xFFFFFF80]  }
0x258: {  	v0 =	vbroadcast v0, $0xF;
	_ =	sdelay $0x1  }
0x259: {  	(erf) = vpow2.f32 v0;
	v1 =	vpop (erf)  }
0x25a: {  	v11 =	vpop (erf)  }
0x25b: {  	v0 =	vmul.f32 v11, v3  }
0x25c: {  	s25 =	simm.s32 $0x5130  }
0x25d: {  	[tilespmem:s25+$0xFFFFFF70] =	vst v0  }
0x25e: {  	v0 =	vld [tilespmem:s30+$0xFFFFFF90]  }
0x25f: {  	s1 =	simm.s32 $0x4760  }
0x260: {  	v6 =	vld [tilespmem:s1+$0xFFFFFFC0]  }
0x261: {  	s8 =	simm.s32 $0x20E0;
	v4 =	vld [tilespmem:s1+$0x0]  }
0x262: {  	v5 =	vld [tilespmem:s8+$0x0];
	v14 =	vpop (erf)  }
0x263: {  	v0 =	vmul.f32 v14, v0  }
0x264: {  	v3 =	vld [tilespmem:s8+$0xFFFFFF40]  }
0x265: {  	[tilespmem:s25+$0xFFFFFF80] =	vst v0  }
0x266: {  	v12 =	vunpack.i.l.bf16.f32 v6;
	v0 =	vld [tilespmem:s30+$0xFFFFFF50]  }
0x267: {  	v7 =	vunpack.i.u.bf16.f32 v4;
	v8 =	vunpack.i.u.bf16.f32 v5;
	v2 =	vmul.f32 $1.442695020e+00, v2;
	v9 =	vld [tilespmem:s12+$0xFFFFFFD0]  }
0x268: {  	v4 =	vunpack.i.l.bf16.f32 v4;
	v5 =	vunpack.i.l.bf16.f32 v5;
	v7 =	vmul.f32 v7, v8  }
0x269: {  	v4 =	vmul.f32 v4, v5;
	v2 =	vbroadcast v2, $0xF;
	v10 =	vunpack.i.l.bf16.f32 v3  }
0x26a: {  	v5 =	vunpack.i.u.bf16.f32 v6;
	(xrf2) =	vadd.scan.msk.f32 $0xffff, v7;
	v3 =	vunpack.i.u.bf16.f32 v3;
	v8 =	vmul.f32 v12, v10;
	v10 =	vld [tilespmem:s30+$0x40]  }
0x26b: {  	(erf) = vpow2.f32 v2;
	v3 =	vmul.f32 v5, v3  }
0x26c: {  	(xrf2) =	vadd.scan.msk.f32 $0xffff, v8;
	v6 =	vunpack.i.l.bf16.f32 v0;
	v0 =	vunpack.i.u.bf16.f32 v0;
	v7 =	vunpack.i.u.bf16.f32 v9  }
0x26d: {  	(xrf2) =	vadd.scan.msk.f32 $0xffff, v4;
	v5 =	vunpack.i.l.bf16.f32 v9;
	v0 =	vmul.f32 v7, v0  }
0x26e: {  	(xrf2) =	vadd.scan.msk.f32 $0xffff, v3;
	v2 =	vmul.f32 v5, v6  }
0x26f: {  	v3 =	vmul.f32 v1, v10;
	(xrf2) =	vadd.scan.msk.f32 $0xffff, v0  }
0x270: {  	(xrf2) =	vadd.scan.msk.f32 $0xffff, v2  }
0x271: {  	[tilespmem:s25+$0x0] =	vst v3  }
0x272: {  	v0 =	vld [tilespmem:s30+$0x50];
	_ =	sdelay $0x1  }
0x273: {  	v4, _, _ =	vpop (xrf2)  }
0x274: {  	v3 =	vpop (erf)  }
0x275: {  	v2, _, _ =	vpop (xrf2)  }
0x276: {  	s23 =	simm.s32 $0x2260;
	v5, _, _ =	vpop (xrf2);
	v0 =	vmul.f32 v3, v0  }
0x277: {  	s10 =	simm.s32 $0x47E0;
	v9 =	vld [tilespmem:s23+$0x0];
	v5 =	vmul.f32 $1.442695020e+00, v5;
	v6, _, _ =	vpop (xrf2)  }
0x278: {  	v7 =	vld [tilespmem:s10+$0x0];
	v2 =	vmul.f32 $1.442695020e+00, v2;
	[tilespmem:s25+$0x10] =	vst v0;
	v8, _, _ =	vpop (xrf2)  }
0x279: {  	v0 =	vbroadcast v5, $0xF;
	v5 =	vmul.f32 $1.442695020e+00, v6;
	v10 =	vld [tilespmem:s30+$0x10];
	v6, _, _ =	vpop (xrf2)  }
0x27a: {  	v2 =	vbroadcast v2, $0xF;
	v12 =	vld [tilespmem:s12+$0x10];
	v6 =	vmul.f32 $1.442695020e+00, v6  }
0x27b: {  	(erf) = vpow2.f32 v0;
	v0 =	vbroadcast v5, $0xF  }
0x27c: {  	(erf) = vpow2.f32 v2;
	v2 =	vbroadcast v6, $0xF  }
0x27d: {  	(erf) = vpow2.f32 v0  }
0x27e: {  	v0 =	vunpack.i.u.bf16.f32 v7;
	(erf) = vpow2.f32 v2;
	v2 =	vunpack.i.u.bf16.f32 v9  }
0x27f: {  	v5 =	vunpack.i.l.bf16.f32 v12;
	v0 =	vmul.f32 v0, v2;
	v2 =	vunpack.i.l.bf16.f32 v10  }
0x280: {  	v2 =	vmul.f32 v5, v2  }
0x281: {  	v5 =	vld [tilespmem:s8+$0xFFFFFF80]  }
0x282: {  	(xrf2) =	vadd.scan.msk.f32 $0xffff, v0;
	v0 =	vmul.f32 $1.442695020e+00, v8  }
0x283: {  	v6 =	vld [tilespmem:s30+$0xFFFFFFA0]  }
0x284: {  	(xrf2) =	vadd.scan.msk.f32 $0xffff, v2;
	v0 =	vbroadcast v0, $0xF;
	v2 =	vpop (erf)  }
0x285: {  	v16 =	vpop (erf)  }
0x286: {  	v5 =	vmul.f32 v16, v5;
	v15 =	vpop (erf);
	(erf) = vpow2.f32 v0  }
0x287: {  	s13 =	simm.s32 $0x5250;
	v8 =	vunpack.i.u.bf16.f32 v10;
	v0 =	vunpack.i.u.bf16.f32 v12;
	v17 =	vpop (erf)  }
0x288: {  	v0 =	vmul.f32 v0, v8;
	[tilespmem:s13+$0xFFFFFF70] =	vst v5;
	v5 =	vmul.f32 v17, v6;
	_ =	sdelay $0x1  }
0x289: {  	v6 =	vld [tilespmem:s8+$0xFFFFFF90];
	(xrf2) =	vadd.scan.msk.f32 $0xffff, v0;
	[tilespmem:s25+$0xFFFFFF90] =	vst v5  }
0x28a: {  	v0 =	vld [tilespmem:s30+$0xFFFFFFB0]  }
0x28b: {  	v8 =	vld [tilespmem:s23+$0xFFFFFF40]  }
0x28c: {  	v12 =	vld [tilespmem:s10+$0xFFFFFFC0];
	v10, _, _ =	vpop (xrf2)  }
0x28d: {  	v5, _, _ =	vpop (xrf2)  }
0x28e: {  	v6 =	vmul.f32 v15, v6;
	v18 =	vpop (erf)  }
0x28f: {  	v5 =	vmul.f32 $1.442695020e+00, v5;
	v0 =	vmul.f32 v18, v0  }
0x290: {  	[tilespmem:s13+$0xFFFFFF80] =	vst v6;
	v6 =	vunpack.i.l.bf16.f32 v8  }
0x291: {  	v13 =	vunpack.i.l.bf16.f32 v12;
	v5 =	vbroadcast v5, $0xF;
	[tilespmem:s25+$0xFFFFFFA0] =	vst v0  }
0x292: {  	v0 =	vmul.f32 $1.442695020e+00, v4;
	v4 =	vmul.f32 v13, v6;
	v13 =	vld [tilespmem:s30+$0xFFFFFF60]  }
0x293: {  	(erf) = vpow2.f32 v5;
	v6, _, _ =	vpop (xrf2);
	v20 =	vld [tilespmem:s12+$0xFFFFFFE0]  }
0x294: {  	v5 =	vld [tilespmem:s8+$0xFFFFFF50];
	v6 =	vmul.f32 $1.442695020e+00, v6  }
0x295: {  	v7 =	vunpack.i.l.bf16.f32 v7;
	v9 =	vunpack.i.l.bf16.f32 v9;
	v19 =	vld [tilespmem:s1+$0xFFFFFFD0];
	v0 =	vbroadcast v0, $0xF  }
0x296: {  	v7 =	vmul.f32 v7, v9;
	v6 =	vbroadcast v6, $0xF  }
0x297: {  	v9 =	vunpack.i.u.bf16.f32 v12;
	v8 =	vunpack.i.u.bf16.f32 v8;
	(xrf2) =	vadd.scan.msk.f32 $0xffff, v4;
	(erf) = vpow2.f32 v0  }
0x298: {  	v4 =	vld [tilespmem:s30+$0x60];
	(xrf2) =	vadd.scan.msk.f32 $0xffff, v7;
	(erf) = vpow2.f32 v6;
	v6 =	vunpack.i.l.bf16.f32 v13;
	v7 =	vunpack.i.l.bf16.f32 v20  }
0x299: {  	v12 =	vunpack.i.l.bf16.f32 v5;
	v5 =	vunpack.i.u.bf16.f32 v5;
	v6 =	vmul.f32 v7, v6;
	v7 =	vld [tilespmem:s8+$0x40]  }
0x29a: {  	v8 =	vmul.f32 v9, v8;
	v0 =	vunpack.i.u.bf16.f32 v19  }
0x29b: {  	v0 =	vmul.f32 v0, v5  }
0x29c: {  	v9 =	vunpack.i.l.bf16.f32 v19;
	(xrf2) =	vadd.scan.msk.f32 $0xffff, v8;
	v5 =	vpop (erf)  }
0x29d: {  	v8 =	vmul.f32 v9, v12;
	(xrf2) =	vadd.scan.msk.f32 $0xffff, v0;
	v4 =	vmul.f32 v5, v4  }
0x29e: {  	(xrf2) =	vadd.scan.msk.f32 $0xffff, v6;
	v7 =	vmul.f32 v2, v7  }
0x29f: {  	(xrf2) =	vadd.scan.msk.f32 $0xffff, v8;
	[tilespmem:s25+$0x20] =	vst v4  }
0x2a0: {  	v0 =	vld [tilespmem:s30+$0x70]  }
0x2a1: {  	v8, _, _ =	vpop (xrf2)  }
0x2a2: {  	[tilespmem:s13+$0x0] =	vst v7;
	v7, _, _ =	vpop (xrf2)  }
0x2a3: {  	v4 =	vpop (erf);
	v7 =	vmul.f32 $1.442695020e+00, v7  }
0x2a4: {  	v6 =	vpop (erf)  }
0x2a5: {  	v0 =	vmul.f32 v6, v0  }
0x2a6: {  	v9 =	vld [tilespmem:s8+$0x50];
	v12, _, _ =	vpop (xrf2)  }
0x2a7: {  	[tilespmem:s25+$0x30] =	vst v0;
	v0 =	vbroadcast v7, $0xF;
	v7, _, _ =	vpop (xrf2)  }
0x2a8: {  	v8 =	vmul.f32 $1.442695020e+00, v8;
	v19 =	vld [tilespmem:s12+$0x20];
	v21, _, _ =	vpop (xrf2)  }
0x2a9: {  	v22 =	vld [tilespmem:s30+$0x20];
	(erf) = vpow2.f32 v0;
	v0 =	vmul.f32 $1.442695020e+00, v12;
	v12, _, _ =	vpop (xrf2)  }
0x2aa: {  	v8 =	vbroadcast v8, $0xF;
	v12 =	vmul.f32 $1.442695020e+00, v12  }
0x2ab: {  	v13 =	vunpack.i.u.bf16.f32 v13;
	v9 =	vmul.f32 v4, v9;
	v0 =	vbroadcast v0, $0xF  }
0x2ac: {  	s2 =	simm.s32 $0x4860;
	v20 =	vunpack.i.u.bf16.f32 v20;
	(erf) = vpow2.f32 v8;
	v12 =	vbroadcast v12, $0xF  }
0x2ad: {  	s14 =	simm.s32 $0x23E0;
	v23 =	vld [tilespmem:s2+$0x0];
	v8 =	vmul.f32 v20, v13;
	(erf) = vpow2.f32 v0  }
0x2ae: {  	v13 =	vld [tilespmem:s14+$0x0];
	[tilespmem:s13+$0x10] =	vst v9;
	v0 =	vunpack.i.l.bf16.f32 v19;
	v9 =	vunpack.i.l.bf16.f32 v22;
	(erf) = vpow2.f32 v12  }
0x2af: {  	v7 =	vmul.f32 $1.442695020e+00, v7;
	v0 =	vmul.f32 v0, v9;
	v12 =	vld [tilespmem:s1+$0x10]  }
0x2b0: {  	v20 =	vld [tilespmem:s8+$0x10];
	(xrf2) =	vadd.scan.msk.f32 $0xffff, v8  }
0x2b1: {  	v9 =	vld [tilespmem:s23+$0xFFFFFF80];
	(xrf2) =	vadd.scan.msk.f32 $0xffff, v0;
	v0 =	vbroadcast v7, $0xF;
	v7 =	vunpack.i.u.bf16.f32 v19  }
0x2b2: {  	v8 =	vunpack.i.u.bf16.f32 v22  }
0x2b3: {  	v25 =	vld [tilespmem:s8+$0xFFFFFFA0];
	v21 =	vmul.f32 $1.442695020e+00, v21;
	v22 =	vunpack.i.u.bf16.f32 v13  }
0x2b4: {  	v19 =	vunpack.i.u.bf16.f32 v23;
	v24 =	vmul.f32 v7, v8;
	v7 =	vpop (erf);
	v26 =	vunpack.i.l.bf16.f32 v12  }
0x2b5: {  	v19 =	vmul.f32 v19, v22;
	v22 =	vunpack.i.l.bf16.f32 v20;
	v8 =	vpop (erf);
	(erf) = vpow2.f32 v0  }
0x2b6: {  	(xrf2) =	vadd.scan.msk.f32 $0xffff, v24;
	v0 =	vmul.f32 v26, v22;
	v22 =	vmul.f32 v8, v9;
	v9 =	vpop (erf)  }
0x2b7: {  	s31 =	simm.s32 $0x5370;
	(xrf2) =	vadd.scan.msk.f32 $0xffff, v19;
	v26 =	vpop (erf)  }
0x2b8: {  	(xrf2) =	vadd.scan.msk.f32 $0xffff, v0;
	v0 =	vbroadcast v21, $0xF;
	v21 =	vld [tilespmem:s2+$0xFFFFFFC0];
	[tilespmem:s31+$0xFFFFFF70] =	vst v22;
	v22 =	vmul.f32 v26, v25  }
0x2b9: {  	v19 =	vld [tilespmem:s23+$0xFFFFFF90]  }
0x2ba: {  	v24 =	vld [tilespmem:s14+$0xFFFFFF40]  }
0x2bb: {  	v25, _, _ =	vpop (xrf2);
	(erf) = vpow2.f32 v0  }
0x2bc: {  	v20 =	vunpack.i.u.bf16.f32 v20;
	v12 =	vunpack.i.u.bf16.f32 v12;
	[tilespmem:s13+$0xFFFFFF90] =	vst v22;
	v22, _, _ =	vpop (xrf2)  }
0x2bd: {  	v23 =	vunpack.i.l.bf16.f32 v23;
	v12 =	vmul.f32 v12, v20;
	v20 =	vld [tilespmem:s8+$0xFFFFFFB0];
	v22 =	vmul.f32 $1.442695020e+00, v22  }
0x2be: {  	v13 =	vunpack.i.l.bf16.f32 v13;
	v27 =	vunpack.i.l.bf16.f32 v21;
	v28 =	vmul.f32 v9, v19  }
0x2bf: {  	v0 =	vmul.f32 $1.442695020e+00, v25;
	v25 =	vunpack.i.l.bf16.f32 v24;
	v19 =	vpop (erf);
	(xrf2) =	vadd.scan.msk.f32 $0xffff, v12;
	v12 =	vbroadcast v22, $0xF  }
0x2c0: {  	v13 =	vmul.f32 v23, v13;
	v23, _, _ =	vpop (xrf2);
	v22 =	vmul.f32 v27, v25;
	v25 =	vld [tilespmem:s30+$0xFFFFFFC0]  }
0x2c1: {  	v0 =	vbroadcast v0, $0xF;
	[tilespmem:s31+$0xFFFFFF80] =	vst v28;
	v27, _, _ =	vpop (xrf2);
	(erf) = vpow2.f32 v12  }
0x2c2: {  	v23 =	vmul.f32 $1.442695020e+00, v23;
	v29 =	vld [tilespmem:s10+$0xFFFFFFD0];
	v20 =	vmul.f32 v19, v20;
	v28, _, _ =	vpop (xrf2)  }
0x2c3: {  	v12 =	vld [tilespmem:s23+$0xFFFFFF50];
	(xrf2) =	vadd.scan.msk.f32 $0xffff, v22;
	v22 =	vmul.f32 $1.442695020e+00, v28;
	(erf) = vpow2.f32 v0  }
0x2c4: {  	v30 =	vpop (erf);
	(xrf2) =	vadd.scan.msk.f32 $0xffff, v13;
	v0 =	vbroadcast v23, $0xF;
	[tilespmem:s13+$0xFFFFFFA0] =	vst v20;
	v13 =	vld [tilespmem:s30+$0x80]  }
0x2c5: {  	v20 =	vbroadcast v22, $0xF;
	v23 =	vld [tilespmem:s8+$0xFFFFFF60];
	v22 =	vmul.f32 v30, v25  }
0x2c6: {  	(erf) = vpow2.f32 v0;
	v0 =	vunpack.i.u.bf16.f32 v21;
	v21 =	vunpack.i.u.bf16.f32 v24;
	v24 =	vld [tilespmem:s1+$0xFFFFFFE0]  }
0x2c7: {  	v25 =	vmul.f32 $1.442695020e+00, v10;
	(erf) = vpow2.f32 v20;
	[tilespmem:s25+$0xFFFFFFB0] =	vst v22  }
0x2c8: {  	v0 =	vmul.f32 v0, v21;
	v20 =	vunpack.i.u.bf16.f32 v12;
	v22 =	vunpack.i.u.bf16.f32 v29;
	v21 =	vld [tilespmem:s30+$0xFFFFFFD0]  }
0x2c9: {  	v10, _, _ =	vpop (xrf2);
	v20 =	vmul.f32 v22, v20  }
0x2ca: {  	v12 =	vunpack.i.l.bf16.f32 v12;
	(xrf2) =	vadd.scan.msk.f32 $0xffff, v0;
	v0 =	vmul.f32 $1.442695020e+00, v10;
	v22 =	vbroadcast v25, $0xF;
	v10 =	vpop (erf)  }
0x2cb: {  	v25 =	vld [tilespmem:s23+$0x40];
	(xrf2) =	vadd.scan.msk.f32 $0xffff, v20;
	v20 =	vunpack.i.l.bf16.f32 v23;
	v28 =	vunpack.i.l.bf16.f32 v24;
	v13 =	vmul.f32 v10, v13  }
0x2cc: {  	v20 =	vmul.f32 v28, v20;
	v31 =	vpop (erf)  }
0x2cd: {  	v51 =	vld [tilespmem:s8+$0x60];
	v29 =	vunpack.i.l.bf16.f32 v29;
	v0 =	vbroadcast v0, $0xF;
	v52, _, _ =	vpop (xrf2);
	[tilespmem:s25+$0x40] =	vst v13;
	v13 =	vmul.f32 v31, v21  }
0x2ce: {  	(erf) = vpow2.f32 v22;
	(xrf2) =	vadd.scan.msk.f32 $0xffff, v20;
	v21 =	vmul.f32 v29, v12;
	v12, _, _ =	vpop (xrf2);
	v28 =	vld [tilespmem:s30+$0x90]  }
0x2cf: {  	v11 =	vnsel vm0, $0x0, v11;
	v22 =	vmul.f32 $1.442695020e+00, v12;
	[tilespmem:s25+$0xFFFFFFC0] =	vst v13  }
0x2d0: {  	v24 =	vunpack.i.u.bf16.f32 v24;
	v12 =	vpop (erf);
	(erf) = vpow2.f32 v0;
	v0 =	vmul.f32 v7, v25;
	v29 =	vld [tilespmem:s30+$0xFFFFFF70]  }
0x2d1: {  	v20 =	vunpack.i.u.bf16.f32 v23;
	v23 =	vmul.f32 $1.442695020e+00, v52;
	v22 =	vbroadcast v22, $0xF;
	v53 =	vld [tilespmem:s12+$0xFFFFFFF0];
	v13 =	vpop (erf)  }
0x2d2: {  	(xrf2) =	vadd.scan.msk.f32 $0xffff, v21;
	[tilespmem:s31+$0x0] =	vst v0;
	v0 =	vmul.f32 v24, v20;
	v21 =	vmul.f32 v13, v51  }
0x2d3: {  	s4 =	simm.s32 $0x2560;
	v11 =	vsel vm1, v11, v14;
	v20 =	vbroadcast v23, $0xF;
	v14 =	vmul.f32 v12, v28  }
0x2d4: {  	v32 =	vld [tilespmem:s4+$0xFFFFFF40];
	v16 =	vnsel vm0, $0x0, v16;
	v11 =	vsel vm2, v11, v17;
	(erf) = vpow2.f32 v22;
	[tilespmem:s13+$0x20] =	vst v21  }
0x2d5: {  	s11 =	simm.s32 $0x48E0;
	v15 =	vsel vm1, v16, v15;
	v18 =	vsel vm3, v11, v18;
	v17, _, _ =	vpop (xrf2);
	(erf) = vpow2.f32 v20;
	v20 =	vld [tilespmem:s8+$0x70]  }
0x2d6: {  	v55 =	vld [tilespmem:s11+$0x0];
	v11 =	vmul.f32 $1.442695020e+00, v27;
	[tilespmem:s25+$0x50] =	vst v14;
	v22 =	vunpack.i.u.bf16.f32 v29;
	v24 =	vunpack.i.u.bf16.f32 v53;
	v21, _, _ =	vpop (xrf2)  }
0x2d7: {  	(xrf2) =	vadd.scan.msk.f32 $0xffff, v0;
	v27 =	vmul.f32 $1.442695020e+00, v17;
	v28 =	vld [tilespmem:s12+$0x30];
	v24 =	vmul.f32 v24, v22;
	v14 =	vpop (erf)  }
0x2d8: {  	v22 =	vbroadcast v11, $0xF;
	v11 =	vsel vm2, v15, v26;
	v0 =	vmul.f32 $1.442695020e+00, v21;
	v21 =	vld [tilespmem:s30+$0x30];
	v15, _, _ =	vpop (xrf2)  }
0x2d9: {  	v60 =	vld [tilespmem:s11+$0xFFFFFFC0];
	v16 =	vbroadcast v27, $0xF;
	v27 =	vunpack.i.l.bf16.f32 v53;
	v17 =	vpop (erf)  }
0x2da: {  	v54 =	vld [tilespmem:s23+$0x50];
	(xrf2) =	vadd.scan.msk.f32 $0xffff, v24;
	v24 =	vunpack.i.l.bf16.f32 v29;
	v15 =	vmul.f32 $1.442695020e+00, v15;
	v20 =	vmul.f32 v17, v20  }
0x2db: {  	v26 =	vld [tilespmem:s14+$0xFFFFFF80];
	(erf) = vpow2.f32 v16;
	v27 =	vmul.f32 v27, v24  }
0x2dc: {  	v61 =	vunpack.i.l.bf16.f32 v32;
	v25 =	vbroadcast v0, $0xF;
	v0 =	vld [tilespmem:s14+$0x40];
	v24 =	vbroadcast v15, $0xF;
	[tilespmem:s13+$0x30] =	vst v20  }
0x2dd: {  	v56, _, _ =	vpop (xrf2);
	v15 =	vunpack.i.l.bf16.f32 v28;
	v28 =	vunpack.i.u.bf16.f32 v28;
	(xrf2) =	vadd.scan.msk.f32 $0xffff, v27;
	v29 =	vunpack.i.l.bf16.f32 v21;
	v57 =	vld [tilespmem:s1+$0x20]  }
0x2de: {  	v16 =	vpop (erf);
	v21 =	vunpack.i.u.bf16.f32 v21;
	v29 =	vmul.f32 v15, v29;
	v15 =	vmul.f32 $1.442695020e+00, v56;
	v58 =	vld [tilespmem:s8+$0x20]  }
0x2df: {  	v33 =	vunpack.i.u.bf16.f32 v55;
	v18 =	vsel vm4, v18, v30;
	v23 =	vld [tilespmem:s23+$0xFFFFFFA0];
	v21 =	vmul.f32 v28, v21;
	v20 =	vpop (erf)  }
0x2e0: {  	v11 =	vsel vm3, v11, v19;
	v28 =	vld [tilespmem:s4+$0x0];
	v59 =	vmul.f32 v20, v26;
	v27 =	vbroadcast v15, $0xF;
	(xrf2) =	vadd.scan.msk.f32 $0xffff, v29  }
0x2e1: {  	s0 =	simm.s32 $0x5490;
	v19, _, _ =	vpop (xrf2);
	v0 =	vmul.f32 v16, v0;
	v15 =	vsel vm5, v18, v31;
	v18 =	vld [tilespmem:s30+$0xFFFFFFE0];
	v29 =	vmul.f32 v14, v54  }
0x2e2: {  	v34 =	vunpack.i.l.bf16.f32 v55;
	v26 =	vmul.f32 $1.442695020e+00, v19;
	v19 =	vld [tilespmem:s30+$0xA0];
	(erf) = vpow2.f32 v27;
	[tilespmem:s0+$0xFFFFFF70] =	vst v59  }
0x2e3: {  	[tilespmem:s0+$0x0] =	vst v0;
	(xrf2) =	vadd.scan.msk.f32 $0xffff, v21;
	v0 =	vunpack.i.l.bf16.f32 v57;
	v30 =	vunpack.i.l.bf16.f32 v58;
	v27 =	vld [tilespmem:s14+$0xFFFFFF90]  }
0x2e4: {  	v63 =	vunpack.i.l.bf16.f32 v60;
	v39 =	vunpack.i.u.bf16.f32 v60;
	v35 =	vld [tilespmem:s14+$0x50];
	[tilespmem:s31+$0x10] =	vst v29;
	v0 =	vmul.f32 v0, v30  }
0x2e5: {  	v37 =	vmul.f32 v63, v61;
	v31 =	vunpack.i.u.bf16.f32 v57;
	v62 =	vunpack.i.l.bf16.f32 v28;
	v29, _, _ =	vpop (xrf2);
	v30 =	vld [tilespmem:s23+$0x10]  }
0x2e6: {  	s16 =	smov.u32 s3;
	s9 =	simm.s32 $0x5490;
	s12 =	simm.s32 $0x8;
	v21 =	vpop (erf);
	v38 =	vunpack.i.u.bf16.f32 v58;
	v36 =	vmul.f32 v34, v62;
	v34 =	vld [tilespmem:s10+$0x10];
	v29 =	vmul.f32 $1.442695020e+00, v29;
	(xrf2) =	vadd.scan.msk.f32 $0xffff, v0  }
.LBB2_9:
0x2e7: {  	s12 =	sadd.s32 $0x2, s12;
	v0 =	vunpack.i.u.bf16.f32 v28;
	v26 =	vbroadcast v26, $0xF;
	v28 =	vmul.f32 v31, v38;
	v31, _, _ =	vpop (xrf2)  }
0x2e8: {  	p0 =	slt.u32 s12, $0x26;
	v38 =	vmul.f32 v21, v27;
	v31 =	vmul.f32 $1.442695020e+00, v31  }
0x2e9: {  	v0 =	vmul.f32 v33, v0;
	v33 =	vnsel vm0, $0x0, v8;
	v8 =	vmovc v20;
	(erf) = vpow2.f32 v25;
	(xrf2) =	vadd.scan.msk.f32 $0xffff, v28  }
0x2ea: {  	v20 =	vsel vm1, v33, v9;
	[tilespmem:s0+$0xFFFFFF80] =	vst v38;
	v38 =	vunpack.i.l.bf16.f32 v30;
	v25 =	vbroadcast v31, $0xF;
	v27, _, _ =	vpop (xrf2)  }
0x2eb: {  	v28 =	vld [tilespmem:s14+$0xFFFFFF50];
	v40 =	vunpack.i.u.bf16.f32 v34;
	v33 =	vunpack.i.l.bf16.f32 v34;
	v34 =	vpop (erf);
	v27 =	vmul.f32 $1.442695020e+00, v27  }
0x2ec: {  	v9 =	vmovc v21;
	v30 =	vunpack.i.u.bf16.f32 v30;
	(xrf2) =	vadd.scan.msk.f32 $0xffff, v0;
	v0 =	vmul.f32 v34, v23;
	v23 =	vld [tilespmem:s14+$0xFFFFFFA0];
	v33 =	vmul.f32 v33, v38  }
0x2ed: {  	v20 =	vsel vm2, v20, v34;
	v30 =	vmul.f32 v40, v30;
	v21 =	vld [tilespmem:s2+$0xFFFFFFD0];
	v27 =	vbroadcast v27, $0xF;
	v31, _, _ =	vpop (xrf2)  }
0x2ee: {  	[tilespmem:s31+$0xFFFFFF90] =	vst v0;
	v0 =	vnsel vm0, $0x0, v1;
	v31 =	vmul.f32 $1.442695020e+00, v31;
	(erf) = vpow2.f32 v25;
	v1 =	vmovc v2;
	v2 =	vmovc v7  }
0x2ef: {  	v7 =	vbroadcast v29, $0xF;
	v25 =	vld [tilespmem:s23+$0xFFFFFFB0];
	(xrf2) =	vadd.scan.msk.f32 $0xffff, v33;
	v0 =	vsel vm1, v0, v3;
	(erf) = vpow2.f32 v27;
	v3 =	vmovc v4  }
0x2f0: {  	v27 =	vunpack.i.l.bf16.f32 v28;
	v4, _, _ =	vpop (xrf2);
	v0 =	vsel vm2, v0, v5;
	v29 =	vbroadcast v31, $0xF  }
0x2f1: {  	v28 =	vunpack.i.u.bf16.f32 v28;
	v5 =	vmovc v13;
	v33 =	vmul.f32 $1.442695020e+00, v4;
	(erf) = vpow2.f32 v7;
	v4 =	vmovc v14  }
0x2f2: {  	v32 =	vunpack.i.u.bf16.f32 v32;
	v13 =	vunpack.i.u.bf16.f32 v21;
	v14 =	vpop (erf);
	(xrf2) =	vadd.scan.msk.f32 $0xffff, v30;
	(erf) = vpow2.f32 v29  }
0x2f3: {  	v29 =	vmul.f32 v39, v32;
	v20 =	vsel vm3, v20, v14;
	v30 =	vbroadcast v33, $0xF;
	v31, _, _ =	vpop (xrf2)  }
0x2f4: {  	v21 =	vunpack.i.l.bf16.f32 v21;
	v7 =	vmovc v16;
	v13 =	vmul.f32 v13, v28;
	(erf) = vpow2.f32 v24  }
0x2f5: {  	v0 =	vsel vm3, v0, v6;
	v6 =	vmovc v17;
	v16 =	vmul.f32 v21, v27;
	(xrf2) =	vadd.scan.msk.f32 $0xffff, v37  }
0x2f6: {  	v0 =	vsel vm4, v0, v10;
	v14 =	vmul.f32 v14, v25;
	v21 =	vmul.f32 $1.442695020e+00, v31;
	v17, _, _ =	vpop (xrf2)  }
0x2f7: {  	v0 =	vsel vm5, v0, v12;
	v10 =	vmul.f32 $1.442695020e+00, v17;
	v17 =	vld [tilespmem:s8+$0xFFFFFFC0];
	(erf) = vpow2.f32 v30;
	v12 =	vpop (erf)  }
0x2f8: {  	v21 =	vbroadcast v21, $0xF;
	(xrf2) =	vadd.scan.msk.f32 $0xffff, v36;
	[tilespmem:s31+$0xFFFFFFA0] =	vst v14;
	v14 =	vld [tilespmem:s8+$0x80];
	v28 =	vmul.f32 v12, v18;
	v24 =	vpop (erf)  }
0x2f9: {  	v12 =	vsel vm6, v15, v12;
	v25 =	vld [tilespmem:s23+$0xFFFFFF60];
	v27, _, _ =	vpop (xrf2);
	v30 =	vmul.f32 v24, v19;
	v0 =	vsel vm6, v0, v24  }
0x2fa: {  	v19 =	vbroadcast v10, $0xF;
	v24 =	vld [tilespmem:s10+$0xFFFFFFE0];
	v10 =	vmul.f32 $1.442695020e+00, v27;
	[tilespmem:s25+$0xFFFFFFD0] =	vst v28;
	v18 =	vpop (erf)  }
0x2fb: {  	(xrf2) =	vadd.scan.msk.f32 $0xffff, v29;
	(erf) = vpow2.f32 v26;
	v26 =	vld [tilespmem:s30+$0xFFFFFFF0];
	v12 =	vsel vm7, v12, v18;
	[tilespmem:s25+$0x60] =	vst v30;
	v15 =	vpop (erf)  }
0x2fc: {  	v10 =	vbroadcast v10, $0xF;
	v27, _, _ =	vpop (xrf2);
	[tilespmem:s25+$0xFFFFFFF0] =	vst v12;
	v12 =	vld [tilespmem:s30+$0xB0];
	v0 =	vsel vm7, v0, v15;
	s30 =	smov.u32 s8;
	s8 =	smov.u32 s23;
	s23 =	smov.u32 s14  }
0x2fd: {  	s14 =	smov.u32 s4;
	v27 =	vmul.f32 $1.442695020e+00, v27;
	v28 =	vpop (erf);
	[tilespmem:s25+$0x80] =	vst v0  }
0x2fe: {  	(xrf2) =	vadd.scan.msk.f32 $0xffff, v13;
	v0 =	vmul.f32 v28, v17;
	v13 =	vsel vm4, v11, v28;
	(erf) = vpow2.f32 v21;
	v11 =	vmovc v20  }
0x2ff: {  	v20 =	vunpack.i.u.bf16.f32 v25;
	v17, _, _ =	vpop (xrf2);
	v21 =	vunpack.i.u.bf16.f32 v24;
	v27 =	vbroadcast v27, $0xF  }
0x300: {  	v25 =	vunpack.i.l.bf16.f32 v25;
	(erf) = vpow2.f32 v10;
	[tilespmem:s13+$0xFFFFFFB0] =	vst v0;
	v10 =	vpop (erf);
	v0 =	vmul.f32 v18, v26  }
0x301: {  	s0 =	sadd.s32 $0x120, s0;
	v18 =	vunpack.i.l.bf16.f32 v24;
	v24 =	vld [tilespmem:s30+$0xFFFFFFD0];
	v14 =	vmul.f32 v10, v14;
	v12 =	vmul.f32 v15, v12  }
0x302: {  	v20 =	vmul.f32 v21, v20;
	v25 =	vmul.f32 v18, v25;
	v15, _, _ =	vpop (xrf2);
	[tilespmem:s25+$0xFFFFFFE0] =	vst v0  }
0x303: {  	v0 =	vmul.f32 $1.442695020e+00, v15;
	[tilespmem:s13+$0x40] =	vst v14  }
0x304: {  	v14 =	vmul.f32 $1.442695020e+00, v17;
	(xrf2) =	vadd.scan.msk.f32 $0xffff, v25;
	v17 =	vld [tilespmem:s30+$0x90];
	v18 =	vpop (erf);
	[tilespmem:s25+$0x70] =	vst v12;
	s25 =	smov.u32 s13;
	s13 =	smov.u32 s31;
	s31 =	smov.u32 s9  }
0x305: {  	s9 =	smov.u32 s0;
	v0 =	vbroadcast v0, $0xF;
	v21, _, _ =	vpop (xrf2);
	v25 =	vld [tilespmem:s8+$0x60];
	v15 =	vsel vm5, v13, v18  }
0x306: {  	v24 =	vmul.f32 v18, v24  }
0x307: {  	(erf) = vpow2.f32 v22;
	v12 =	vpop (erf);
	v22 =	vmov v19  }
0x308: {  	v18, _, _ =	vpop (xrf2);
	(erf) = vpow2.f32 v27;
	[tilespmem:s25+$0xFFFFFFC0] =	vst v24  }
0x309: {  	v14 =	vbroadcast v14, $0xF;
	v13 =	vpop (erf);
	v19 =	vld [tilespmem:s30+$0xFFFFFF70];
	v17 =	vmul.f32 v12, v17  }
0x30a: {  	v24 =	vmul.f32 $1.442695020e+00, v18;
	(xrf2) =	vadd.scan.msk.f32 $0xffff, v16;
	v16 =	vmul.f32 v13, v25;
	v26 =	vld [tilespmem:s1+$0xFFFFFFF0]  }
0x30b: {  	v18 =	vld [tilespmem:s30+$0xFFFFFFE0];
	[tilespmem:s25+$0x50] =	vst v17  }
0x30c: {  	v25 =	vbroadcast v24, $0xF;
	(erf) = vpow2.f32 v0;
	[tilespmem:s13+$0x20] =	vst v16;
	v0 =	vld [tilespmem:s30+$0x30]  }
0x30d: {  	v16 =	vmul.f32 $1.442695020e+00, v21;
	(erf) = vpow2.f32 v14;
	v21 =	vld [tilespmem:s8+$0x70];
	(xrf2) =	vadd.scan.msk.f32 $0xffff, v20  }
0x30e: {  	v17, _, _ =	vpop (xrf2);
	v20 =	vunpack.i.u.bf16.f32 v19;
	v24 =	vunpack.i.l.bf16.f32 v19;
	v27 =	vld [tilespmem:s1+$0x30];
	s1 =	smov.u32 s10;
	s10 =	smov.u32 s2;
	s2 =	smov.u32 s11  }
0x30f: {  	v16 =	vbroadcast v16, $0xF;
	v28 =	vunpack.i.u.bf16.f32 v26;
	v26 =	vunpack.i.l.bf16.f32 v26;
	v19 =	vld [tilespmem:s30+$0xA0]  }
0x310: {  	v14 =	vpop (erf);
	v20 =	vmul.f32 v28, v20  }
0x311: {  	v28 =	vmul.f32 $1.442695020e+00, v17;
	v26 =	vmul.f32 v26, v24;
	v29 =	vld [tilespmem:s4+$0x40];
	v17 =	vpop (erf);
	v30 =	vunpack.i.l.bf16.f32 v0  }
0x312: {  	s4 =	sadd.s32 $0x180, s4;
	v0 =	vunpack.i.u.bf16.f32 v0;
	v31 =	vld [tilespmem:s14+$0xFFFFFF80];
	(erf) = vpow2.f32 v16;
	v33 =	vmul.f32 v17, v21;
	(xrf2) =	vadd.scan.msk.f32 $0xffff, v20  }
0x313: {  	s11 =	sadd.s32 $0x80, s11;
	v24 =	vbroadcast v28, $0xF;
	v32 =	vld [tilespmem:s4+$0xFFFFFF40];
	v20 =	vunpack.i.u.bf16.f32 v27;
	v21 =	vunpack.i.l.bf16.f32 v27  }
0x314: {  	v34 =	vld [tilespmem:s11+$0x0];
	v27, _, _ =	vpop (xrf2);
	[tilespmem:s13+$0x30] =	vst v33;
	v21 =	vmul.f32 v21, v30;
	v0 =	vmul.f32 v20, v0  }
0x315: {  	v16 =	vpop (erf);
	v30 =	vld [tilespmem:s1+$0x20];
	(xrf2) =	vadd.scan.msk.f32 $0xffff, v26  }
0x316: {  	v26 =	vmul.f32 $1.442695020e+00, v27;
	v20 =	vpop (erf);
	v38 =	vld [tilespmem:s8+$0x20]  }
0x317: {  	v29 =	vmul.f32 v16, v29;
	v28 =	vld [tilespmem:s4+$0x0];
	v27 =	vmul.f32 v20, v31;
	v31, _, _ =	vpop (xrf2)  }
0x318: {  	v33 =	vbroadcast v26, $0xF;
	v37 =	vld [tilespmem:s11+$0xFFFFFFC0];
	v26 =	vmul.f32 $1.442695020e+00, v31;
	(xrf2) =	vadd.scan.msk.f32 $0xffff, v21  }
0x319: {  	v39 =	vmul.f32 v14, v35;
	[tilespmem:s0+$0x0] =	vst v29  }
.Ltmp3:
0x31a: {  	[tilespmem:s0+$0xFFFFFF70] =	vst v27;
	v35 =	vld [tilespmem:s14+$0x50];
	(erf) = vpow2.f32 v33;
	v31 =	vunpack.i.u.bf16.f32 v30;
	v30 =	vunpack.i.l.bf16.f32 v30;
	(pc) =	sbr.rel @p0 .LBB2_9-.Ltmp3, $4  }
0x31b: {  	v40 =	vunpack.i.l.bf16.f32 v32;
	v33 =	vunpack.i.u.bf16.f32 v34;
	v27 =	vld [tilespmem:s14+$0xFFFFFF90];
	v21 =	vpop (erf);
	v36 =	vunpack.i.l.bf16.f32 v38;
	(xrf2) =	vadd.scan.msk.f32 $0xffff, v0  }
0x31c: {  	v34 =	vunpack.i.l.bf16.f32 v34;
	v0 =	vunpack.i.l.bf16.f32 v28;
	[tilespmem:s31+$0x10] =	vst v39;
	v41 =	vmul.f32 v30, v36;
	v29, _, _ =	vpop (xrf2)  }
0x31d: {  	v42 =	vunpack.i.l.bf16.f32 v37;
	v36 =	vmul.f32 v34, v0;
	v30 =	vld [tilespmem:s23+$0x10];
	v29 =	vmul.f32 $1.442695020e+00, v29  }
0x31e: {  	v38 =	vunpack.i.u.bf16.f32 v38;
	v39 =	vunpack.i.u.bf16.f32 v37;
	v37 =	vmul.f32 v42, v40;
	v34 =	vld [tilespmem:s10+$0x10];
	(xrf2) =	vadd.scan.msk.f32 $0xffff, v41  }
0x31f: {  	_ = 	snop  }
0x320: {  	v0, _, _ =	vpop (xrf2)  }
0x321: {  	v28 =	vunpack.i.u.bf16.f32 v28;
	v31 =	vmul.f32 v31, v38;
	v0 =	vmul.f32 $1.442695020e+00, v0  }
0x322: {  	(erf) = vpow2.f32 v25;
	v28 =	vmul.f32 v33, v28  }
0x323: {  	(xrf2) =	vadd.scan.msk.f32 $0xffff, v31;
	v44 =	vunpack.i.l.bf16.f32 v30;
	v46, _, _ =	vpop (xrf2);
	v0 =	vbroadcast v0, $0xF;
	v45 =	vunpack.i.l.bf16.f32 v34  }
0x324: {  	(xrf2) =	vadd.scan.msk.f32 $0xffff, v28;
	v25 =	vmul.f32 $1.442695020e+00, v46;
	v47 =	vmul.f32 v45, v44  }
0x325: {  	(erf) = vpow2.f32 v0;
	v48, _, _ =	vpop (xrf2)  }
0x326: {  	v25 =	vbroadcast v25, $0xF;
	(xrf2) =	vadd.scan.msk.f32 $0xffff, v47;
	v28 =	vmul.f32 $1.442695020e+00, v48  }
0x327: {  	v50 =	vbroadcast v29, $0xF  }
0x328: {  	(erf) = vpow2.f32 v25;
	v52 =	vbroadcast v28, $0xF  }
0x329: {  	v54, _, _ =	vpop (xrf2);
	(erf) = vpow2.f32 v50  }
0x32a: {  	v55 =	vmul.f32 $1.442695020e+00, v54;
	(erf) = vpow2.f32 v52  }
0x32b: {  	v56 =	vpop (erf);
	(erf) = vpow2.f32 v24  }
0x32c: {  	v51 =	vunpack.i.u.bf16.f32 v30;
	v49 =	vunpack.i.u.bf16.f32 v34;
	v57 =	vpop (erf);
	v0 =	vbroadcast v55, $0xF  }
0x32d: {  	v53 =	vmul.f32 v49, v51;
	v58, _, _ =	vpop (xrf2)  }
0x32e: {  	[tilespmem:$0x1FF60] =	vst v56;
	v38, _, _ =	vpop (xrf2);
	v60 =	vmul.f32 $1.442695020e+00, v58;
	(erf) = vpow2.f32 v0  }
0x32f: {  	v59 =	vmul.f32 v56, v23;
	(xrf2) =	vadd.scan.msk.f32 $0xffff, v53;
	[tilespmem:$0x1FF70] =	vst v57;
	v50 =	vpop (erf)  }
0x330: {  	v63 =	vld [tilespmem:s8+$0xFFFFFFC0];
	v33 =	vbroadcast v60, $0xF;
	v61, _, _ =	vpop (xrf2)  }
0x331: {  	v62 =	vbroadcast v26, $0xF;
	[tilespmem:s31+$0xFFFFFF90] =	vst v59;
	v34 =	vpop (erf)  }
0x332: {  	v24 =	vmul.f32 $1.442695020e+00, v61;
	[tilespmem:$0x1FF50] =	vst v34;
	v40 =	vpop (erf)  }
0x333: {  	v41 =	vmul.f32 v21, v27;
	(erf) = vpow2.f32 v62;
	v23 =	vld [tilespmem:s23+$0xFFFFFFB0];
	v43 =	vpop (erf)  }
0x334: {  	[tilespmem:$0x1FF80] =	vst v40;
	v24 =	vbroadcast v24, $0xF;
	(erf) = vpow2.f32 v33;
	v33 =	vpop (erf)  }
0x335: {  	v42 =	vld [tilespmem:s8+$0x80];
	[tilespmem:$0x1FF90] =	vst v43;
	v44 =	vmul.f32 v33, v63  }
0x336: {  	(erf) = vpow2.f32 v24;
	[tilespmem:s0+$0xFFFFFF80] =	vst v41  }
0x337: {  	v45 =	vld [tilespmem:s14+$0xFFFFFF50];
	v48 =	vpop (erf);
	[tilespmem:s13+$0xFFFFFFB0] =	vst v44  }
0x338: {  	v47 =	vld [tilespmem:s2+$0xFFFFFFD0];
	v23 =	vmul.f32 v57, v23;
	[tilespmem:$0x1FFA0] =	vst v48  }
0x339: {  	v46, _, _ =	vpop (xrf2);
	v51 =	vld [tilespmem:s8+$0xFFFFFFD0]  }
0x33a: {  	v49 =	vmul.f32 $1.442695020e+00, v46;
	v27 =	vmul.f32 v48, v42;
	[tilespmem:s31+$0xFFFFFFA0] =	vst v23;
	v52 =	vld [tilespmem:s23+$0x60]  }
0x33b: {  	v53 =	vld [tilespmem:s23+$0xFFFFFF60]  }
0x33c: {  	v0 =	vbroadcast v49, $0xF;
	[tilespmem:s13+$0x40] =	vst v27;
	v54 =	vld [tilespmem:s10+$0xFFFFFFE0]  }
0x33d: {  	v34 =	vpop (erf);
	(erf) = vpow2.f32 v22;
	v27 =	vld [tilespmem:s8+$0x90]  }
0x33e: {  	v55 =	vpop (erf);
	(erf) = vpow2.f32 v0  }
0x33f: {  	v32 =	vunpack.i.u.bf16.f32 v32;
	(xrf2) =	vadd.scan.msk.f32 $0xffff, v37;
	[tilespmem:$0x1FFB0] =	vst v55;
	v56 =	vmul.f32 v34, v51;
	v57 =	vpop (erf)  }
0x340: {  	v24 =	vunpack.i.u.bf16.f32 v45;
	v59 =	vunpack.i.u.bf16.f32 v47;
	[tilespmem:$0x1FFC0] =	vst v57;
	v23 =	vmul.f32 v57, v52  }
0x341: {  	v32 =	vmul.f32 v39, v32;
	(xrf2) =	vadd.scan.msk.f32 $0xffff, v36;
	v0 =	vmul.f32 v59, v24;
	[tilespmem:s13+$0xFFFFFFC0] =	vst v56  }
0x342: {  	v61 =	vunpack.i.l.bf16.f32 v53;
	v62 =	vunpack.i.l.bf16.f32 v54;
	v27 =	vmul.f32 v55, v27;
	v60 =	vld [tilespmem:s8+$0xFFFFFF70];
	[tilespmem:s31+$0x20] =	vst v23  }
0x343: {  	(xrf2) =	vadd.scan.msk.f32 $0xffff, v32;
	v58 =	vunpack.i.l.bf16.f32 v45;
	v26 =	vunpack.i.l.bf16.f32 v47;
	v23 =	vmul.f32 v62, v61;
	v63 =	vld [tilespmem:s23+$0x70]  }
0x344: {  	v25 =	vmul.f32 v26, v58;
	(xrf2) =	vadd.scan.msk.f32 $0xffff, v0;
	v40 =	vld [tilespmem:s1+$0xFFFFFFF0];
	[tilespmem:s13+$0x50] =	vst v27  }
0x345: {  	v41 =	vld [tilespmem:s8+$0x30];
	(xrf2) =	vadd.scan.msk.f32 $0xffff, v23  }
0x346: {  	v42 =	vld [tilespmem:s1+$0x30];
	v43 =	vpop (erf);
	(xrf2) =	vadd.scan.msk.f32 $0xffff, v25  }
0x347: {  	v44 =	vpop (erf)  }
0x348: {  	v45 =	vunpack.i.u.bf16.f32 v53;
	v22 =	vunpack.i.u.bf16.f32 v54;
	[tilespmem:$0x1FFE0] =	vst v43;
	v26 =	vmul.f32 v44, v63  }
0x349: {  	v22 =	vmul.f32 v22, v45;
	[tilespmem:$0x1FFD0] =	vst v44;
	v46 =	vunpack.i.u.bf16.f32 v60;
	v47 =	vunpack.i.u.bf16.f32 v40  }
0x34a: {  	v36 =	vunpack.i.l.bf16.f32 v60;
	v24 =	vunpack.i.l.bf16.f32 v40;
	v25 =	vmul.f32 v47, v46;
	[tilespmem:s31+$0x30] =	vst v26  }
0x34b: {  	v48, _, _ =	vpop (xrf2);
	(xrf2) =	vadd.scan.msk.f32 $0xffff, v22;
	v51 =	vmul.f32 v24, v36;
	v52 =	vunpack.i.l.bf16.f32 v41;
	v53 =	vunpack.i.l.bf16.f32 v42;
	v54 =	vld [tilespmem:s10+$0x20]  }
0x34c: {  	v49, _, _ =	vpop (xrf2);
	(xrf2) =	vadd.scan.msk.f32 $0xffff, v25;
	v24 =	vmul.f32 v53, v52;
	v55 =	vld [tilespmem:s23+$0x20]  }
0x34d: {  	v58, _, _ =	vpop (xrf2);
	v0 =	vunpack.i.u.bf16.f32 v41;
	v23 =	vunpack.i.u.bf16.f32 v42;
	(xrf2) =	vadd.scan.msk.f32 $0xffff, v51  }
0x34e: {  	v56 =	vmul.f32 $1.442695020e+00, v48;
	v59, _, _ =	vpop (xrf2);
	v0 =	vmul.f32 v23, v0;
	(xrf2) =	vadd.scan.msk.f32 $0xffff, v24  }
0x34f: {  	v61 =	vmul.f32 $1.442695020e+00, v58;
	v35 =	vmul.f32 v43, v35;
	v62, _, _ =	vpop (xrf2)  }
0x350: {  	v27 =	vbroadcast v56, $0xF;
	v26 =	vmul.f32 $1.442695020e+00, v49;
	v63, _, _ =	vpop (xrf2);
	(xrf2) =	vadd.scan.msk.f32 $0xffff, v0  }
0x351: {  	[tilespmem:s9+$0x10] =	vst v35;
	v60 =	vmul.f32 $1.442695020e+00, v59;
	v42 =	vunpack.i.l.bf16.f32 v54;
	v43 =	vunpack.i.l.bf16.f32 v55  }
0x352: {  	v47 =	vld [tilespmem:s14+$0x10];
	v57 =	vbroadcast v26, $0xF;
	v45 =	vmul.f32 v42, v43  }
0x353: {  	v46 =	vbroadcast v61, $0xF;
	v49 =	vld [tilespmem:s2+$0x10];
	v23 =	vbroadcast v60, $0xF  }
0x354: {  	(erf) = vpow2.f32 v57;
	v44 =	vmul.f32 $1.442695020e+00, v63;
	(xrf2) =	vadd.scan.msk.f32 $0xffff, v45  }
0x355: {  	(erf) = vpow2.f32 v27;
	v48, _, _ =	vpop (xrf2);
	v52 =	vunpack.i.u.bf16.f32 v54;
	v25 =	vunpack.i.u.bf16.f32 v55  }
0x356: {  	v25 =	vmul.f32 v52, v25;
	v0 =	vbroadcast v44, $0xF;
	v51, _, _ =	vpop (xrf2)  }
0x357: {  	v57 =	vunpack.i.l.bf16.f32 v47;
	v26 =	vmul.f32 $1.442695020e+00, v62;
	(erf) = vpow2.f32 v46;
	v53, _, _ =	vpop (xrf2)  }
0x358: {  	v58 =	vunpack.i.l.bf16.f32 v49;
	(erf) = vpow2.f32 v0;
	v54 =	vmul.f32 $1.442695020e+00, v53;
	v55, _, _ =	vpop (xrf2);
	(xrf2) =	vadd.scan.msk.f32 $0xffff, v25  }
0x359: {  	v0 =	vmul.f32 $1.442695020e+00, v51;
	v25 =	vmul.f32 v58, v57  }
0x35a: {  	v56 =	vmul.f32 $1.442695020e+00, v55;
	v28 =	vbroadcast v54, $0xF;
	v59, _, _ =	vpop (xrf2)  }
0x35b: {  	(erf) = vpow2.f32 v23;
	v35 =	vmul.f32 $1.442695020e+00, v59  }
0x35c: {  	v23 =	vbroadcast v56, $0xF;
	(xrf2) =	vadd.scan.msk.f32 $0xffff, v25;
	(erf) = vpow2.f32 v28  }
0x35d: {  	v60 =	vld [tilespmem:s4+$0xFFFFFF80];
	v61 =	vbroadcast v26, $0xF;
	v0 =	vbroadcast v0, $0xF  }
0x35e: {  	(erf) = vpow2.f32 v23;
	v63 =	vbroadcast v35, $0xF;
	v62, _, _ =	vpop (xrf2)  }
0x35f: {  	v35 =	vpop (erf);
	v25 =	vmul.f32 $1.442695020e+00, v62;
	(erf) = vpow2.f32 v0  }
0x360: {  	v37 =	vpop (erf);
	(erf) = vpow2.f32 v63  }
0x361: {  	v30 =	vld [tilespmem:s14+$0xFFFFFFA0];
	v24 =	vunpack.i.u.bf16.f32 v47;
	v36 =	vpop (erf);
	v29 =	vbroadcast v25, $0xF;
	(erf) = vpow2.f32 v61  }
0x362: {  	v32 =	vunpack.i.u.bf16.f32 v49;
	v40 =	vmul.f32 $1.442695020e+00, v48;
	v31 =	vmul.f32 v37, v60;
	v48, _, _ =	vpop (xrf2)  }
0x363: {  	s12 =	sadd.s32 $0x120, s0;
	v24 =	vmul.f32 v32, v24;
	v41 =	vpop (erf);
	(erf) = vpow2.f32 v29  }
0x364: {  	v42 =	vpop (erf);
	[tilespmem:s12+$0xFFFFFF70] =	vst v31  }
0x365: {  	(xrf2) =	vadd.scan.msk.f32 $0xffff, v24;
	v25 =	vld [tilespmem:s4+$0xFFFFFF90];
	v44 =	vpop (erf)  }
0x366: {  	v49 =	vld [tilespmem:s23+$0xFFFFFFC0];
	v23 =	vmul.f32 v41, v30;
	v51, _, _ =	vpop (xrf2)  }
0x367: {  	v0 =	vbroadcast v40, $0xF;
	v22 =	vmul.f32 $1.442695020e+00, v48;
	v45 =	vpop (erf)  }
0x368: {  	v52 =	vld [tilespmem:s23+$0x80];
	v26 =	vmul.f32 $1.442695020e+00, v51;
	[tilespmem:s9+$0xFFFFFF90] =	vst v23;
	v46 =	vpop (erf)  }
0x369: {  	v22 =	vbroadcast v22, $0xF;
	(erf) = vpow2.f32 v0;
	v54 =	vld [tilespmem:s14+$0xFFFFFFB0];
	v43 =	vpop (erf)  }
0x36a: {  	v26 =	vbroadcast v26, $0xF;
	v53 =	vmul.f32 v36, v25;
	v32 =	vpop (erf)  }
0x36b: {  	(erf) = vpow2.f32 v22;
	v24 =	vmul.f32 v32, v49  }
0x36c: {  	v60 =	vld [tilespmem:s14+$0x60];
	[tilespmem:s12+$0xFFFFFF80] =	vst v53;
	(erf) = vpow2.f32 v26;
	v39 =	vpop (erf)  }
0x36d: {  	v22 =	vld [tilespmem:s4+$0xFFFFFF50];
	[tilespmem:s31+$0xFFFFFFB0] =	vst v24;
	v55 =	vmul.f32 v39, v52  }
0x36e: {  	v25 =	vmul.f32 v42, v54;
	v24 =	vld [tilespmem:s23+$0xFFFFFFD0]  }
0x36f: {  	v56 =	vmul.f32 $1.442695020e+00, v38;
	v57, _, _ =	vpop (xrf2);
	v27 =	vld [tilespmem:s11+$0xFFFFFFD0];
	[tilespmem:s31+$0x40] =	vst v55  }
0x370: {  	v58 =	vmul.f32 $1.442695020e+00, v57;
	[tilespmem:s9+$0xFFFFFFA0] =	vst v25;
	v59 =	vld [tilespmem:s23+$0x90]  }
0x371: {  	v26 =	vbroadcast v56, $0xF;
	v40 =	vld [tilespmem:s14+$0xFFFFFF60]  }
0x372: {  	v23 =	vbroadcast v58, $0xF;
	v48 =	vpop (erf);
	v49 =	vld [tilespmem:s2+$0xFFFFFFE0]  }
0x373: {  	(erf) = vpow2.f32 v26;
	v24 =	vmul.f32 v48, v24  }
0x374: {  	(erf) = vpow2.f32 v23;
	v47 =	vpop (erf)  }
0x375: {  	v23 =	vld [tilespmem:s4+$0x40];
	v38 =	vpop (erf);
	[tilespmem:s31+$0xFFFFFFC0] =	vst v24;
	v61 =	vmul.f32 v47, v59  }
0x376: {  	v63 =	vunpack.i.u.bf16.f32 v22;
	v51 =	vunpack.i.u.bf16.f32 v27;
	v25 =	vmul.f32 v38, v60;
	v62 =	vld [tilespmem:s23+$0xFFFFFF70]  }
0x377: {  	v0 =	vmul.f32 v51, v63;
	v54 =	vunpack.i.l.bf16.f32 v40;
	v55 =	vunpack.i.l.bf16.f32 v49;
	v52 =	vld [tilespmem:s10+$0xFFFFFFF0];
	[tilespmem:s31+$0x50] =	vst v61  }
0x378: {  	v28 =	vmul.f32 v55, v54;
	[tilespmem:s9+$0x20] =	vst v25;
	v56 =	vld [tilespmem:s23+$0x30]  }
0x379: {  	v22 =	vunpack.i.l.bf16.f32 v22;
	v27 =	vunpack.i.l.bf16.f32 v27;
	(xrf2) =	vadd.scan.msk.f32 $0xffff, v0;
	v57 =	vld [tilespmem:s14+$0x70]  }
0x37a: {  	v22 =	vmul.f32 v27, v22;
	v23 =	vmul.f32 v35, v23;
	(xrf2) =	vadd.scan.msk.f32 $0xffff, v28;
	v58 =	vld [tilespmem:s10+$0x30]  }
0x37b: {  	v59 =	vunpack.i.u.bf16.f32 v40;
	v60 =	vunpack.i.u.bf16.f32 v49  }
0x37c: {  	[tilespmem:s12+$0x0] =	vst v23;
	v27 =	vmul.f32 v60, v59;
	v40 =	vpop (erf);
	(xrf2) =	vadd.scan.msk.f32 $0xffff, v22  }
0x37d: {  	v31 =	vld [tilespmem:s4+$0x50];
	v49 =	vpop (erf);
	v61 =	vunpack.i.u.bf16.f32 v62;
	v26 =	vunpack.i.l.bf16.f32 v62;
	v62 =	vunpack.i.u.bf16.f32 v52  }
0x37e: {  	v63 =	vunpack.i.l.bf16.f32 v52;
	v22 =	vmul.f32 v62, v61;
	v0 =	vmul.f32 v49, v57  }
0x37f: {  	(xrf2) =	vadd.scan.msk.f32 $0xffff, v27;
	v23 =	vmul.f32 v63, v26;
	v52 =	vunpack.i.l.bf16.f32 v56;
	v53 =	vunpack.i.l.bf16.f32 v58  }
0x380: {  	(xrf2) =	vadd.scan.msk.f32 $0xffff, v22;
	v54 =	vmul.f32 v53, v52;
	[tilespmem:s9+$0x30] =	vst v0  }
0x381: {  	v55 =	vunpack.i.u.bf16.f32 v56;
	v24 =	vunpack.i.u.bf16.f32 v58;
	(xrf2) =	vadd.scan.msk.f32 $0xffff, v23;
	v26 =	vld [tilespmem:s2+$0x20]  }
0x382: {  	v58 =	vmul.f32 v40, v31;
	v56 =	vmul.f32 v24, v55;
	v25 =	vld [tilespmem:s14+$0x20];
	(xrf2) =	vadd.scan.msk.f32 $0xffff, v54  }
0x383: {  	v57, _, _ =	vpop (xrf2)  }
0x384: {  	[tilespmem:s12+$0x10] =	vst v58;
	v59, _, _ =	vpop (xrf2);
	(xrf2) =	vadd.scan.msk.f32 $0xffff, v56  }
0x385: {  	v51 =	vld [tilespmem:s4+$0x10]  }
0x386: {  	v60 =	vmul.f32 $1.442695020e+00, v57;
	v0 =	vld [tilespmem:s11+$0x10];
	v61, _, _ =	vpop (xrf2)  }
0x387: {  	v23 =	vmul.f32 $1.442695020e+00, v61;
	v62 =	vunpack.i.l.bf16.f32 v26;
	v63 =	vunpack.i.l.bf16.f32 v25  }
0x388: {  	v22 =	vbroadcast v60, $0xF;
	v24 =	vmul.f32 v62, v63  }
0x389: {  	v27 =	vmul.f32 $1.442695020e+00, v59;
	v52, _, _ =	vpop (xrf2);
	v23 =	vbroadcast v23, $0xF  }
0x38a: {  	v26 =	vunpack.i.u.bf16.f32 v26;
	v25 =	vunpack.i.u.bf16.f32 v25;
	v55 =	vunpack.i.l.bf16.f32 v51;
	v53, _, _ =	vpop (xrf2);
	(xrf2) =	vadd.scan.msk.f32 $0xffff, v24  }
0x38b: {  	v56 =	vunpack.i.l.bf16.f32 v0;
	(erf) = vpow2.f32 v23;
	v30 =	vmul.f32 v26, v25;
	v31, _, _ =	vpop (xrf2)  }
0x38c: {  	v58 =	vmul.f32 v56, v55;
	v24 =	vmul.f32 $1.442695020e+00, v31;
	v54, _, _ =	vpop (xrf2)  }
0x38d: {  	(erf) = vpow2.f32 v22;
	(xrf2) =	vadd.scan.msk.f32 $0xffff, v30;
	v22 =	vmul.f32 $1.442695020e+00, v54  }
0x38e: {  	v59 =	vmul.f32 $1.442695020e+00, v53;
	(xrf2) =	vadd.scan.msk.f32 $0xffff, v58;
	v60, _, _ =	vpop (xrf2);
	v57 =	vbroadcast v24, $0xF  }
0x38f: {  	v26 =	vmul.f32 $1.442695020e+00, v60;
	v22 =	vbroadcast v22, $0xF  }
0x390: {  	v62 =	vbroadcast v59, $0xF;
	(erf) = vpow2.f32 v57  }
0x391: {  	v63 =	vbroadcast v26, $0xF;
	(erf) = vpow2.f32 v22  }
0x392: {  	v61 =	vbroadcast v27, $0xF;
	(erf) = vpow2.f32 v62  }
0x393: {  	(erf) = vpow2.f32 v63  }
0x394: {  	v0 =	vunpack.i.u.bf16.f32 v0;
	v28 =	vunpack.i.u.bf16.f32 v51;
	v30, _, _ =	vpop (xrf2);
	(erf) = vpow2.f32 v61  }
0x395: {  	v29 =	vmul.f32 v0, v28;
	v60 =	vpop (erf);
	v31 =	vmul.f32 $1.442695020e+00, v30  }
0x396: {  	v54 =	vmul.f32 $1.442695020e+00, v52;
	v58 =	vpop (erf)  }
0x397: {  	v51 =	vld [tilespmem:s4+$0xFFFFFFA0];
	(xrf2) =	vadd.scan.msk.f32 $0xffff, v29;
	v53, _, _ =	vpop (xrf2);
	v22 =	vbroadcast v31, $0xF  }
0x398: {  	v25 =	vbroadcast v54, $0xF;
	v55 =	vmul.f32 $1.442695020e+00, v53;
	v59, _, _ =	vpop (xrf2)  }
0x399: {  	v56 =	vld [tilespmem:s14+$0xFFFFFFC0];
	v26 =	vmul.f32 $1.442695020e+00, v59;
	(erf) = vpow2.f32 v22;
	v57 =	vpop (erf)  }
0x39a: {  	v22 =	vbroadcast v55, $0xF;
	v61 =	vpop (erf)  }
0x39b: {  	v63 =	vbroadcast v26, $0xF;
	(erf) = vpow2.f32 v25;
	v52 =	vpop (erf)  }
0x39c: {  	v23 =	vmul.f32 v60, v51;
	(erf) = vpow2.f32 v22;
	v51 =	vpop (erf)  }
0x39d: {  	(erf) = vpow2.f32 v63;
	v53 =	vpop (erf)  }
0x39e: {  	v0 =	vld [tilespmem:s14+$0x80];
	[tilespmem:s12+$0xFFFFFF90] =	vst v23;
	v28 =	vmul.f32 v53, v56  }
0x39f: {  	v23 =	vld [tilespmem:s4+$0xFFFFFFB0]  }
0x3a0: {  	[tilespmem:s9+$0xFFFFFFB0] =	vst v28  }
0x3a1: {  	v29, _, _ =	vpop (xrf2);
	v22 =	vld [tilespmem:s14+$0xFFFFFFD0]  }
0x3a2: {  	v31 =	vld [tilespmem:s4+$0x60];
	v24 =	vmul.f32 $1.442695020e+00, v29;
	v54 =	vpop (erf)  }
0x3a3: {  	v30 =	vmul.f32 v54, v0  }
0x3a4: {  	v23 =	vmul.f32 v58, v23;
	v24 =	vbroadcast v24, $0xF;
	v59 =	vpop (erf)  }
0x3a5: {  	v56 =	vpop (erf);
	[tilespmem:s9+$0x40] =	vst v30  }
0x3a6: {  	[tilespmem:s12+$0xFFFFFFA0] =	vst v23;
	(erf) = vpow2.f32 v24;
	v55 =	vpop (erf);
	v25 =	vld [tilespmem:s14+$0x90];
	v22 =	vmul.f32 v59, v22  }
0x3a7: {  	v24 =	vld [tilespmem:s11+$0xFFFFFFE0];
	v62 =	vmul.f32 v55, v31  }
0x3a8: {  	v23 =	vld [tilespmem:s4+$0xFFFFFF60];
	[tilespmem:s9+$0xFFFFFFC0] =	vst v22  }
0x3a9: {  	[tilespmem:s12+$0x20] =	vst v62;
	v26 =	vld [tilespmem:s14+$0xFFFFFF70]  }
0x3aa: {  	v27 =	vld [tilespmem:s4+$0x70]  }
0x3ab: {  	v63 =	vmul.f32 v56, v25;
	v25 =	vld [tilespmem:s2+$0xFFFFFFF0]  }
0x3ac: {  	v62 =	vunpack.i.u.bf16.f32 v24  }
0x3ad: {  	[tilespmem:s9+$0x50] =	vst v63  }
0x3ae: {  	v0 =	vunpack.i.u.bf16.f32 v23;
	v23 =	vunpack.i.l.bf16.f32 v23;
	v24 =	vunpack.i.l.bf16.f32 v24;
	v28 =	vld [tilespmem:s14+$0x30]  }
0x3af: {  	v23 =	vmul.f32 v24, v23;
	v22 =	vmul.f32 v62, v0;
	v62 =	vpop (erf);
	v63 =	vld [tilespmem:s2+$0x30]  }
0x3b0: {  	v24 =	vmul.f32 v62, v27;
	v30 =	vunpack.i.u.bf16.f32 v26;
	v31 =	vunpack.i.u.bf16.f32 v25  }
0x3b1: {  	(xrf2) =	vadd.scan.msk.f32 $0xffff, v23;
	v29 =	vunpack.i.l.bf16.f32 v26;
	v25 =	vunpack.i.l.bf16.f32 v25;
	v0 =	vmul.f32 v31, v30  }
0x3b2: {  	(xrf2) =	vadd.scan.msk.f32 $0xffff, v22;
	[tilespmem:s12+$0x30] =	vst v24;
	v30 =	vmul.f32 v25, v29  }
0x3b3: {  	v24 =	vld [tilespmem:s11+$0x20];
	(xrf2) =	vadd.scan.msk.f32 $0xffff, v0  }
0x3b4: {  	v31 =	vunpack.i.l.bf16.f32 v28;
	v29 =	vunpack.i.l.bf16.f32 v63;
	(xrf2) =	vadd.scan.msk.f32 $0xffff, v30;
	v30 =	vld [tilespmem:s4+$0x20]  }
0x3b5: {  	v0 =	vmul.f32 v29, v31  }
0x3b6: {  	v25 =	vunpack.i.u.bf16.f32 v63;
	v31 =	vunpack.i.u.bf16.f32 v28  }
0x3b7: {  	(xrf2) =	vadd.scan.msk.f32 $0xffff, v0;
	v0 =	vmul.f32 v25, v31;
	_ =	sdelay $0x1  }
0x3b8: {  	v26 =	vunpack.i.l.bf16.f32 v24;
	(xrf2) =	vadd.scan.msk.f32 $0xffff, v0;
	v27 =	vunpack.i.l.bf16.f32 v30  }
0x3b9: {  	v0 =	vmul.f32 v26, v27;
	_ =	sdelay $0x1  }
0x3ba: {  	v23, _, _ =	vpop (xrf2);
	(xrf2) =	vadd.scan.msk.f32 $0xffff, v0;
	_ =	sdelay $0x1  }
0x3bb: {  	v0, _, _ =	vpop (xrf2)  }
0x3bc: {  	v24 =	vunpack.i.u.bf16.f32 v24;
	v22 =	vunpack.i.u.bf16.f32 v30;
	v28, _, _ =	vpop (xrf2)  }
0x3bd: {  	v22 =	vmul.f32 v24, v22;
	v29, _, _ =	vpop (xrf2)  }
0x3be: {  	v25 =	vmul.f32 $1.442695020e+00, v28;
	v26 =	vmul.f32 $1.442695020e+00, v29;
	v30, _, _ =	vpop (xrf2)  }
0x3bf: {  	v28 =	vmul.f32 $1.442695020e+00, v23;
	v24 =	vmul.f32 $1.442695020e+00, v30  }
0x3c0: {  	(xrf2) =	vadd.scan.msk.f32 $0xffff, v22;
	v63, _, _ =	vpop (xrf2);
	v25 =	vbroadcast v25, $0xF;
	v26 =	vbroadcast v26, $0xF  }
0x3c1: {  	v31 =	vbroadcast v24, $0xF;
	v24 =	vmul.f32 $1.442695020e+00, v63  }
0x3c2: {  	v22 =	vbroadcast v28, $0xF;
	(erf) = vpow2.f32 v26  }
0x3c3: {  	(erf) = vpow2.f32 v31;
	v29 =	vbroadcast v24, $0xF;
	v30, _, _ =	vpop (xrf2)  }
0x3c4: {  	(erf) = vpow2.f32 v25;
	v24 =	vmul.f32 $1.442695020e+00, v30  }
0x3c5: {  	(erf) = vpow2.f32 v29  }
0x3c6: {  	(erf) = vpow2.f32 v22;
	v31 =	vbroadcast v24, $0xF;
	_ =	sdelay $0x1  }
0x3c7: {  	(erf) = vpow2.f32 v31;
	_ =	sdelay $0x1  }
0x3c8: {  	v0 =	vmul.f32 $1.442695020e+00, v0;
	v63, _, _ =	vpop (xrf2)  }
0x3c9: {  	v23 =	vld [tilespmem:s4+$0xFFFFFFC0];
	v27 =	vpop (erf)  }
0x3ca: {  	v0 =	vbroadcast v0, $0xF;
	v22 =	vmul.f32 $1.442695020e+00, v63;
	v25 =	vpop (erf)  }
0x3cb: {  	v63 =	vld [tilespmem:s4+$0x80];
	v30 =	vpop (erf)  }
0x3cc: {  	v24 =	vbroadcast v22, $0xF;
	(erf) = vpow2.f32 v0;
	v31 =	vpop (erf)  }
0x3cd: {  	v28 =	vpop (erf)  }
0x3ce: {  	(erf) = vpow2.f32 v24;
	v23 =	vmul.f32 v28, v23  }
0x3cf: {  	v29 =	vpop (erf)  }
0x3d0: {  	[tilespmem:s12+$0xFFFFFFB0] =	vst v23;
	v0 =	vmul.f32 v29, v63  }
0x3d1: {  	v22 =	vld [tilespmem:s4+$0xFFFFFFD0]  }
0x3d2: {  	[tilespmem:s12+$0x40] =	vst v0  }
0x3d3: {  	v23 =	vld [tilespmem:s4+$0x90];
	_ =	sdelay $0x1  }
0x3d4: {  	v26 =	vpop (erf)  }
0x3d5: {  	v22 =	vmul.f32 v26, v22  }
0x3d6: {  	v24 =	vpop (erf)  }
0x3d7: {  	[tilespmem:s12+$0xFFFFFFC0] =	vst v22;
	v23 =	vmul.f32 v24, v23  }
0x3d8: {  	v63 =	vld [tilespmem:s4+$0xFFFFFF70]  }
0x3d9: {  	v0 =	vld [tilespmem:s11+$0xFFFFFFF0];
	[tilespmem:s12+$0x50] =	vst v23  }
0x3da: {  	v23 =	vld [tilespmem:s4+$0x30]  }
0x3db: {  	v22 =	vld [tilespmem:s11+$0x30]  }
0x3dc: {  	v18 =	vmul.f32 v50, v18  }
0x3dd: {  	v1 =	vnsel vm0, $0x0, v1  }
0x3de: {  	v1 =	vsel vm1, v1, v3;
	[tilespmem:s25+$0xFFFFFFD0] =	vst v18;
	v3 =	vunpack.i.u.bf16.f32 v63;
	v18 =	vunpack.i.u.bf16.f32 v0  }
0x3df: {  	v63 =	vunpack.i.l.bf16.f32 v63;
	v0 =	vunpack.i.l.bf16.f32 v0;
	v3 =	vmul.f32 v18, v3  }
0x3e0: {  	v0 =	vmul.f32 v0, v63;
	v18 =	vunpack.i.l.bf16.f32 v23;
	v63 =	vunpack.i.l.bf16.f32 v22  }
0x3e1: {  	(xrf2) =	vadd.scan.msk.f32 $0xffff, v3;
	v3 =	vmul.f32 v63, v18;
	v63 =	vld [tilespmem:$0x1FF50];
	_ =	sdelay $0x3  }
0x3e2: {  	v1 =	vsel vm2, v1, v5  }
0x3e3: {  	v1 =	vsel vm3, v1, v6;
	v5 =	vld [tilespmem:s8+$0xFFFFFFE0];
	v18 =	vmul.f32 v63, v19  }
0x3e4: {  	v1 =	vsel vm4, v1, v10;
	v10 =	vld [tilespmem:$0x1FF60]  }
0x3e5: {  	v19 =	vld [tilespmem:s8+$0xA0];
	[tilespmem:s25+$0x60] =	vst v18  }
0x3e6: {  	v1 =	vsel vm5, v1, v12;
	v12 =	vld [tilespmem:$0x1FF70];
	_ =	sdelay $0x1  }
0x3e7: {  	v8 =	vnsel vm0, $0x0, v8  }
0x3e8: {  	v8 =	vsel vm1, v8, v9  }
0x3e9: {  	v5 =	vmul.f32 v44, v5;
	(xrf2) =	vadd.scan.msk.f32 $0xffff, v0;
	v0 =	vsel vm2, v8, v10  }
0x3ea: {  	v0 =	vsel vm3, v0, v12;
	v12 =	vmul.f32 v45, v19  }
0x3eb: {  	v1 =	vsel vm6, v1, v63;
	v63 =	vld [tilespmem:$0x1FF80];
	[tilespmem:s13+$0xFFFFFFD0] =	vst v5  }
0x3ec: {  	v8 =	vld [tilespmem:s30+$0xB0];
	[tilespmem:s13+$0x60] =	vst v12  }
0x3ed: {  	v10 =	vld [tilespmem:$0x1FF90];
	_ =	sdelay $0x2  }
0x3ee: {  	v18 =	vsel vm6, v15, v50;
	v50 =	vsel vm4, v11, v33  }
0x3ef: {  	v6 =	vld [tilespmem:s30+$0xFFFFFFF0];
	(xrf2) =	vadd.scan.msk.f32 $0xffff, v3;
	v3 =	vsel vm7, v18, v63;
	v18 =	vunpack.i.u.bf16.f32 v22;
	v22 =	vnsel vm0, $0x0, v20  }
0x3f0: {  	v33 =	vld [tilespmem:$0x1FFA0];
	v1 =	vsel vm7, v1, v10;
	v8 =	vmul.f32 v10, v8;
	v10 =	vsel vm1, v22, v21  }
0x3f1: {  	v2 =	vnsel vm0, $0x0, v2;
	v9 =	vsel vm5, v50, v34;
	v34 =	vsel vm2, v10, v41;
	v41 =	vld [tilespmem:$0x1FFB0]  }
0x3f2: {  	v2 =	vsel vm1, v2, v4  }
0x3f3: {  	v2 =	vsel vm2, v2, v13;
	v19 =	vld [tilespmem:s8+$0xFFFFFFF0]  }
0x3f4: {  	v2 =	vsel vm3, v2, v17;
	v15 =	vunpack.i.u.bf16.f32 v23;
	v6 =	vmul.f32 v63, v6;
	[tilespmem:s25+$0xFFFFFFF0] =	vst v3  }
0x3f5: {  	v9 =	vsel vm6, v9, v44;
	v4 =	vmul.f32 v18, v15;
	v23 =	vld [tilespmem:s8+$0xB0];
	v2 =	vsel vm4, v2, v33;
	[tilespmem:s25+$0x80] =	vst v1  }
0x3f6: {  	v9 =	vsel vm7, v9, v46;
	[tilespmem:s25+$0xFFFFFFE0] =	vst v6;
	v2 =	vsel vm5, v2, v41  }
0x3f7: {  	v50, _, _ =	vpop (xrf2);
	v63 =	vld [tilespmem:s23+$0xFFFFFFE0];
	(xrf2) =	vadd.scan.msk.f32 $0xffff, v4;
	[tilespmem:s13+$0xFFFFFFF0] =	vst v9;
	v2 =	vsel vm6, v2, v45  }
0x3f8: {  	v17, _, _ =	vpop (xrf2);
	v18 =	vmul.f32 v46, v19;
	v19 =	vld [tilespmem:s23+$0xA0];
	[tilespmem:s25+$0x70] =	vst v8;
	v21 =	vsel vm7, v2, v43  }
0x3f9: {  	v13 =	vmul.f32 $1.442695020e+00, v17;
	v20, _, _ =	vpop (xrf2);
	v9 =	vld [tilespmem:$0x1FFC0];
	[tilespmem:s13+$0x80] =	vst v21  }
0x3fa: {  	v22 =	vmul.f32 v43, v23;
	v23 =	vmul.f32 $1.442695020e+00, v20;
	v1 =	vld [tilespmem:$0x1FFD0]  }
0x3fb: {  	v7 =	vnsel vm0, $0x0, v7;
	v0 =	vsel vm4, v0, v32;
	v13 =	vbroadcast v13, $0xF  }
0x3fc: {  	v7 =	vsel vm1, v7, v14;
	v0 =	vsel vm5, v0, v48;
	v33 =	vbroadcast v23, $0xF  }
0x3fd: {  	(erf) = vpow2.f32 v13;
	v4 =	vsel vm3, v34, v42;
	v34 =	vmul.f32 v57, v63  }
0x3fe: {  	v5 =	vmul.f32 v61, v19;
	(erf) = vpow2.f32 v33;
	v7 =	vsel vm2, v7, v9  }
0x3ff: {  	v32 =	vnsel vm0, $0x0, v37;
	v37 =	vld [tilespmem:s14+$0xA0];
	v0 =	vsel vm6, v0, v57;
	[tilespmem:s31+$0xFFFFFFD0] =	vst v34;
	v1 =	vsel vm3, v7, v1  }
0x400: {  	v6 =	vsel vm1, v32, v36;
	v36 =	vld [tilespmem:s14+$0xFFFFFFE0];
	[tilespmem:s31+$0x60] =	vst v5;
	v1 =	vsel vm4, v1, v39;
	v39 =	vmul.f32 $1.442695020e+00, v50  }
0x401: {  	v0 =	vsel vm7, v0, v52;
	v41, _, _ =	vpop (xrf2);
	v45 =	vld [tilespmem:s4+$0xA0];
	[tilespmem:s13+$0xFFFFFFE0] =	vst v18;
	v1 =	vsel vm5, v1, v47  }
0x402: {  	v10 =	vmul.f32 $1.442695020e+00, v41;
	[tilespmem:s13+$0x70] =	vst v22;
	v42 =	vld [tilespmem:s23+$0xB0];
	v1 =	vsel vm6, v1, v61;
	v5 =	vbroadcast v39, $0xF  }
0x403: {  	v9 =	vld [tilespmem:s23+$0xFFFFFFF0];
	[tilespmem:s31+$0xFFFFFFF0] =	vst v0;
	v1 =	vsel vm7, v1, v51  }
0x404: {  	v43 =	vld [tilespmem:s4+$0xFFFFFFE0];
	v10 =	vbroadcast v10, $0xF;
	[tilespmem:s31+$0x80] =	vst v1;
	(erf) = vpow2.f32 v5  }
0x405: {  	v46 =	vmul.f32 v25, v37;
	v1 =	vld [tilespmem:$0x1FFE0]  }
0x406: {  	v44 =	vnsel vm0, $0x0, v16;
	v48 =	vpop (erf);
	v7 =	vmul.f32 v27, v36;
	(erf) = vpow2.f32 v10  }
0x407: {  	v6 =	vsel vm2, v6, v60;
	v4 =	vsel vm4, v4, v53;
	v3 =	vmul.f32 v51, v42;
	v50 =	vpop (erf)  }
0x408: {  	v4 =	vsel vm5, v4, v59;
	v47 =	vmul.f32 v52, v9;
	v52 =	vmul.f32 v50, v45;
	[tilespmem:s9+$0xFFFFFFD0] =	vst v7  }
0x409: {  	v6 =	vsel vm3, v6, v58;
	v4 =	vsel vm6, v4, v27;
	v51 =	vnsel vm0, $0x0, v35;
	[tilespmem:s31+$0x70] =	vst v3;
	v7 =	vld [tilespmem:s14+$0xFFFFFFF0]  }
0x40a: {  	v2 =	vmul.f32 v48, v43;
	v3 =	vsel vm1, v51, v40;
	[tilespmem:s12+$0x60] =	vst v52;
	v0 =	vsel vm1, v44, v1  }
0x40b: {  	[tilespmem:s9+$0x60] =	vst v46;
	v3 =	vsel vm2, v3, v55;
	v55 =	vsel vm4, v6, v28;
	v57 =	vld [tilespmem:s4+$0xB0];
	v0 =	vsel vm2, v0, v38  }
0x40c: {  	v53 =	vsel vm7, v4, v30;
	[tilespmem:s12+$0xFFFFFFD0] =	vst v2;
	v2 =	vsel vm5, v55, v26;
	v0 =	vsel vm3, v0, v49  }
0x40d: {  	[tilespmem:s31+$0xFFFFFFE0] =	vst v47;
	v3 =	vsel vm3, v3, v62;
	v1 =	vsel vm6, v2, v48;
	v49 =	vld [tilespmem:s14+$0xB0];
	v0 =	vsel vm4, v0, v54;
	v59 =	vpop (erf)  }
0x40e: {  	[tilespmem:s9+$0xFFFFFFF0] =	vst v53;
	v54 =	vld [tilespmem:s4+$0xFFFFFFF0];
	v0 =	vsel vm5, v0, v56;
	v56 =	vmul.f32 v30, v7;
	v1 =	vsel vm7, v1, v59  }
0x40f: {  	v3 =	vsel vm4, v3, v29;
	v61 =	vpop (erf);
	v0 =	vsel vm6, v0, v25;
	[tilespmem:s12+$0xFFFFFFF0] =	vst v1  }
0x410: {  	v3 =	vsel vm5, v3, v24;
	v63 =	vmul.f32 v61, v57;
	v0 =	vsel vm7, v0, v31;
	[tilespmem:s9+$0xFFFFFFE0] =	vst v56  }
0x411: {  	v60 =	vsel vm6, v3, v50;
	[tilespmem:s9+$0x80] =	vst v0  }
0x412: {  	v58 =	vmul.f32 v31, v49;
	v0 =	vsel vm7, v60, v61;
	[tilespmem:s12+$0x70] =	vst v63  }
0x413: {  	v62 =	vmul.f32 v59, v54;
	[tilespmem:s12+$0x80] =	vst v0  }
0x414: {  	s24 =	sadd.s32 $0x1, s24;
	[tilespmem:s9+$0x70] =	vst v58  }
0x415: {  	p0 =	sne.s32 s24, $0x7D;
	[tilespmem:s12+$0xFFFFFFE0] =	vst v62  }
.Ltmp4:
0x416: {  	_ =	swait.ge [sflag:s22], $0x28;
	(pc) =	sbr.rel @p0 .LBB2_6-.Ltmp4, $4  }
0x417: {  	[sflag:s22] =	ssyncset.done $0x0  }
0x418: {  	[sflag:s22] =	ssyncadd.s32 $0xFFFFFFD8  }
0x419: {  	s31 =	simm.s32 $0x6748;
	s30 =	rddreg [dreg:$0x2]  }
0x41a: {  	[spmem:s30] =	stream.indirect.scatter.add.f32 [tilespmem:s20], [sflag:$0x9], $0x90, s31, s28, $0xb8;
	[tilespmem:$0x1C700] =	vst v63  }
0x41b: {  	_ =	swait.ge [sflag:s21], $0x1680  }
0x41c: {  	[sflag:s21] =	ssyncset.done $0x0  }
0x41d: {  	[sflag:s21] =	ssyncadd.s32 $0xFFFFE980  }
0x41e: {  	s0 =	stileid.u32;
	[bflag:$0x0] =	sbarrier.arrive $0xFFFF  }
0x41f: {  	s0 =	sshll.u32 s0, $0x6;
	s1 =	rddreg [dreg:$0xa]  }
0x420: {  	s0 =	sor.u32 $0x1C0A, s0;
	s2 =	rddreg [dreg:$0x10]  }
0x421: {  	[hbm:s1], [sflag:s0] =	dma.local [spmem:s2], $0x8CA  }
0x422: {  	_ =	swait.ge [sflag:s26], $0x8CA  }
0x423: {  	[sflag:s26] =	ssyncset.done $0x0;
	s10 =	rddreg [dreg:$0xc]  }
0x424: {  	s11 =	rddreg [dreg:$0x11];
	[sflag:s26] =	ssyncadd.s32 $0xFFFFF736  }
0x425: {  	[hbm:s10], [sflag:s0] =	dma.local [spmem:s11], $0x8CA  }
0x426: {  	_ =	swait.ge [sflag:s26], $0x8CA  }
0x427: {  	[sflag:s26] =	ssyncset.done $0x0;
	s12 =	rddreg [dreg:$0xd]  }
0x428: {  	s13 =	rddreg [dreg:$0x12];
	[sflag:s26] =	ssyncadd.s32 $0xFFFFF736  }
0x429: {  	[hbm:s12], [sflag:s0] =	dma.local [spmem:s13], $0x8CA  }
0x42a: {  	_ =	swait.ge [sflag:s26], $0x8CA  }
0x42b: {  	[sflag:s26] =	ssyncset.done $0x0;
	s14 =	rddreg [dreg:$0xe]  }
0x42c: {  	s23 =	rddreg [dreg:$0x13];
	[sflag:s26] =	ssyncadd.s32 $0xFFFFF736  }
0x42d: {  	[hbm:s14], [sflag:s0] =	dma.local [spmem:s23], $0x8CA  }
0x42e: {  	_ =	swait.ge [sflag:s26], $0x8CA  }
0x42f: {  	[sflag:s26] =	ssyncset.done $0x0;
	s24 =	rddreg [dreg:$0xf]  }
0x430: {  	s25 =	rddreg [dreg:$0x14];
	[sflag:s26] =	ssyncadd.s32 $0xFFFFF736  }
0x431: {  	[hbm:s24], [sflag:s0] =	dma.local [spmem:s25], $0x8CA  }
0x432: {  	_ =	swait.ge [sflag:s26], $0x8CA  }
0x433: {  	s30 =	rddreg [dreg:$0x15]  }
0x434: {  	s31 =	rddreg [dreg:$0xb];
	s1 =	sadd.s32 $0x1, s30  }
0x435: {  	p0 =	sne.s32 s1, s31  }
.Ltmp5:
0x436: {  	_ = 	snop;
	(pc) =	sbr.rel @p0 .LBB2_1-.Ltmp5, $3  }
0x437: {  	_ =	sdelay $0x1  }
0x438: {  	[sflag:s26] =	ssyncset.done $0x0  }
0x439: {  	v0 =	vimm.f32 $0.0e+00;
	[sflag:s26] =	ssyncadd.s32 $0xFFFFF736  }
0x43a: {  	_ =	sfence.sel $0x180000  }
0x43b: {  	[bflag:$0x0] =	sbarrier.arrive $0xFFFF  }
0x43c: {  	_ =	strace $0x90000047  }
0x43d: {  	s0 =	stileid.u32;
	[bflag:$0x2] =	sbarrier.arrive $0xFFFF  }
0x43e: {  	p0 =	sne.s32 s0, $0x0;
	s0 =	rddreg [dreg:$0x3]  }
0x43f: {  	s0 =	sadd.s32 @!p0 $0x100000, s0  }
0x440: {  	[sflag:s0] =	ssyncadd.tile.s32 @!p0 $0x1;
	_ =	shalt  }
.Lfunc_end2:
_tile_overlayer_lowered:
.L_overlay_start_2:
0x441: {  	(tag) =	ssettag $0x2  }
0x442: {  	s0 =	rddreg [dreg:$0x0];
	s2 =	stileid.u32  }
0x443: {  	s1 =	rddreg [dreg:$0x1];
	p0 =	sne.s32 s2, $0x0  }
0x444: {  	s3 =	rddreg [dreg:$0x2];
	[bflag:$0x3] =	sbarrier.arrive $0xFFFF;
	s2 =	simm.s32 @!p0 $0x1C0A  }
0x445: {  	[timem:s3], [sflag:s2] =	dma.local @!p0 [hbm:s0], s1  }
0x446: {  	s0 =	simm.s32 @!p0 $0xA  }
0x447: {  	_ =	swait.ge @!p0 [sflag:s0], s1  }
0x448: {  	s1 =	ssub.s32 @!p0 $0x0, s1;
	[sflag:s0] =	ssyncset.done @!p0 $0x0  }
0x449: {  	[sflag:s0] =	ssyncadd.s32 @!p0 s1  }
0x44a: {  	[bflag:$0x3] =	sbarrier.arrive $0xFFFF  }
0x44b: {  	_ =	shalt  }

</sc_bundles>
